<compile_context>
chip_gen: v7x
topology: tpu7x:2x2x1
jax: 0.10.2.dev20260603
libtpu: 0.0.44.dev20260713+nightly
codegen_flags: <defaults>
</compile_context>

<pallas_src>
import functools
import numpy as np
import jax
import jax.numpy as jnp
from jax import lax
from jax.experimental import pallas as pl
from jax.experimental.pallas import tpu as pltpu
from jax.experimental.pallas import tpu_sc as plsc

RES = 8
NOISE_STD = 0.1
NUM_STROKES = 12
NUM_VARIANTS = RES * RES
NUM_COLS = NUM_STROKES * NUM_VARIANTS
NUM_LATENTS = NUM_STROKES * NUM_STROKES


def _build_images_np():
    rotations = [(0, 1), (1, 0), (1, 1), (1, -1)]
    lengths = list(range(2, RES // 2 + 1))
    stroke_types = [(l, r) for l in lengths for r in rotations]
    images_per_stroke = []
    for length, (right, up) in stroke_types:
        i_off = np.arange(length) * right
        j_off = np.arange(length) * up
        variants = []
        for i in range(RES):
            for j in range(RES):
                i_s = i + i_off
                j_s = j + j_off
                ok = (i_s >= 0) & (i_s < RES) & (j_s >= 0) & (j_s < RES)
                adapted_len = int(ok.sum())
                img = np.zeros((RES, RES), dtype=np.float32)
                img[i_s[:adapted_len], j_s[:adapted_len]] = 1.0
                variants.append(img)
        images_per_stroke.append(np.stack(variants))
    return np.stack(images_per_stroke)


_IMG = _build_images_np()
_WT = _IMG.reshape(NUM_COLS, RES * RES)
_ISQ = _WT.sum(axis=1)

_LOG2E = np.float64(1.0 / np.log(2.0))
_SCALE = np.float64(1.0 / (2.0 * NOISE_STD * NOISE_STD))
_CONST = np.float64(
    RES * RES * (-np.log(NOISE_STD) - 0.5 * np.log(2.0 * np.pi))
    - np.log(NUM_VARIANTS)
)

_KDIM = 2 * RES * RES + 8
_M = np.zeros((NUM_COLS + 8, _KDIM), dtype=np.float32)
_M[:NUM_COLS, : RES * RES] = _WT * np.float32(2.0 * _SCALE * _LOG2E)
_M[:NUM_COLS, 2 * RES * RES] = -(_ISQ * _SCALE * _LOG2E).astype(np.float32)
_M[NUM_COLS, RES * RES : 2 * RES * RES] = np.float32(_SCALE * _LOG2E)

_LN2 = np.float32(np.log(2.0))
_CONST_B2 = np.float32(_CONST * _LOG2E)

B_BLK = 4096

_KIDX = np.arange(NUM_LATENTS)
_TAB1 = (_KIDX // NUM_STROKES).astype(np.int32).reshape(9, 16)
_TAB2 = (_KIDX % NUM_STROKES).astype(np.int32).reshape(9, 16)


def _ll12_kernel(x_ref, m_ref, out_ref):
    xf = x_ref[...]
    ones8 = jnp.ones((xf.shape[0], 8), jnp.float32)
    a = jnp.concatenate([xf, xf * xf, ones8], axis=1)
    t = lax.dot_general(
        m_ref[...], a, (((1,), (1,)), ((), ())), preferred_element_type=jnp.float32
    )
    xsqh = t[NUM_COLS : NUM_COLS + 1]
    z3 = t[:NUM_COLS].reshape(NUM_STROKES, NUM_VARIANTS, t.shape[1])
    m = jnp.max(z3, axis=1)
    e3 = jnp.exp2(z3 - m[:, None, :])
    s = jnp.sum(e3, axis=1)
    ll12t = (m + jnp.log2(s) + (_CONST_B2 - xsqh)) * _LN2
    pad = jnp.zeros((4, ll12t.shape[1]), jnp.float32)
    out_ref[...] = jnp.concatenate([ll12t, pad], axis=0).T


def _sc_expand(ll_hbm, y_hbm, t1_hbm, t2_hbm, out_hbm, ll_v, y_s, out_v, t1_v, t2_v):
    info = plsc.get_sparse_core_info()
    nc = info.num_cores
    wid = lax.axis_index("s") * nc + lax.axis_index("c")
    nw = nc * info.num_subcores
    rpw = ll_hbm.shape[0] // (16 * nw)
    base = wid * rpw
    pltpu.sync_copy(ll_hbm.at[pl.ds(base * 16, rpw * 16)], ll_v)
    pltpu.sync_copy(y_hbm.at[pl.ds(base, rpw)], y_s)
    pltpu.sync_copy(t1_hbm, t1_v)
    pltpu.sync_copy(t2_hbm, t2_v)
    t1 = [t1_v[c] for c in range(9)]
    td = [t2_v[c] - t1_v[c] for c in range(9)]

    def _vgather(vec, idx):
        return lax.gather(
            vec, idx[:, None],
            lax.GatherDimensionNumbers(
                offset_dims=(), collapsed_slice_dims=(0,),
                start_index_map=(0,)),
            slice_sizes=(1,),
            mode=lax.GatherScatterMode.PROMISE_IN_BOUNDS)

    lane = [jnp.full((16,), j, jnp.int32) for j in range(16)]

    def body(g, carry):
        yvec = y_s[pl.ds(g * 16, 16)]
        for j in range(16):
            r = g * 16 + j
            llrow = ll_v[pl.ds(r * 16, 16)]
            yb = _vgather(yvec, lane[j])
            for c in range(9):
                idx = t1[c] + yb * td[c]
                out_v[pl.ds(r * NUM_LATENTS + c * 16, 16)] = _vgather(llrow, idx)
        return carry

    lax.fori_loop(0, rpw // 16, body, 0)
    pltpu.sync_copy(out_v, out_hbm.at[pl.ds(base * NUM_LATENTS, rpw * NUM_LATENTS)])


def kernel(x, y):
    B = x.shape[0]
    xf = x.reshape(B, RES * RES)
    mm = jnp.asarray(_M)
    ll12 = pl.pallas_call(
        _ll12_kernel,
        grid=(B // B_BLK,),
        in_specs=[
            pl.BlockSpec((B_BLK, RES * RES), lambda i: (i, 0)),
            pl.BlockSpec(_M.shape, lambda i: (0, 0)),
        ],
        out_specs=pl.BlockSpec((B_BLK, 16), lambda i: (i, 0)),
        out_shape=jax.ShapeDtypeStruct((B, 16), jnp.float32),
    )(xf, mm)

    rpw = B // 32
    mesh = plsc.VectorSubcoreMesh(core_axis_name="c", subcore_axis_name="s")
    expand = functools.partial(
        pl.kernel,
        mesh=mesh,
        out_type=jax.ShapeDtypeStruct((B * NUM_LATENTS,), jnp.float32),
        scratch_types=[
            pltpu.VMEM((rpw * 16,), jnp.float32),
            pltpu.VMEM((rpw,), jnp.int32),
            pltpu.VMEM((rpw * NUM_LATENTS,), jnp.float32),
            pltpu.VMEM((9, 16), jnp.int32),
            pltpu.VMEM((9, 16), jnp.int32),
        ],
    )(_sc_expand)
    out_flat = expand(
        ll12.reshape(B * 16),
        y.astype(jnp.int32),
        jnp.asarray(_TAB1),
        jnp.asarray(_TAB2),
    )
    return out_flat.reshape(B, NUM_LATENTS)

# --- scband reference (transcript-rebuilt; emitter-appended) ---
"""Pipeline reference for scband-stroke-21174188769325 (READ-ONLY COPY).

The authoritative reference and input builder live on the scoring server;
editing this copy changes nothing except your own understanding.
"""

import jax, jax.numpy as jnp
import numpy as np

RES = 8
NOISE_STD = 0.1


def _build_images():
    # Faithful replication of Stroke.__init__ image construction (no_cut_off=False)
    rotations = [(0, 1), (1, 0), (1, 1), (1, -1)]
    lengths = list(range(2, RES // 2 + 1))  # [2, 3, 4]
    stroke_types = [(l, r) for l in lengths for r in rotations]  # 12 types
    images_per_stroke = []
    for length, (right, up) in stroke_types:
        i_off = np.arange(length) * right
        j_off = np.arange(length) * up
        variants = []
        for i in range(RES):
            for j in range(RES):
                i_s = i + i_off
                j_s = j + j_off
                ok = (i_s >= 0) & (i_s < RES) & (j_s >= 0) & (j_s < RES)
                adapted_len = int(ok.sum())
                img = np.zeros((RES, RES), dtype=np.float32)
                img[i_s[:adapted_len], j_s[:adapted_len]] = 1.0
                variants.append(img)
        images_per_stroke.append(np.stack(variants))  # [64, 8, 8]
    return np.stack(images_per_stroke)  # [12, 64, 8, 8]


_IMAGES = _build_images()
_NUM_STROKES = _IMAGES.shape[0]  # 12
_LATENTS = [(i, j) for i in range(_NUM_STROKES) for j in range(_NUM_STROKES)]  # 144 pairs
_S1 = np.array([a for a, b in _LATENTS], dtype=np.int32)
_S2 = np.array([b for a, b in _LATENTS], dtype=np.int32)


def setup_inputs(seed: int = 0) -> dict:
    key = jax.random.key(seed)
    k1, k2 = jax.random.split(key)
    x = jax.random.normal(k1, (16384, RES, RES), dtype=jnp.float32)
    y = jax.random.randint(k2, (16384,), 0, 2, dtype=jnp.int32)
    return {"x": x, "y": y}


def reference(x, y):
    # xy_logprob: log p(x, y | latent) -> [batch, 144]
    images = jnp.asarray(_IMAGES)  # [12, 64, 8, 8] buffer
    std = NOISE_STD
    log_norm_const = -jnp.log(std) - 0.5 * jnp.log(2.0 * jnp.pi)
    n_variants = images.shape[1]
    lls = []
    for s in range(_NUM_STROKES):
        diff = x[:, None, :, :] - images[s][None, :, :, :]  # [B, 64, 8, 8]
        lp = -(diff * diff) / (2.0 * std * std) + log_norm_const
        ll = lp.sum(-1).sum(-1)  # [B, 64]
        lls.append(jax.scipy.special.logsumexp(ll, axis=-1) - jnp.log(jnp.float32(n_variants)))
    log_likelihoods = jnp.stack(lls, axis=1)  # [B, 12]
    s1 = jnp.asarray(_S1)
    s2 = jnp.asarray(_S2)
    log_probs = jnp.where(y.astype(bool)[:, None],
                          log_likelihoods[:, s2],
                          log_likelihoods[:, s1])  # [B, 144]
    return log_probs

if __name__ == "__main__":
    import jax
    _d = setup_inputs()
    print(jax.jit(kernel)(*tuple(_d.values())))

</pallas_src>

<mosaic_0001>
#map = affine_map<(d0, d1) -> (0)>
#map1 = affine_map<(d0, d1) -> (0, 0)>
module attributes {stable_mosaic.version = 14 : i64} {
  func.func @_sc_expand(%arg0: i32, %arg1: i32, %arg2: memref<262144xf32, #tpu.memory_space<hbm>>, %arg3: memref<16384xi32, #tpu.memory_space<hbm>>, %arg4: memref<9x16xi32, #tpu.memory_space<hbm>>, %arg5: memref<9x16xi32, #tpu.memory_space<hbm>>, %arg6: memref<2359296xf32, #tpu.memory_space<hbm>>, %arg7: memref<8192xf32, #tpu.memory_space<vmem>>, %arg8: memref<512xi32, #tpu.memory_space<vmem>>, %arg9: memref<73728xf32, #tpu.memory_space<vmem>>, %arg10: memref<9x16xi32, #tpu.memory_space<vmem>>, %arg11: memref<9x16xi32, #tpu.memory_space<vmem>>) attributes {dimension_semantics = [#tpu.dimension_semantics<core_parallel>, #tpu.dimension_semantics<subcore_parallel>], iteration_bounds = array<i64: 2, 16>, scalar_prefetch = 0 : i64, scratch_operands = 5 : i64, tpu.core_type = #tpu.core_type<sc_vector_subcore>, window_params = [{transform_indices = #map}, {transform_indices = #map}, {transform_indices = #map1}, {transform_indices = #map1}, {transform_indices = #map}]} {
    %mul3A = arith.constant 2 : i32
    %mul3A_0 = arith.muli %arg1, %mul3A : i32
    %add3A = arith.addi %mul3A_0, %arg0 : i32
    %mul3A_1 = arith.constant 512 : i32
    %mul3A_2 = arith.muli %add3A, %mul3A_1 : i32
    %mul3A_3 = arith.constant 16 : i32
    %mul3A_4 = arith.muli %mul3A_2, %mul3A_3 : i32
    "tpu.region"() ({
      %run_scoped3A = tpu.sem_alloc : memref<!tpu.dma_semaphore, #tpu.memory_space<semaphore_mem>>
      %dma_start3A = tpu.memref_slice %arg2[%mul3A_4] : memref<262144xf32, #tpu.memory_space<hbm>> -> memref<8192xf32, #tpu.memory_space<hbm>>
      %dma_start3A_185 = tpu.memref_slice %arg2[%mul3A_4] : memref<262144xf32, #tpu.memory_space<hbm>> -> memref<8192xf32, #tpu.memory_space<hbm>>
      tpu.enqueue_dma source(%dma_start3A_185 : memref<8192xf32, #tpu.memory_space<hbm>>) target(%arg7 : memref<8192xf32, #tpu.memory_space<vmem>>) target_semaphore(%run_scoped3A : memref<!tpu.dma_semaphore, #tpu.memory_space<semaphore_mem>>)
      %dma_wait3A = tpu.memref_slice %arg2[%mul3A_4] : memref<262144xf32, #tpu.memory_space<hbm>> -> memref<8192xf32, #tpu.memory_space<hbm>>
      %dma_wait3A_186 = tpu.memref_slice %arg2[%mul3A_4] : memref<262144xf32, #tpu.memory_space<hbm>> -> memref<8192xf32, #tpu.memory_space<hbm>>
      tpu.wait_dma2 semaphore(%run_scoped3A : memref<!tpu.dma_semaphore, #tpu.memory_space<semaphore_mem>>) src(%dma_wait3A_186 : memref<8192xf32, #tpu.memory_space<hbm>>) dst(%arg7 : memref<8192xf32, #tpu.memory_space<vmem>>)
      tpu.yield
    }) : () -> ()
    "tpu.region"() ({
      %run_scoped3A = tpu.sem_alloc : memref<!tpu.dma_semaphore, #tpu.memory_space<semaphore_mem>>
      %dma_start3A = tpu.memref_slice %arg3[%mul3A_2] : memref<16384xi32, #tpu.memory_space<hbm>> -> memref<512xi32, #tpu.memory_space<hbm>>
      %dma_start3A_185 = tpu.memref_slice %arg3[%mul3A_2] : memref<16384xi32, #tpu.memory_space<hbm>> -> memref<512xi32, #tpu.memory_space<hbm>>
      tpu.enqueue_dma source(%dma_start3A_185 : memref<512xi32, #tpu.memory_space<hbm>>) target(%arg8 : memref<512xi32, #tpu.memory_space<vmem>>) target_semaphore(%run_scoped3A : memref<!tpu.dma_semaphore, #tpu.memory_space<semaphore_mem>>)
      %dma_wait3A = tpu.memref_slice %arg3[%mul3A_2] : memref<16384xi32, #tpu.memory_space<hbm>> -> memref<512xi32, #tpu.memory_space<hbm>>
      %dma_wait3A_186 = tpu.memref_slice %arg3[%mul3A_2] : memref<16384xi32, #tpu.memory_space<hbm>> -> memref<512xi32, #tpu.memory_space<hbm>>
      tpu.wait_dma2 semaphore(%run_scoped3A : memref<!tpu.dma_semaphore, #tpu.memory_space<semaphore_mem>>) src(%dma_wait3A_186 : memref<512xi32, #tpu.memory_space<hbm>>) dst(%arg8 : memref<512xi32, #tpu.memory_space<vmem>>)
      tpu.yield
    }) : () -> ()
    "tpu.region"() ({
      %run_scoped3A = tpu.sem_alloc : memref<!tpu.dma_semaphore, #tpu.memory_space<semaphore_mem>>
      tpu.enqueue_dma source(%arg4 : memref<9x16xi32, #tpu.memory_space<hbm>>) target(%arg10 : memref<9x16xi32, #tpu.memory_space<vmem>>) target_semaphore(%run_scoped3A : memref<!tpu.dma_semaphore, #tpu.memory_space<semaphore_mem>>)
      tpu.wait_dma2 semaphore(%run_scoped3A : memref<!tpu.dma_semaphore, #tpu.memory_space<semaphore_mem>>) src(%arg4 : memref<9x16xi32, #tpu.memory_space<hbm>>) dst(%arg10 : memref<9x16xi32, #tpu.memory_space<vmem>>)
      tpu.yield
    }) : () -> ()
    "tpu.region"() ({
      %run_scoped3A = tpu.sem_alloc : memref<!tpu.dma_semaphore, #tpu.memory_space<semaphore_mem>>
      tpu.enqueue_dma source(%arg5 : memref<9x16xi32, #tpu.memory_space<hbm>>) target(%arg11 : memref<9x16xi32, #tpu.memory_space<vmem>>) target_semaphore(%run_scoped3A : memref<!tpu.dma_semaphore, #tpu.memory_space<semaphore_mem>>)
      tpu.wait_dma2 semaphore(%run_scoped3A : memref<!tpu.dma_semaphore, #tpu.memory_space<semaphore_mem>>) src(%arg5 : memref<9x16xi32, #tpu.memory_space<hbm>>) dst(%arg11 : memref<9x16xi32, #tpu.memory_space<vmem>>)
      tpu.yield
    }) : () -> ()
    %get3A = arith.constant 0 : i32
    %get3A_5 = arith.index_cast %get3A : i32 to index
    %get3A_6 = arith.constant 0 : index
    %get3A_7 = tpu.vector_load %arg10[%get3A_5, %get3A_6] {strides = array<i32>} : memref<9x16xi32, #tpu.memory_space<vmem>>, vector<1x16xi32>,
    %get3A_8 = vector.shape_cast %get3A_7 : vector<1x16xi32> to vector<16xi32>
    %get3A_9 = arith.constant 1 : i32
    %get3A_10 = arith.index_cast %get3A_9 : i32 to index
    %get3A_11 = arith.constant 0 : index
    %get3A_12 = tpu.vector_load %arg10[%get3A_10, %get3A_11] {strides = array<i32>} : memref<9x16xi32, #tpu.memory_space<vmem>>, vector<1x16xi32>,
    %get3A_13 = vector.shape_cast %get3A_12 : vector<1x16xi32> to vector<16xi32>
    %get3A_14 = arith.constant 2 : i32
    %get3A_15 = arith.index_cast %get3A_14 : i32 to index
    %get3A_16 = arith.constant 0 : index
    %get3A_17 = tpu.vector_load %arg10[%get3A_15, %get3A_16] {strides = array<i32>} : memref<9x16xi32, #tpu.memory_space<vmem>>, vector<1x16xi32>,
    %get3A_18 = vector.shape_cast %get3A_17 : vector<1x16xi32> to vector<16xi32>
    %get3A_19 = arith.constant 3 : i32
    %get3A_20 = arith.index_cast %get3A_19 : i32 to index
    %get3A_21 = arith.constant 0 : index
    %get3A_22 = tpu.vector_load %arg10[%get3A_20, %get3A_21] {strides = array<i32>} : memref<9x16xi32, #tpu.memory_space<vmem>>, vector<1x16xi32>,
    %get3A_23 = vector.shape_cast %get3A_22 : vector<1x16xi32> to vector<16xi32>
    %get3A_24 = arith.constant 4 : i32
    %get3A_25 = arith.index_cast %get3A_24 : i32 to index
    %get3A_26 = arith.constant 0 : index
    %get3A_27 = tpu.vector_load %arg10[%get3A_25, %get3A_26] {strides = array<i32>} : memref<9x16xi32, #tpu.memory_space<vmem>>, vector<1x16xi32>,
    %get3A_28 = vector.shape_cast %get3A_27 : vector<1x16xi32> to vector<16xi32>
    %get3A_29 = arith.constant 5 : i32
    %get3A_30 = arith.index_cast %get3A_29 : i32 to index
    %get3A_31 = arith.constant 0 : index
    %get3A_32 = tpu.vector_load %arg10[%get3A_30, %get3A_31] {strides = array<i32>} : memref<9x16xi32, #tpu.memory_space<vmem>>, vector<1x16xi32>,
    %get3A_33 = vector.shape_cast %get3A_32 : vector<1x16xi32> to vector<16xi32>
    %get3A_34 = arith.constant 6 : i32
    %get3A_35 = arith.index_cast %get3A_34 : i32 to index
    %get3A_36 = arith.constant 0 : index
    %get3A_37 = tpu.vector_load %arg10[%get3A_35, %get3A_36] {strides = array<i32>} : memref<9x16xi32, #tpu.memory_space<vmem>>, vector<1x16xi32>,
    %get3A_38 = vector.shape_cast %get3A_37 : vector<1x16xi32> to vector<16xi32>
    %get3A_39 = arith.constant 7 : i32
    %get3A_40 = arith.index_cast %get3A_39 : i32 to index
    %get3A_41 = arith.constant 0 : index
    %get3A_42 = tpu.vector_load %arg10[%get3A_40, %get3A_41] {strides = array<i32>} : memref<9x16xi32, #tpu.memory_space<vmem>>, vector<1x16xi32>,
    %get3A_43 = vector.shape_cast %get3A_42 : vector<1x16xi32> to vector<16xi32>
    %get3A_44 = arith.constant 8 : i32
    %get3A_45 = arith.index_cast %get3A_44 : i32 to index
    %get3A_46 = arith.constant 0 : index
    %get3A_47 = tpu.vector_load %arg10[%get3A_45, %get3A_46] {strides = array<i32>} : memref<9x16xi32, #tpu.memory_space<vmem>>, vector<1x16xi32>,
    %get3A_48 = vector.shape_cast %get3A_47 : vector<1x16xi32> to vector<16xi32>
    %get3A_49 = arith.constant 0 : i32
    %get3A_50 = arith.index_cast %get3A_49 : i32 to index
    %get3A_51 = arith.constant 0 : index
    %get3A_52 = tpu.vector_load %arg11[%get3A_50, %get3A_51] {strides = array<i32>} : memref<9x16xi32, #tpu.memory_space<vmem>>, vector<1x16xi32>,
    %get3A_53 = vector.shape_cast %get3A_52 : vector<1x16xi32> to vector<16xi32>
    %get3A_54 = arith.constant 0 : i32
    %get3A_55 = arith.index_cast %get3A_54 : i32 to index
    %get3A_56 = arith.constant 0 : index
    %get3A_57 = tpu.vector_load %arg10[%get3A_55, %get3A_56] {strides = array<i32>} : memref<9x16xi32, #tpu.memory_space<vmem>>, vector<1x16xi32>,
    %get3A_58 = vector.shape_cast %get3A_57 : vector<1x16xi32> to vector<16xi32>
    %sub3A = arith.subi %get3A_53, %get3A_58 : vector<16xi32>
    %get3A_59 = arith.constant 1 : i32
    %get3A_60 = arith.index_cast %get3A_59 : i32 to index
    %get3A_61 = arith.constant 0 : index
    %get3A_62 = tpu.vector_load %arg11[%get3A_60, %get3A_61] {strides = array<i32>} : memref<9x16xi32, #tpu.memory_space<vmem>>, vector<1x16xi32>,
    %get3A_63 = vector.shape_cast %get3A_62 : vector<1x16xi32> to vector<16xi32>
    %get3A_64 = arith.constant 1 : i32
    %get3A_65 = arith.index_cast %get3A_64 : i32 to index
    %get3A_66 = arith.constant 0 : index
    %get3A_67 = tpu.vector_load %arg10[%get3A_65, %get3A_66] {strides = array<i32>} : memref<9x16xi32, #tpu.memory_space<vmem>>, vector<1x16xi32>,
    %get3A_68 = vector.shape_cast %get3A_67 : vector<1x16xi32> to vector<16xi32>
    %sub3A_69 = arith.subi %get3A_63, %get3A_68 : vector<16xi32>
    %get3A_70 = arith.constant 2 : i32
    %get3A_71 = arith.index_cast %get3A_70 : i32 to index
    %get3A_72 = arith.constant 0 : index
    %get3A_73 = tpu.vector_load %arg11[%get3A_71, %get3A_72] {strides = array<i32>} : memref<9x16xi32, #tpu.memory_space<vmem>>, vector<1x16xi32>,
    %get3A_74 = vector.shape_cast %get3A_73 : vector<1x16xi32> to vector<16xi32>
    %get3A_75 = arith.constant 2 : i32
    %get3A_76 = arith.index_cast %get3A_75 : i32 to index
    %get3A_77 = arith.constant 0 : index
    %get3A_78 = tpu.vector_load %arg10[%get3A_76, %get3A_77] {strides = array<i32>} : memref<9x16xi32, #tpu.memory_space<vmem>>, vector<1x16xi32>,
    %get3A_79 = vector.shape_cast %get3A_78 : vector<1x16xi32> to vector<16xi32>
    %sub3A_80 = arith.subi %get3A_74, %get3A_79 : vector<16xi32>
    %get3A_81 = arith.constant 3 : i32
    %get3A_82 = arith.index_cast %get3A_81 : i32 to index
    %get3A_83 = arith.constant 0 : index
    %get3A_84 = tpu.vector_load %arg11[%get3A_82, %get3A_83] {strides = array<i32>} : memref<9x16xi32, #tpu.memory_space<vmem>>, vector<1x16xi32>,
    %get3A_85 = vector.shape_cast %get3A_84 : vector<1x16xi32> to vector<16xi32>
    %get3A_86 = arith.constant 3 : i32
    %get3A_87 = arith.index_cast %get3A_86 : i32 to index
    %get3A_88 = arith.constant 0 : index
    %get3A_89 = tpu.vector_load %arg10[%get3A_87, %get3A_88] {strides = array<i32>} : memref<9x16xi32, #tpu.memory_space<vmem>>, vector<1x16xi32>,
    %get3A_90 = vector.shape_cast %get3A_89 : vector<1x16xi32> to vector<16xi32>
    %sub3A_91 = arith.subi %get3A_85, %get3A_90 : vector<16xi32>
    %get3A_92 = arith.constant 4 : i32
    %get3A_93 = arith.index_cast %get3A_92 : i32 to index
    %get3A_94 = arith.constant 0 : index
    %get3A_95 = tpu.vector_load %arg11[%get3A_93, %get3A_94] {strides = array<i32>} : memref<9x16xi32, #tpu.memory_space<vmem>>, vector<1x16xi32>,
    %get3A_96 = vector.shape_cast %get3A_95 : vector<1x16xi32> to vector<16xi32>
    %get3A_97 = arith.constant 4 : i32
    %get3A_98 = arith.index_cast %get3A_97 : i32 to index
    %get3A_99 = arith.constant 0 : index
    %get3A_100 = tpu.vector_load %arg10[%get3A_98, %get3A_99] {strides = array<i32>} : memref<9x16xi32, #tpu.memory_space<vmem>>, vector<1x16xi32>,
    %get3A_101 = vector.shape_cast %get3A_100 : vector<1x16xi32> to vector<16xi32>
    %sub3A_102 = arith.subi %get3A_96, %get3A_101 : vector<16xi32>
    %get3A_103 = arith.constant 5 : i32
    %get3A_104 = arith.index_cast %get3A_103 : i32 to index
    %get3A_105 = arith.constant 0 : index
    %get3A_106 = tpu.vector_load %arg11[%get3A_104, %get3A_105] {strides = array<i32>} : memref<9x16xi32, #tpu.memory_space<vmem>>, vector<1x16xi32>,
    %get3A_107 = vector.shape_cast %get3A_106 : vector<1x16xi32> to vector<16xi32>
    %get3A_108 = arith.constant 5 : i32
    %get3A_109 = arith.index_cast %get3A_108 : i32 to index
    %get3A_110 = arith.constant 0 : index
    %get3A_111 = tpu.vector_load %arg10[%get3A_109, %get3A_110] {strides = array<i32>} : memref<9x16xi32, #tpu.memory_space<vmem>>, vector<1x16xi32>,
    %get3A_112 = vector.shape_cast %get3A_111 : vector<1x16xi32> to vector<16xi32>
    %sub3A_113 = arith.subi %get3A_107, %get3A_112 : vector<16xi32>
    %get3A_114 = arith.constant 6 : i32
    %get3A_115 = arith.index_cast %get3A_114 : i32 to index
    %get3A_116 = arith.constant 0 : index
    %get3A_117 = tpu.vector_load %arg11[%get3A_115, %get3A_116] {strides = array<i32>} : memref<9x16xi32, #tpu.memory_space<vmem>>, vector<1x16xi32>,
    %get3A_118 = vector.shape_cast %get3A_117 : vector<1x16xi32> to vector<16xi32>
    %get3A_119 = arith.constant 6 : i32
    %get3A_120 = arith.index_cast %get3A_119 : i32 to index
    %get3A_121 = arith.constant 0 : index
    %get3A_122 = tpu.vector_load %arg10[%get3A_120, %get3A_121] {strides = array<i32>} : memref<9x16xi32, #tpu.memory_space<vmem>>, vector<1x16xi32>,
    %get3A_123 = vector.shape_cast %get3A_122 : vector<1x16xi32> to vector<16xi32>
    %sub3A_124 = arith.subi %get3A_118, %get3A_123 : vector<16xi32>
    %get3A_125 = arith.constant 7 : i32
    %get3A_126 = arith.index_cast %get3A_125 : i32 to index
    %get3A_127 = arith.constant 0 : index
    %get3A_128 = tpu.vector_load %arg11[%get3A_126, %get3A_127] {strides = array<i32>} : memref<9x16xi32, #tpu.memory_space<vmem>>, vector<1x16xi32>,
    %get3A_129 = vector.shape_cast %get3A_128 : vector<1x16xi32> to vector<16xi32>
    %get3A_130 = arith.constant 7 : i32
    %get3A_131 = arith.index_cast %get3A_130 : i32 to index
    %get3A_132 = arith.constant 0 : index
    %get3A_133 = tpu.vector_load %arg10[%get3A_131, %get3A_132] {strides = array<i32>} : memref<9x16xi32, #tpu.memory_space<vmem>>, vector<1x16xi32>,
    %get3A_134 = vector.shape_cast %get3A_133 : vector<1x16xi32> to vector<16xi32>
    %sub3A_135 = arith.subi %get3A_129, %get3A_134 : vector<16xi32>
    %get3A_136 = arith.constant 8 : i32
    %get3A_137 = arith.index_cast %get3A_136 : i32 to index
    %get3A_138 = arith.constant 0 : index
    %get3A_139 = tpu.vector_load %arg11[%get3A_137, %get3A_138] {strides = array<i32>} : memref<9x16xi32, #tpu.memory_space<vmem>>, vector<1x16xi32>,
    %get3A_140 = vector.shape_cast %get3A_139 : vector<1x16xi32> to vector<16xi32>
    %get3A_141 = arith.constant 8 : i32
    %get3A_142 = arith.index_cast %get3A_141 : i32 to index
    %get3A_143 = arith.constant 0 : index
    %get3A_144 = tpu.vector_load %arg10[%get3A_142, %get3A_143] {strides = array<i32>} : memref<9x16xi32, #tpu.memory_space<vmem>>, vector<1x16xi32>,
    %get3A_145 = vector.shape_cast %get3A_144 : vector<1x16xi32> to vector<16xi32>
    %sub3A_146 = arith.subi %get3A_140, %get3A_145 : vector<16xi32>
    %broadcast_in_dim3A = arith.constant 0 : i32
    %broadcast_in_dim3A_147 = vector.broadcast %broadcast_in_dim3A : i32 to vector<16xi32>
    %broadcast_in_dim3A_148 = arith.constant 1 : i32
    %broadcast_in_dim3A_149 = vector.broadcast %broadcast_in_dim3A_148 : i32 to vector<16xi32>
    %broadcast_in_dim3A_150 = arith.constant 2 : i32
    %broadcast_in_dim3A_151 = vector.broadcast %broadcast_in_dim3A_150 : i32 to vector<16xi32>
    %broadcast_in_dim3A_152 = arith.constant 3 : i32
    %broadcast_in_dim3A_153 = vector.broadcast %broadcast_in_dim3A_152 : i32 to vector<16xi32>
    %broadcast_in_dim3A_154 = arith.constant 4 : i32
    %broadcast_in_dim3A_155 = vector.broadcast %broadcast_in_dim3A_154 : i32 to vector<16xi32>
    %broadcast_in_dim3A_156 = arith.constant 5 : i32
    %broadcast_in_dim3A_157 = vector.broadcast %broadcast_in_dim3A_156 : i32 to vector<16xi32>
    %broadcast_in_dim3A_158 = arith.constant 6 : i32
    %broadcast_in_dim3A_159 = vector.broadcast %broadcast_in_dim3A_158 : i32 to vector<16xi32>
    %broadcast_in_dim3A_160 = arith.constant 7 : i32
    %broadcast_in_dim3A_161 = vector.broadcast %broadcast_in_dim3A_160 : i32 to vector<16xi32>
    %broadcast_in_dim3A_162 = arith.constant 8 : i32
    %broadcast_in_dim3A_163 = vector.broadcast %broadcast_in_dim3A_162 : i32 to vector<16xi32>
    %broadcast_in_dim3A_164 = arith.constant 9 : i32
    %broadcast_in_dim3A_165 = vector.broadcast %broadcast_in_dim3A_164 : i32 to vector<16xi32>
    %broadcast_in_dim3A_166 = arith.constant 10 : i32
    %broadcast_in_dim3A_167 = vector.broadcast %broadcast_in_dim3A_166 : i32 to vector<16xi32>
    %broadcast_in_dim3A_168 = arith.constant 11 : i32
    %broadcast_in_dim3A_169 = vector.broadcast %broadcast_in_dim3A_168 : i32 to vector<16xi32>
    %broadcast_in_dim3A_170 = arith.constant 12 : i32
    %broadcast_in_dim3A_171 = vector.broadcast %broadcast_in_dim3A_170 : i32 to vector<16xi32>
    %broadcast_in_dim3A_172 = arith.constant 13 : i32
    %broadcast_in_dim3A_173 = vector.broadcast %broadcast_in_dim3A_172 : i32 to vector<16xi32>
    %broadcast_in_dim3A_174 = arith.constant 14 : i32
    %broadcast_in_dim3A_175 = vector.broadcast %broadcast_in_dim3A_174 : i32 to vector<16xi32>
    %broadcast_in_dim3A_176 = arith.constant 15 : i32
    %broadcast_in_dim3A_177 = vector.broadcast %broadcast_in_dim3A_176 : i32 to vector<16xi32>
    %scan3A = arith.constant 0 : i32
    %scan3A_178 = arith.constant 0 : i32
    %scan3A_179 = arith.constant 32 : i32
    %scan3A_180 = arith.addi %scan3A_178, %scan3A_179 : i32
    %scan3A_181 = arith.constant 1 : i32
    scf.for %scan3A_185 = %scan3A_178 to %scan3A_180 step %scan3A_181  : i32 {
      %mul3A_186 = arith.constant 16 : i32
      %mul3A_187 = arith.muli %scan3A_185, %mul3A_186 : i32
      %get3A_188 = arith.index_cast %mul3A_187 : i32 to index
      %get3A_189 = tpu.vector_load %arg8[%get3A_188] {strides = array<i32>} : memref<512xi32, #tpu.memory_space<vmem>>, vector<16xi32>,
      %get3A_190 = vector.shape_cast %get3A_189 : vector<16xi32> to vector<16xi32>
      %mul3A_191 = arith.constant 16 : i32
      %mul3A_192 = arith.muli %scan3A_185, %mul3A_191 : i32
      %add3A_193 = arith.constant 0 : i32
      %add3A_194 = arith.addi %mul3A_192, %add3A_193 : i32
      %mul3A_195 = arith.constant 16 : i32
      %mul3A_196 = arith.muli %add3A_194, %mul3A_195 : i32
      %get3A_197 = arith.index_cast %mul3A_196 : i32 to index
      %get3A_198 = tpu.vector_load %arg7[%get3A_197] {strides = array<i32>} : memref<8192xf32, #tpu.memory_space<vmem>>, vector<16xf32>,
      %get3A_199 = vector.shape_cast %get3A_198 : vector<16xf32> to vector<16xf32>
      %broadcast_in_dim3A_200 = vector.shape_cast %broadcast_in_dim3A_147 : vector<16xi32> to vector<16x1xi32>
      %gather3A = vector.shape_cast %broadcast_in_dim3A_200 : vector<16x1xi32> to vector<16xi32>
      %gather3A_201 = tpu.dynamic_gather %get3A_190[%gather3A] in [0] : vector<16xi32>, vector<16xi32> -> vector<16xi32>
      %mul3A_202 = arith.muli %gather3A_201, %sub3A : vector<16xi32>
      %add3A_203 = arith.addi %get3A_8, %mul3A_202 : vector<16xi32>
      %broadcast_in_dim3A_204 = vector.shape_cast %add3A_203 : vector<16xi32> to vector<16x1xi32>
      %gather3A_205 = vector.shape_cast %broadcast_in_dim3A_204 : vector<16x1xi32> to vector<16xi32>
      %gather3A_206 = tpu.dynamic_gather %get3A_199[%gather3A_205] in [0] : vector<16xf32>, vector<16xi32> -> vector<16xf32>
      %mul3A_207 = arith.constant 144 : i32
      %mul3A_208 = arith.muli %add3A_194, %mul3A_207 : i32
      %add3A_209 = arith.constant 0 : i32
      %add3A_210 = arith.addi %mul3A_208, %add3A_209 : i32
      %swap3A = arith.index_cast %add3A_210 : i32 to index
      %swap3A_211 = tpu.vector_load %arg9[%swap3A] {strides = array<i32>} : memref<73728xf32, #tpu.memory_space<vmem>>, vector<16xf32>,
      %swap3A_212 = vector.shape_cast %swap3A_211 : vector<16xf32> to vector<16xf32>
      %swap3A_213 = vector.shape_cast %gather3A_206 : vector<16xf32> to vector<16xf32>
      tpu.vector_store %arg9[%swap3A], %swap3A_213 {strides = array<i32>} : memref<73728xf32, #tpu.memory_space<vmem>>, vector<16xf32>,
      %mul3A_214 = arith.muli %gather3A_201, %sub3A_69 : vector<16xi32>
      %add3A_215 = arith.addi %get3A_13, %mul3A_214 : vector<16xi32>
      %broadcast_in_dim3A_216 = vector.shape_cast %add3A_215 : vector<16xi32> to vector<16x1xi32>
      %gather3A_217 = vector.shape_cast %broadcast_in_dim3A_216 : vector<16x1xi32> to vector<16xi32>
      %gather3A_218 = tpu.dynamic_gather %get3A_199[%gather3A_217] in [0] : vector<16xf32>, vector<16xi32> -> vector<16xf32>
      %mul3A_219 = arith.constant 144 : i32
      %mul3A_220 = arith.muli %add3A_194, %mul3A_219 : i32
      %add3A_221 = arith.constant 16 : i32
      %add3A_222 = arith.addi %mul3A_220, %add3A_221 : i32
      %swap3A_223 = arith.index_cast %add3A_222 : i32 to index
      %swap3A_224 = tpu.vector_load %arg9[%swap3A_223] {strides = array<i32>} : memref<73728xf32, #tpu.memory_space<vmem>>, vector<16xf32>,
      %swap3A_225 = vector.shape_cast %swap3A_224 : vector<16xf32> to vector<16xf32>
      %swap3A_226 = vector.shape_cast %gather3A_218 : vector<16xf32> to vector<16xf32>
      tpu.vector_store %arg9[%swap3A_223], %swap3A_226 {strides = array<i32>} : memref<73728xf32, #tpu.memory_space<vmem>>, vector<16xf32>,
      %mul3A_227 = arith.muli %gather3A_201, %sub3A_80 : vector<16xi32>
      %add3A_228 = arith.addi %get3A_18, %mul3A_227 : vector<16xi32>
      %broadcast_in_dim3A_229 = vector.shape_cast %add3A_228 : vector<16xi32> to vector<16x1xi32>
      %gather3A_230 = vector.shape_cast %broadcast_in_dim3A_229 : vector<16x1xi32> to vector<16xi32>
      %gather3A_231 = tpu.dynamic_gather %get3A_199[%gather3A_230] in [0] : vector<16xf32>, vector<16xi32> -> vector<16xf32>
      %mul3A_232 = arith.constant 144 : i32
      %mul3A_233 = arith.muli %add3A_194, %mul3A_232 : i32
      %add3A_234 = arith.constant 32 : i32
      %add3A_235 = arith.addi %mul3A_233, %add3A_234 : i32
      %swap3A_236 = arith.index_cast %add3A_235 : i32 to index
      %swap3A_237 = tpu.vector_load %arg9[%swap3A_236] {strides = array<i32>} : memref<73728xf32, #tpu.memory_space<vmem>>, vector<16xf32>,
      %swap3A_238 = vector.shape_cast %swap3A_237 : vector<16xf32> to vector<16xf32>
      %swap3A_239 = vector.shape_cast %gather3A_231 : vector<16xf32> to vector<16xf32>
      tpu.vector_store %arg9[%swap3A_236], %swap3A_239 {strides = array<i32>} : memref<73728xf32, #tpu.memory_space<vmem>>, vector<16xf32>,
      %mul3A_240 = arith.muli %gather3A_201, %sub3A_91 : vector<16xi32>
      %add3A_241 = arith.addi %get3A_23, %mul3A_240 : vector<16xi32>
      %broadcast_in_dim3A_242 = vector.shape_cast %add3A_241 : vector<16xi32> to vector<16x1xi32>
      %gather3A_243 = vector.shape_cast %broadcast_in_dim3A_242 : vector<16x1xi32> to vector<16xi32>
      %gather3A_244 = tpu.dynamic_gather %get3A_199[%gather3A_243] in [0] : vector<16xf32>, vector<16xi32> -> vector<16xf32>
      %mul3A_245 = arith.constant 144 : i32
      %mul3A_246 = arith.muli %add3A_194, %mul3A_245 : i32
      %add3A_247 = arith.constant 48 : i32
      %add3A_248 = arith.addi %mul3A_246, %add3A_247 : i32
      %swap3A_249 = arith.index_cast %add3A_248 : i32 to index
      %swap3A_250 = tpu.vector_load %arg9[%swap3A_249] {strides = array<i32>} : memref<73728xf32, #tpu.memory_space<vmem>>, vector<16xf32>,
      %swap3A_251 = vector.shape_cast %swap3A_250 : vector<16xf32> to vector<16xf32>
      %swap3A_252 = vector.shape_cast %gather3A_244 : vector<16xf32> to vector<16xf32>
      tpu.vector_store %arg9[%swap3A_249], %swap3A_252 {strides = array<i32>} : memref<73728xf32, #tpu.memory_space<vmem>>, vector<16xf32>,
      %mul3A_253 = arith.muli %gather3A_201, %sub3A_102 : vector<16xi32>
      %add3A_254 = arith.addi %get3A_28, %mul3A_253 : vector<16xi32>
      %broadcast_in_dim3A_255 = vector.shape_cast %add3A_254 : vector<16xi32> to vector<16x1xi32>
      %gather3A_256 = vector.shape_cast %broadcast_in_dim3A_255 : vector<16x1xi32> to vector<16xi32>
      %gather3A_257 = tpu.dynamic_gather %get3A_199[%gather3A_256] in [0] : vector<16xf32>, vector<16xi32> -> vector<16xf32>
      %mul3A_258 = arith.constant 144 : i32
      %mul3A_259 = arith.muli %add3A_194, %mul3A_258 : i32
      %add3A_260 = arith.constant 64 : i32
      %add3A_261 = arith.addi %mul3A_259, %add3A_260 : i32
      %swap3A_262 = arith.index_cast %add3A_261 : i32 to index
      %swap3A_263 = tpu.vector_load %arg9[%swap3A_262] {strides = array<i32>} : memref<73728xf32, #tpu.memory_space<vmem>>, vector<16xf32>,
      %swap3A_264 = vector.shape_cast %swap3A_263 : vector<16xf32> to vector<16xf32>
      %swap3A_265 = vector.shape_cast %gather3A_257 : vector<16xf32> to vector<16xf32>
      tpu.vector_store %arg9[%swap3A_262], %swap3A_265 {strides = array<i32>} : memref<73728xf32, #tpu.memory_space<vmem>>, vector<16xf32>,
      %mul3A_266 = arith.muli %gather3A_201, %sub3A_113 : vector<16xi32>
      %add3A_267 = arith.addi %get3A_33, %mul3A_266 : vector<16xi32>
      %broadcast_in_dim3A_268 = vector.shape_cast %add3A_267 : vector<16xi32> to vector<16x1xi32>
      %gather3A_269 = vector.shape_cast %broadcast_in_dim3A_268 : vector<16x1xi32> to vector<16xi32>
      %gather3A_270 = tpu.dynamic_gather %get3A_199[%gather3A_269] in [0] : vector<16xf32>, vector<16xi32> -> vector<16xf32>
      %mul3A_271 = arith.constant 144 : i32
      %mul3A_272 = arith.muli %add3A_194, %mul3A_271 : i32
      %add3A_273 = arith.constant 80 : i32
      %add3A_274 = arith.addi %mul3A_272, %add3A_273 : i32
      %swap3A_275 = arith.index_cast %add3A_274 : i32 to index
      %swap3A_276 = tpu.vector_load %arg9[%swap3A_275] {strides = array<i32>} : memref<73728xf32, #tpu.memory_space<vmem>>, vector<16xf32>,
      %swap3A_277 = vector.shape_cast %swap3A_276 : vector<16xf32> to vector<16xf32>
      %swap3A_278 = vector.shape_cast %gather3A_270 : vector<16xf32> to vector<16xf32>
      tpu.vector_store %arg9[%swap3A_275], %swap3A_278 {strides = array<i32>} : memref<73728xf32, #tpu.memory_space<vmem>>, vector<16xf32>,
      %mul3A_279 = arith.muli %gather3A_201, %sub3A_124 : vector<16xi32>
      %add3A_280 = arith.addi %get3A_38, %mul3A_279 : vector<16xi32>
      %broadcast_in_dim3A_281 = vector.shape_cast %add3A_280 : vector<16xi32> to vector<16x1xi32>
      %gather3A_282 = vector.shape_cast %broadcast_in_dim3A_281 : vector<16x1xi32> to vector<16xi32>
      %gather3A_283 = tpu.dynamic_gather %get3A_199[%gather3A_282] in [0] : vector<16xf32>, vector<16xi32> -> vector<16xf32>
      %mul3A_284 = arith.constant 144 : i32
      %mul3A_285 = arith.muli %add3A_194, %mul3A_284 : i32
      %add3A_286 = arith.constant 96 : i32
      %add3A_287 = arith.addi %mul3A_285, %add3A_286 : i32
      %swap3A_288 = arith.index_cast %add3A_287 : i32 to index
      %swap3A_289 = tpu.vector_load %arg9[%swap3A_288] {strides = array<i32>} : memref<73728xf32, #tpu.memory_space<vmem>>, vector<16xf32>,
      %swap3A_290 = vector.shape_cast %swap3A_289 : vector<16xf32> to vector<16xf32>
      %swap3A_291 = vector.shape_cast %gather3A_283 : vector<16xf32> to vector<16xf32>
      tpu.vector_store %arg9[%swap3A_288], %swap3A_291 {strides = array<i32>} : memref<73728xf32, #tpu.memory_space<vmem>>, vector<16xf32>,
      %mul3A_292 = arith.muli %gather3A_201, %sub3A_135 : vector<16xi32>
      %add3A_293 = arith.addi %get3A_43, %mul3A_292 : vector<16xi32>
      %broadcast_in_dim3A_294 = vector.shape_cast %add3A_293 : vector<16xi32> to vector<16x1xi32>
      %gather3A_295 = vector.shape_cast %broadcast_in_dim3A_294 : vector<16x1xi32> to vector<16xi32>
      %gather3A_296 = tpu.dynamic_gather %get3A_199[%gather3A_295] in [0] : vector<16xf32>, vector<16xi32> -> vector<16xf32>
      %mul3A_297 = arith.constant 144 : i32
      %mul3A_298 = arith.muli %add3A_194, %mul3A_297 : i32
      %add3A_299 = arith.constant 112 : i32
      %add3A_300 = arith.addi %mul3A_298, %add3A_299 : i32
      %swap3A_301 = arith.index_cast %add3A_300 : i32 to index
      %swap3A_302 = tpu.vector_load %arg9[%swap3A_301] {strides = array<i32>} : memref<73728xf32, #tpu.memory_space<vmem>>, vector<16xf32>,
      %swap3A_303 = vector.shape_cast %swap3A_302 : vector<16xf32> to vector<16xf32>
      %swap3A_304 = vector.shape_cast %gather3A_296 : vector<16xf32> to vector<16xf32>
      tpu.vector_store %arg9[%swap3A_301], %swap3A_304 {strides = array<i32>} : memref<73728xf32, #tpu.memory_space<vmem>>, vector<16xf32>,
      %mul3A_305 = arith.muli %gather3A_201, %sub3A_146 : vector<16xi32>
      %add3A_306 = arith.addi %get3A_48, %mul3A_305 : vector<16xi32>
      %broadcast_in_dim3A_307 = vector.shape_cast %add3A_306 : vector<16xi32> to vector<16x1xi32>
      %gather3A_308 = vector.shape_cast %broadcast_in_dim3A_307 : vector<16x1xi32> to vector<16xi32>
      %gather3A_309 = tpu.dynamic_gather %get3A_199[%gather3A_308] in [0] : vector<16xf32>, vector<16xi32> -> vector<16xf32>
      %mul3A_310 = arith.constant 144 : i32
      %mul3A_311 = arith.muli %add3A_194, %mul3A_310 : i32
      %add3A_312 = arith.constant 128 : i32
      %add3A_313 = arith.addi %mul3A_311, %add3A_312 : i32
      %swap3A_314 = arith.index_cast %add3A_313 : i32 to index
      %swap3A_315 = tpu.vector_load %arg9[%swap3A_314] {strides = array<i32>} : memref<73728xf32, #tpu.memory_space<vmem>>, vector<16xf32>,
      %swap3A_316 = vector.shape_cast %swap3A_315 : vector<16xf32> to vector<16xf32>
      %swap3A_317 = vector.shape_cast %gather3A_309 : vector<16xf32> to vector<16xf32>
      tpu.vector_store %arg9[%swap3A_314], %swap3A_317 {strides = array<i32>} : memref<73728xf32, #tpu.memory_space<vmem>>, vector<16xf32>,
      %mul3A_318 = arith.constant 16 : i32
      %mul3A_319 = arith.muli %scan3A_185, %mul3A_318 : i32
      %add3A_320 = arith.constant 1 : i32
      %add3A_321 = arith.addi %mul3A_319, %add3A_320 : i32
      %mul3A_322 = arith.constant 16 : i32
      %mul3A_323 = arith.muli %add3A_321, %mul3A_322 : i32
      %get3A_324 = arith.index_cast %mul3A_323 : i32 to index
      %get3A_325 = tpu.vector_load %arg7[%get3A_324] {strides = array<i32>} : memref<8192xf32, #tpu.memory_space<vmem>>, vector<16xf32>,
      %get3A_326 = vector.shape_cast %get3A_325 : vector<16xf32> to vector<16xf32>
      %broadcast_in_dim3A_327 = vector.shape_cast %broadcast_in_dim3A_149 : vector<16xi32> to vector<16x1xi32>
      %gather3A_328 = vector.shape_cast %broadcast_in_dim3A_327 : vector<16x1xi32> to vector<16xi32>
      %gather3A_329 = tpu.dynamic_gather %get3A_190[%gather3A_328] in [0] : vector<16xi32>, vector<16xi32> -> vector<16xi32>
      %mul3A_330 = arith.muli %gather3A_329, %sub3A : vector<16xi32>
      %add3A_331 = arith.addi %get3A_8, %mul3A_330 : vector<16xi32>
      %broadcast_in_dim3A_332 = vector.shape_cast %add3A_331 : vector<16xi32> to vector<16x1xi32>
      %gather3A_333 = vector.shape_cast %broadcast_in_dim3A_332 : vector<16x1xi32> to vector<16xi32>
      %gather3A_334 = tpu.dynamic_gather %get3A_326[%gather3A_333] in [0] : vector<16xf32>, vector<16xi32> -> vector<16xf32>
      %mul3A_335 = arith.constant 144 : i32
      %mul3A_336 = arith.muli %add3A_321, %mul3A_335 : i32
      %add3A_337 = arith.constant 0 : i32
      %add3A_338 = arith.addi %mul3A_336, %add3A_337 : i32
      %swap3A_339 = arith.index_cast %add3A_338 : i32 to index
      %swap3A_340 = tpu.vector_load %arg9[%swap3A_339] {strides = array<i32>} : memref<73728xf32, #tpu.memory_space<vmem>>, vector<16xf32>,
      %swap3A_341 = vector.shape_cast %swap3A_340 : vector<16xf32> to vector<16xf32>
      %swap3A_342 = vector.shape_cast %gather3A_334 : vector<16xf32> to vector<16xf32>
      tpu.vector_store %arg9[%swap3A_339], %swap3A_342 {strides = array<i32>} : memref<73728xf32, #tpu.memory_space<vmem>>, vector<16xf32>,
      %mul3A_343 = arith.muli %gather3A_329, %sub3A_69 : vector<16xi32>
      %add3A_344 = arith.addi %get3A_13, %mul3A_343 : vector<16xi32>
      %broadcast_in_dim3A_345 = vector.shape_cast %add3A_344 : vector<16xi32> to vector<16x1xi32>
      %gather3A_346 = vector.shape_cast %broadcast_in_dim3A_345 : vector<16x1xi32> to vector<16xi32>
      %gather3A_347 = tpu.dynamic_gather %get3A_326[%gather3A_346] in [0] : vector<16xf32>, vector<16xi32> -> vector<16xf32>
      %mul3A_348 = arith.constant 144 : i32
      %mul3A_349 = arith.muli %add3A_321, %mul3A_348 : i32
      %add3A_350 = arith.constant 16 : i32
      %add3A_351 = arith.addi %mul3A_349, %add3A_350 : i32
      %swap3A_352 = arith.index_cast %add3A_351 : i32 to index
      %swap3A_353 = tpu.vector_load %arg9[%swap3A_352] {strides = array<i32>} : memref<73728xf32, #tpu.memory_space<vmem>>, vector<16xf32>,
      %swap3A_354 = vector.shape_cast %swap3A_353 : vector<16xf32> to vector<16xf32>
      %swap3A_355 = vector.shape_cast %gather3A_347 : vector<16xf32> to vector<16xf32>
      tpu.vector_store %arg9[%swap3A_352], %swap3A_355 {strides = array<i32>} : memref<73728xf32, #tpu.memory_space<vmem>>, vector<16xf32>,
      %mul3A_356 = arith.muli %gather3A_329, %sub3A_80 : vector<16xi32>
      %add3A_357 = arith.addi %get3A_18, %mul3A_356 : vector<16xi32>
      %broadcast_in_dim3A_358 = vector.shape_cast %add3A_357 : vector<16xi32> to vector<16x1xi32>
      %gather3A_359 = vector.shape_cast %broadcast_in_dim3A_358 : vector<16x1xi32> to vector<16xi32>
      %gather3A_360 = tpu.dynamic_gather %get3A_326[%gather3A_359] in [0] : vector<16xf32>, vector<16xi32> -> vector<16xf32>
      %mul3A_361 = arith.constant 144 : i32
      %mul3A_362 = arith.muli %add3A_321, %mul3A_361 : i32
      %add3A_363 = arith.constant 32 : i32
      %add3A_364 = arith.addi %mul3A_362, %add3A_363 : i32
      %swap3A_365 = arith.index_cast %add3A_364 : i32 to index
      %swap3A_366 = tpu.vector_load %arg9[%swap3A_365] {strides = array<i32>} : memref<73728xf32, #tpu.memory_space<vmem>>, vector<16xf32>,
      %swap3A_367 = vector.shape_cast %swap3A_366 : vector<16xf32> to vector<16xf32>
      %swap3A_368 = vector.shape_cast %gather3A_360 : vector<16xf32> to vector<16xf32>
      tpu.vector_store %arg9[%swap3A_365], %swap3A_368 {strides = array<i32>} : memref<73728xf32, #tpu.memory_space<vmem>>, vector<16xf32>,
      %mul3A_369 = arith.muli %gather3A_329, %sub3A_91 : vector<16xi32>
      %add3A_370 = arith.addi %get3A_23, %mul3A_369 : vector<16xi32>
      %broadcast_in_dim3A_371 = vector.shape_cast %add3A_370 : vector<16xi32> to vector<16x1xi32>
      %gather3A_372 = vector.shape_cast %broadcast_in_dim3A_371 : vector<16x1xi32> to vector<16xi32>
      %gather3A_373 = tpu.dynamic_gather %get3A_326[%gather3A_372] in [0] : vector<16xf32>, vector<16xi32> -> vector<16xf32>
      %mul3A_374 = arith.constant 144 : i32
      %mul3A_375 = arith.muli %add3A_321, %mul3A_374 : i32
      %add3A_376 = arith.constant 48 : i32
      %add3A_377 = arith.addi %mul3A_375, %add3A_376 : i32
      %swap3A_378 = arith.index_cast %add3A_377 : i32 to index
      %swap3A_379 = tpu.vector_load %arg9[%swap3A_378] {strides = array<i32>} : memref<73728xf32, #tpu.memory_space<vmem>>, vector<16xf32>,
      %swap3A_380 = vector.shape_cast %swap3A_379 : vector<16xf32> to vector<16xf32>
      %swap3A_381 = vector.shape_cast %gather3A_373 : vector<16xf32> to vector<16xf32>
      tpu.vector_store %arg9[%swap3A_378], %swap3A_381 {strides = array<i32>} : memref<73728xf32, #tpu.memory_space<vmem>>, vector<16xf32>,
      %mul3A_382 = arith.muli %gather3A_329, %sub3A_102 : vector<16xi32>
      %add3A_383 = arith.addi %get3A_28, %mul3A_382 : vector<16xi32>
      %broadcast_in_dim3A_384 = vector.shape_cast %add3A_383 : vector<16xi32> to vector<16x1xi32>
      %gather3A_385 = vector.shape_cast %broadcast_in_dim3A_384 : vector<16x1xi32> to vector<16xi32>
      %gather3A_386 = tpu.dynamic_gather %get3A_326[%gather3A_385] in [0] : vector<16xf32>, vector<16xi32> -> vector<16xf32>
      %mul3A_387 = arith.constant 144 : i32
      %mul3A_388 = arith.muli %add3A_321, %mul3A_387 : i32
      %add3A_389 = arith.constant 64 : i32
      %add3A_390 = arith.addi %mul3A_388, %add3A_389 : i32
      %swap3A_391 = arith.index_cast %add3A_390 : i32 to index
      %swap3A_392 = tpu.vector_load %arg9[%swap3A_391] {strides = array<i32>} : memref<73728xf32, #tpu.memory_space<vmem>>, vector<16xf32>,
      %swap3A_393 = vector.shape_cast %swap3A_392 : vector<16xf32> to vector<16xf32>
      %swap3A_394 = vector.shape_cast %gather3A_386 : vector<16xf32> to vector<16xf32>
      tpu.vector_store %arg9[%swap3A_391], %swap3A_394 {strides = array<i32>} : memref<73728xf32, #tpu.memory_space<vmem>>, vector<16xf32>,
      %mul3A_395 = arith.muli %gather3A_329, %sub3A_113 : vector<16xi32>
      %add3A_396 = arith.addi %get3A_33, %mul3A_395 : vector<16xi32>
      %broadcast_in_dim3A_397 = vector.shape_cast %add3A_396 : vector<16xi32> to vector<16x1xi32>
      %gather3A_398 = vector.shape_cast %broadcast_in_dim3A_397 : vector<16x1xi32> to vector<16xi32>
      %gather3A_399 = tpu.dynamic_gather %get3A_326[%gather3A_398] in [0] : vector<16xf32>, vector<16xi32> -> vector<16xf32>
      %mul3A_400 = arith.constant 144 : i32
      %mul3A_401 = arith.muli %add3A_321, %mul3A_400 : i32
      %add3A_402 = arith.constant 80 : i32
      %add3A_403 = arith.addi %mul3A_401, %add3A_402 : i32
      %swap3A_404 = arith.index_cast %add3A_403 : i32 to index
      %swap3A_405 = tpu.vector_load %arg9[%swap3A_404] {strides = array<i32>} : memref<73728xf32, #tpu.memory_space<vmem>>, vector<16xf32>,
      %swap3A_406 = vector.shape_cast %swap3A_405 : vector<16xf32> to vector<16xf32>
      %swap3A_407 = vector.shape_cast %gather3A_399 : vector<16xf32> to vector<16xf32>
      tpu.vector_store %arg9[%swap3A_404], %swap3A_407 {strides = array<i32>} : memref<73728xf32, #tpu.memory_space<vmem>>, vector<16xf32>,
      %mul3A_408 = arith.muli %gather3A_329, %sub3A_124 : vector<16xi32>
      %add3A_409 = arith.addi %get3A_38, %mul3A_408 : vector<16xi32>
      %broadcast_in_dim3A_410 = vector.shape_cast %add3A_409 : vector<16xi32> to vector<16x1xi32>
      %gather3A_411 = vector.shape_cast %broadcast_in_dim3A_410 : vector<16x1xi32> to vector<16xi32>
      %gather3A_412 = tpu.dynamic_gather %get3A_326[%gather3A_411] in [0] : vector<16xf32>, vector<16xi32> -> vector<16xf32>
      %mul3A_413 = arith.constant 144 : i32
      %mul3A_414 = arith.muli %add3A_321, %mul3A_413 : i32
      %add3A_415 = arith.constant 96 : i32
      %add3A_416 = arith.addi %mul3A_414, %add3A_415 : i32
      %swap3A_417 = arith.index_cast %add3A_416 : i32 to index
      %swap3A_418 = tpu.vector_load %arg9[%swap3A_417] {strides = array<i32>} : memref<73728xf32, #tpu.memory_space<vmem>>, vector<16xf32>,
      %swap3A_419 = vector.shape_cast %swap3A_418 : vector<16xf32> to vector<16xf32>
      %swap3A_420 = vector.shape_cast %gather3A_412 : vector<16xf32> to vector<16xf32>
      tpu.vector_store %arg9[%swap3A_417], %swap3A_420 {strides = array<i32>} : memref<73728xf32, #tpu.memory_space<vmem>>, vector<16xf32>,
      %mul3A_421 = arith.muli %gather3A_329, %sub3A_135 : vector<16xi32>
      %add3A_422 = arith.addi %get3A_43, %mul3A_421 : vector<16xi32>
      %broadcast_in_dim3A_423 = vector.shape_cast %add3A_422 : vector<16xi32> to vector<16x1xi32>
      %gather3A_424 = vector.shape_cast %broadcast_in_dim3A_423 : vector<16x1xi32> to vector<16xi32>
      %gather3A_425 = tpu.dynamic_gather %get3A_326[%gather3A_424] in [0] : vector<16xf32>, vector<16xi32> -> vector<16xf32>
      %mul3A_426 = arith.constant 144 : i32
      %mul3A_427 = arith.muli %add3A_321, %mul3A_426 : i32
      %add3A_428 = arith.constant 112 : i32
      %add3A_429 = arith.addi %mul3A_427, %add3A_428 : i32
      %swap3A_430 = arith.index_cast %add3A_429 : i32 to index
      %swap3A_431 = tpu.vector_load %arg9[%swap3A_430] {strides = array<i32>} : memref<73728xf32, #tpu.memory_space<vmem>>, vector<16xf32>,
      %swap3A_432 = vector.shape_cast %swap3A_431 : vector<16xf32> to vector<16xf32>
      %swap3A_433 = vector.shape_cast %gather3A_425 : vector<16xf32> to vector<16xf32>
      tpu.vector_store %arg9[%swap3A_430], %swap3A_433 {strides = array<i32>} : memref<73728xf32, #tpu.memory_space<vmem>>, vector<16xf32>,
      %mul3A_434 = arith.muli %gather3A_329, %sub3A_146 : vector<16xi32>
      %add3A_435 = arith.addi %get3A_48, %mul3A_434 : vector<16xi32>
      %broadcast_in_dim3A_436 = vector.shape_cast %add3A_435 : vector<16xi32> to vector<16x1xi32>
      %gather3A_437 = vector.shape_cast %broadcast_in_dim3A_436 : vector<16x1xi32> to vector<16xi32>
      %gather3A_438 = tpu.dynamic_gather %get3A_326[%gather3A_437] in [0] : vector<16xf32>, vector<16xi32> -> vector<16xf32>
      %mul3A_439 = arith.constant 144 : i32
      %mul3A_440 = arith.muli %add3A_321, %mul3A_439 : i32
      %add3A_441 = arith.constant 128 : i32
      %add3A_442 = arith.addi %mul3A_440, %add3A_441 : i32
      %swap3A_443 = arith.index_cast %add3A_442 : i32 to index
      %swap3A_444 = tpu.vector_load %arg9[%swap3A_443] {strides = array<i32>} : memref<73728xf32, #tpu.memory_space<vmem>>, vector<16xf32>,
      %swap3A_445 = vector.shape_cast %swap3A_444 : vector<16xf32> to vector<16xf32>
      %swap3A_446 = vector.shape_cast %gather3A_438 : vector<16xf32> to vector<16xf32>
      tpu.vector_store %arg9[%swap3A_443], %swap3A_446 {strides = array<i32>} : memref<73728xf32, #tpu.memory_space<vmem>>, vector<16xf32>,
      %mul3A_447 = arith.constant 16 : i32
      %mul3A_448 = arith.muli %scan3A_185, %mul3A_447 : i32
      %add3A_449 = arith.constant 2 : i32
      %add3A_450 = arith.addi %mul3A_448, %add3A_449 : i32
      %mul3A_451 = arith.constant 16 : i32
      %mul3A_452 = arith.muli %add3A_450, %mul3A_451 : i32
      %get3A_453 = arith.index_cast %mul3A_452 : i32 to index
      %get3A_454 = tpu.vector_load %arg7[%get3A_453] {strides = array<i32>} : memref<8192xf32, #tpu.memory_space<vmem>>, vector<16xf32>,
      %get3A_455 = vector.shape_cast %get3A_454 : vector<16xf32> to vector<16xf32>
      %broadcast_in_dim3A_456 = vector.shape_cast %broadcast_in_dim3A_151 : vector<16xi32> to vector<16x1xi32>
      %gather3A_457 = vector.shape_cast %broadcast_in_dim3A_456 : vector<16x1xi32> to vector<16xi32>
      %gather3A_458 = tpu.dynamic_gather %get3A_190[%gather3A_457] in [0] : vector<16xi32>, vector<16xi32> -> vector<16xi32>
      %mul3A_459 = arith.muli %gather3A_458, %sub3A : vector<16xi32>
      %add3A_460 = arith.addi %get3A_8, %mul3A_459 : vector<16xi32>
      %broadcast_in_dim3A_461 = vector.shape_cast %add3A_460 : vector<16xi32> to vector<16x1xi32>
      %gather3A_462 = vector.shape_cast %broadcast_in_dim3A_461 : vector<16x1xi32> to vector<16xi32>
      %gather3A_463 = tpu.dynamic_gather %get3A_455[%gather3A_462] in [0] : vector<16xf32>, vector<16xi32> -> vector<16xf32>
      %mul3A_464 = arith.constant 144 : i32
      %mul3A_465 = arith.muli %add3A_450, %mul3A_464 : i32
      %add3A_466 = arith.constant 0 : i32
      %add3A_467 = arith.addi %mul3A_465, %add3A_466 : i32
      %swap3A_468 = arith.index_cast %add3A_467 : i32 to index
      %swap3A_469 = tpu.vector_load %arg9[%swap3A_468] {strides = array<i32>} : memref<73728xf32, #tpu.memory_space<vmem>>, vector<16xf32>,
      %swap3A_470 = vector.shape_cast %swap3A_469 : vector<16xf32> to vector<16xf32>
      %swap3A_471 = vector.shape_cast %gather3A_463 : vector<16xf32> to vector<16xf32>
      tpu.vector_store %arg9[%swap3A_468], %swap3A_471 {strides = array<i32>} : memref<73728xf32, #tpu.memory_space<vmem>>, vector<16xf32>,
      %mul3A_472 = arith.muli %gather3A_458, %sub3A_69 : vector<16xi32>
      %add3A_473 = arith.addi %get3A_13, %mul3A_472 : vector<16xi32>
      %broadcast_in_dim3A_474 = vector.shape_cast %add3A_473 : vector<16xi32> to vector<16x1xi32>
      %gather3A_475 = vector.shape_cast %broadcast_in_dim3A_474 : vector<16x1xi32> to vector<16xi32>
      %gather3A_476 = tpu.dynamic_gather %get3A_455[%gather3A_475] in [0] : vector<16xf32>, vector<16xi32> -> vector<16xf32>
      %mul3A_477 = arith.constant 144 : i32
      %mul3A_478 = arith.muli %add3A_450, %mul3A_477 : i32
      %add3A_479 = arith.constant 16 : i32
      %add3A_480 = arith.addi %mul3A_478, %add3A_479 : i32
      %swap3A_481 = arith.index_cast %add3A_480 : i32 to index
      %swap3A_482 = tpu.vector_load %arg9[%swap3A_481] {strides = array<i32>} : memref<73728xf32, #tpu.memory_space<vmem>>, vector<16xf32>,
      %swap3A_483 = vector.shape_cast %swap3A_482 : vector<16xf32> to vector<16xf32>
      %swap3A_484 = vector.shape_cast %gather3A_476 : vector<16xf32> to vector<16xf32>
      tpu.vector_store %arg9[%swap3A_481], %swap3A_484 {strides = array<i32>} : memref<73728xf32, #tpu.memory_space<vmem>>, vector<16xf32>,
      %mul3A_485 = arith.muli %gather3A_458, %sub3A_80 : vector<16xi32>
      %add3A_486 = arith.addi %get3A_18, %mul3A_485 : vector<16xi32>
      %broadcast_in_dim3A_487 = vector.shape_cast %add3A_486 : vector<16xi32> to vector<16x1xi32>
      %gather3A_488 = vector.shape_cast %broadcast_in_dim3A_487 : vector<16x1xi32> to vector<16xi32>
      %gather3A_489 = tpu.dynamic_gather %get3A_455[%gather3A_488] in [0] : vector<16xf32>, vector<16xi32> -> vector<16xf32>
      %mul3A_490 = arith.constant 144 : i32
      %mul3A_491 = arith.muli %add3A_450, %mul3A_490 : i32
      %add3A_492 = arith.constant 32 : i32
      %add3A_493 = arith.addi %mul3A_491, %add3A_492 : i32
      %swap3A_494 = arith.index_cast %add3A_493 : i32 to index
      %swap3A_495 = tpu.vector_load %arg9[%swap3A_494] {strides = array<i32>} : memref<73728xf32, #tpu.memory_space<vmem>>, vector<16xf32>,
      %swap3A_496 = vector.shape_cast %swap3A_495 : vector<16xf32> to vector<16xf32>
      %swap3A_497 = vector.shape_cast %gather3A_489 : vector<16xf32> to vector<16xf32>
      tpu.vector_store %arg9[%swap3A_494], %swap3A_497 {strides = array<i32>} : memref<73728xf32, #tpu.memory_space<vmem>>, vector<16xf32>,
      %mul3A_498 = arith.muli %gather3A_458, %sub3A_91 : vector<16xi32>
      %add3A_499 = arith.addi %get3A_23, %mul3A_498 : vector<16xi32>
      %broadcast_in_dim3A_500 = vector.shape_cast %add3A_499 : vector<16xi32> to vector<16x1xi32>
      %gather3A_501 = vector.shape_cast %broadcast_in_dim3A_500 : vector<16x1xi32> to vector<16xi32>
      %gather3A_502 = tpu.dynamic_gather %get3A_455[%gather3A_501] in [0] : vector<16xf32>, vector<16xi32> -> vector<16xf32>
      %mul3A_503 = arith.constant 144 : i32
      %mul3A_504 = arith.muli %add3A_450, %mul3A_503 : i32
      %add3A_505 = arith.constant 48 : i32
      %add3A_506 = arith.addi %mul3A_504, %add3A_505 : i32
      %swap3A_507 = arith.index_cast %add3A_506 : i32 to index
      %swap3A_508 = tpu.vector_load %arg9[%swap3A_507] {strides = array<i32>} : memref<73728xf32, #tpu.memory_space<vmem>>, vector<16xf32>,
      %swap3A_509 = vector.shape_cast %swap3A_508 : vector<16xf32> to vector<16xf32>
      %swap3A_510 = vector.shape_cast %gather3A_502 : vector<16xf32> to vector<16xf32>
      tpu.vector_store %arg9[%swap3A_507], %swap3A_510 {strides = array<i32>} : memref<73728xf32, #tpu.memory_space<vmem>>, vector<16xf32>,
      %mul3A_511 = arith.muli %gather3A_458, %sub3A_102 : vector<16xi32>
      %add3A_512 = arith.addi %get3A_28, %mul3A_511 : vector<16xi32>
      %broadcast_in_dim3A_513 = vector.shape_cast %add3A_512 : vector<16xi32> to vector<16x1xi32>
      %gather3A_514 = vector.shape_cast %broadcast_in_dim3A_513 : vector<16x1xi32> to vector<16xi32>
      %gather3A_515 = tpu.dynamic_gather %get3A_455[%gather3A_514] in [0] : vector<16xf32>, vector<16xi32> -> vector<16xf32>
      %mul3A_516 = arith.constant 144 : i32
      %mul3A_517 = arith.muli %add3A_450, %mul3A_516 : i32
      %add3A_518 = arith.constant 64 : i32
      %add3A_519 = arith.addi %mul3A_517, %add3A_518 : i32
      %swap3A_520 = arith.index_cast %add3A_519 : i32 to index
      %swap3A_521 = tpu.vector_load %arg9[%swap3A_520] {strides = array<i32>} : memref<73728xf32, #tpu.memory_space<vmem>>, vector<16xf32>,
      %swap3A_522 = vector.shape_cast %swap3A_521 : vector<16xf32> to vector<16xf32>
      %swap3A_523 = vector.shape_cast %gather3A_515 : vector<16xf32> to vector<16xf32>
      tpu.vector_store %arg9[%swap3A_520], %swap3A_523 {strides = array<i32>} : memref<73728xf32, #tpu.memory_space<vmem>>, vector<16xf32>,
      %mul3A_524 = arith.muli %gather3A_458, %sub3A_113 : vector<16xi32>
      %add3A_525 = arith.addi %get3A_33, %mul3A_524 : vector<16xi32>
      %broadcast_in_dim3A_526 = vector.shape_cast %add3A_525 : vector<16xi32> to vector<16x1xi32>
      %gather3A_527 = vector.shape_cast %broadcast_in_dim3A_526 : vector<16x1xi32> to vector<16xi32>
      %gather3A_528 = tpu.dynamic_gather %get3A_455[%gather3A_527] in [0] : vector<16xf32>, vector<16xi32> -> vector<16xf32>
      %mul3A_529 = arith.constant 144 : i32
      %mul3A_530 = arith.muli %add3A_450, %mul3A_529 : i32
      %add3A_531 = arith.constant 80 : i32
      %add3A_532 = arith.addi %mul3A_530, %add3A_531 : i32
      %swap3A_533 = arith.index_cast %add3A_532 : i32 to index
      %swap3A_534 = tpu.vector_load %arg9[%swap3A_533] {strides = array<i32>} : memref<73728xf32, #tpu.memory_space<vmem>>, vector<16xf32>,
      %swap3A_535 = vector.shape_cast %swap3A_534 : vector<16xf32> to vector<16xf32>
      %swap3A_536 = vector.shape_cast %gather3A_528 : vector<16xf32> to vector<16xf32>
      tpu.vector_store %arg9[%swap3A_533], %swap3A_536 {strides = array<i32>} : memref<73728xf32, #tpu.memory_space<vmem>>, vector<16xf32>,
      %mul3A_537 = arith.muli %gather3A_458, %sub3A_124 : vector<16xi32>
      %add3A_538 = arith.addi %get3A_38, %mul3A_537 : vector<16xi32>
      %broadcast_in_dim3A_539 = vector.shape_cast %add3A_538 : vector<16xi32> to vector<16x1xi32>
      %gather3A_540 = vector.shape_cast %broadcast_in_dim3A_539 : vector<16x1xi32> to vector<16xi32>
      %gather3A_541 = tpu.dynamic_gather %get3A_455[%gather3A_540] in [0] : vector<16xf32>, vector<16xi32> -> vector<16xf32>
      %mul3A_542 = arith.constant 144 : i32
      %mul3A_543 = arith.muli %add3A_450, %mul3A_542 : i32
      %add3A_544 = arith.constant 96 : i32
      %add3A_545 = arith.addi %mul3A_543, %add3A_544 : i32
      %swap3A_546 = arith.index_cast %add3A_545 : i32 to index
      %swap3A_547 = tpu.vector_load %arg9[%swap3A_546] {strides = array<i32>} : memref<73728xf32, #tpu.memory_space<vmem>>, vector<16xf32>,
      %swap3A_548 = vector.shape_cast %swap3A_547 : vector<16xf32> to vector<16xf32>
      %swap3A_549 = vector.shape_cast %gather3A_541 : vector<16xf32> to vector<16xf32>
      tpu.vector_store %arg9[%swap3A_546], %swap3A_549 {strides = array<i32>} : memref<73728xf32, #tpu.memory_space<vmem>>, vector<16xf32>,
      %mul3A_550 = arith.muli %gather3A_458, %sub3A_135 : vector<16xi32>
      %add3A_551 = arith.addi %get3A_43, %mul3A_550 : vector<16xi32>
      %broadcast_in_dim3A_552 = vector.shape_cast %add3A_551 : vector<16xi32> to vector<16x1xi32>
      %gather3A_553 = vector.shape_cast %broadcast_in_dim3A_552 : vector<16x1xi32> to vector<16xi32>
      %gather3A_554 = tpu.dynamic_gather %get3A_455[%gather3A_553] in [0] : vector<16xf32>, vector<16xi32> -> vector<16xf32>
      %mul3A_555 = arith.constant 144 : i32
      %mul3A_556 = arith.muli %add3A_450, %mul3A_555 : i32
      %add3A_557 = arith.constant 112 : i32
      %add3A_558 = arith.addi %mul3A_556, %add3A_557 : i32
      %swap3A_559 = arith.index_cast %add3A_558 : i32 to index
      %swap3A_560 = tpu.vector_load %arg9[%swap3A_559] {strides = array<i32>} : memref<73728xf32, #tpu.memory_space<vmem>>, vector<16xf32>,
      %swap3A_561 = vector.shape_cast %swap3A_560 : vector<16xf32> to vector<16xf32>
      %swap3A_562 = vector.shape_cast %gather3A_554 : vector<16xf32> to vector<16xf32>
      tpu.vector_store %arg9[%swap3A_559], %swap3A_562 {strides = array<i32>} : memref<73728xf32, #tpu.memory_space<vmem>>, vector<16xf32>,
      %mul3A_563 = arith.muli %gather3A_458, %sub3A_146 : vector<16xi32>
      %add3A_564 = arith.addi %get3A_48, %mul3A_563 : vector<16xi32>
      %broadcast_in_dim3A_565 = vector.shape_cast %add3A_564 : vector<16xi32> to vector<16x1xi32>
      %gather3A_566 = vector.shape_cast %broadcast_in_dim3A_565 : vector<16x1xi32> to vector<16xi32>
      %gather3A_567 = tpu.dynamic_gather %get3A_455[%gather3A_566] in [0] : vector<16xf32>, vector<16xi32> -> vector<16xf32>
      %mul3A_568 = arith.constant 144 : i32
      %mul3A_569 = arith.muli %add3A_450, %mul3A_568 : i32
      %add3A_570 = arith.constant 128 : i32
      %add3A_571 = arith.addi %mul3A_569, %add3A_570 : i32
      %swap3A_572 = arith.index_cast %add3A_571 : i32 to index
      %swap3A_573 = tpu.vector_load %arg9[%swap3A_572] {strides = array<i32>} : memref<73728xf32, #tpu.memory_space<vmem>>, vector<16xf32>,
      %swap3A_574 = vector.shape_cast %swap3A_573 : vector<16xf32> to vector<16xf32>
      %swap3A_575 = vector.shape_cast %gather3A_567 : vector<16xf32> to vector<16xf32>
      tpu.vector_store %arg9[%swap3A_572], %swap3A_575 {strides = array<i32>} : memref<73728xf32, #tpu.memory_space<vmem>>, vector<16xf32>,
      %mul3A_576 = arith.constant 16 : i32
      %mul3A_577 = arith.muli %scan3A_185, %mul3A_576 : i32
      %add3A_578 = arith.constant 3 : i32
      %add3A_579 = arith.addi %mul3A_577, %add3A_578 : i32
      %mul3A_580 = arith.constant 16 : i32
      %mul3A_581 = arith.muli %add3A_579, %mul3A_580 : i32
      %get3A_582 = arith.index_cast %mul3A_581 : i32 to index
      %get3A_583 = tpu.vector_load %arg7[%get3A_582] {strides = array<i32>} : memref<8192xf32, #tpu.memory_space<vmem>>, vector<16xf32>,
      %get3A_584 = vector.shape_cast %get3A_583 : vector<16xf32> to vector<16xf32>
      %broadcast_in_dim3A_585 = vector.shape_cast %broadcast_in_dim3A_153 : vector<16xi32> to vector<16x1xi32>
      %gather3A_586 = vector.shape_cast %broadcast_in_dim3A_585 : vector<16x1xi32> to vector<16xi32>
      %gather3A_587 = tpu.dynamic_gather %get3A_190[%gather3A_586] in [0] : vector<16xi32>, vector<16xi32> -> vector<16xi32>
      %mul3A_588 = arith.muli %gather3A_587, %sub3A : vector<16xi32>
      %add3A_589 = arith.addi %get3A_8, %mul3A_588 : vector<16xi32>
      %broadcast_in_dim3A_590 = vector.shape_cast %add3A_589 : vector<16xi32> to vector<16x1xi32>
      %gather3A_591 = vector.shape_cast %broadcast_in_dim3A_590 : vector<16x1xi32> to vector<16xi32>
      %gather3A_592 = tpu.dynamic_gather %get3A_584[%gather3A_591] in [0] : vector<16xf32>, vector<16xi32> -> vector<16xf32>
      %mul3A_593 = arith.constant 144 : i32
      %mul3A_594 = arith.muli %add3A_579, %mul3A_593 : i32
      %add3A_595 = arith.constant 0 : i32
      %add3A_596 = arith.addi %mul3A_594, %add3A_595 : i32
      %swap3A_597 = arith.index_cast %add3A_596 : i32 to index
      %swap3A_598 = tpu.vector_load %arg9[%swap3A_597] {strides = array<i32>} : memref<73728xf32, #tpu.memory_space<vmem>>, vector<16xf32>,
      %swap3A_599 = vector.shape_cast %swap3A_598 : vector<16xf32> to vector<16xf32>
      %swap3A_600 = vector.shape_cast %gather3A_592 : vector<16xf32> to vector<16xf32>
      tpu.vector_store %arg9[%swap3A_597], %swap3A_600 {strides = array<i32>} : memref<73728xf32, #tpu.memory_space<vmem>>, vector<16xf32>,
      %mul3A_601 = arith.muli %gather3A_587, %sub3A_69 : vector<16xi32>
      %add3A_602 = arith.addi %get3A_13, %mul3A_601 : vector<16xi32>
      %broadcast_in_dim3A_603 = vector.shape_cast %add3A_602 : vector<16xi32> to vector<16x1xi32>
      %gather3A_604 = vector.shape_cast %broadcast_in_dim3A_603 : vector<16x1xi32> to vector<16xi32>
      %gather3A_605 = tpu.dynamic_gather %get3A_584[%gather3A_604] in [0] : vector<16xf32>, vector<16xi32> -> vector<16xf32>
      %mul3A_606 = arith.constant 144 : i32
      %mul3A_607 = arith.muli %add3A_579, %mul3A_606 : i32
      %add3A_608 = arith.constant 16 : i32
      %add3A_609 = arith.addi %mul3A_607, %add3A_608 : i32
      %swap3A_610 = arith.index_cast %add3A_609 : i32 to index
      %swap3A_611 = tpu.vector_load %arg9[%swap3A_610] {strides = array<i32>} : memref<73728xf32, #tpu.memory_space<vmem>>, vector<16xf32>,
      %swap3A_612 = vector.shape_cast %swap3A_611 : vector<16xf32> to vector<16xf32>
      %swap3A_613 = vector.shape_cast %gather3A_605 : vector<16xf32> to vector<16xf32>
      tpu.vector_store %arg9[%swap3A_610], %swap3A_613 {strides = array<i32>} : memref<73728xf32, #tpu.memory_space<vmem>>, vector<16xf32>,
      %mul3A_614 = arith.muli %gather3A_587, %sub3A_80 : vector<16xi32>
      %add3A_615 = arith.addi %get3A_18, %mul3A_614 : vector<16xi32>
      %broadcast_in_dim3A_616 = vector.shape_cast %add3A_615 : vector<16xi32> to vector<16x1xi32>
      %gather3A_617 = vector.shape_cast %broadcast_in_dim3A_616 : vector<16x1xi32> to vector<16xi32>
      %gather3A_618 = tpu.dynamic_gather %get3A_584[%gather3A_617] in [0] : vector<16xf32>, vector<16xi32> -> vector<16xf32>
      %mul3A_619 = arith.constant 144 : i32
      %mul3A_620 = arith.muli %add3A_579, %mul3A_619 : i32
      %add3A_621 = arith.constant 32 : i32
      %add3A_622 = arith.addi %mul3A_620, %add3A_621 : i32
      %swap3A_623 = arith.index_cast %add3A_622 : i32 to index
      %swap3A_624 = tpu.vector_load %arg9[%swap3A_623] {strides = array<i32>} : memref<73728xf32, #tpu.memory_space<vmem>>, vector<16xf32>,
      %swap3A_625 = vector.shape_cast %swap3A_624 : vector<16xf32> to vector<16xf32>
      %swap3A_626 = vector.shape_cast %gather3A_618 : vector<16xf32> to vector<16xf32>
      tpu.vector_store %arg9[%swap3A_623], %swap3A_626 {strides = array<i32>} : memref<73728xf32, #tpu.memory_space<vmem>>, vector<16xf32>,
      %mul3A_627 = arith.muli %gather3A_587, %sub3A_91 : vector<16xi32>
      %add3A_628 = arith.addi %get3A_23, %mul3A_627 : vector<16xi32>
      %broadcast_in_dim3A_629 = vector.shape_cast %add3A_628 : vector<16xi32> to vector<16x1xi32>
      %gather3A_630 = vector.shape_cast %broadcast_in_dim3A_629 : vector<16x1xi32> to vector<16xi32>
      %gather3A_631 = tpu.dynamic_gather %get3A_584[%gather3A_630] in [0] : vector<16xf32>, vector<16xi32> -> vector<16xf32>
      %mul3A_632 = arith.constant 144 : i32
      %mul3A_633 = arith.muli %add3A_579, %mul3A_632 : i32
      %add3A_634 = arith.constant 48 : i32
      %add3A_635 = arith.addi %mul3A_633, %add3A_634 : i32
      %swap3A_636 = arith.index_cast %add3A_635 : i32 to index
      %swap3A_637 = tpu.vector_load %arg9[%swap3A_636] {strides = array<i32>} : memref<73728xf32, #tpu.memory_space<vmem>>, vector<16xf32>,
      %swap3A_638 = vector.shape_cast %swap3A_637 : vector<16xf32> to vector<16xf32>
      %swap3A_639 = vector.shape_cast %gather3A_631 : vector<16xf32> to vector<16xf32>
      tpu.vector_store %arg9[%swap3A_636], %swap3A_639 {strides = array<i32>} : memref<73728xf32, #tpu.memory_space<vmem>>, vector<16xf32>,
      %mul3A_640 = arith.muli %gather3A_587, %sub3A_102 : vector<16xi32>
      %add3A_641 = arith.addi %get3A_28, %mul3A_640 : vector<16xi32>
      %broadcast_in_dim3A_642 = vector.shape_cast %add3A_641 : vector<16xi32> to vector<16x1xi32>
      %gather3A_643 = vector.shape_cast %broadcast_in_dim3A_642 : vector<16x1xi32> to vector<16xi32>
      %gather3A_644 = tpu.dynamic_gather %get3A_584[%gather3A_643] in [0] : vector<16xf32>, vector<16xi32> -> vector<16xf32>
      %mul3A_645 = arith.constant 144 : i32
      %mul3A_646 = arith.muli %add3A_579, %mul3A_645 : i32
      %add3A_647 = arith.constant 64 : i32
      %add3A_648 = arith.addi %mul3A_646, %add3A_647 : i32
      %swap3A_649 = arith.index_cast %add3A_648 : i32 to index
      %swap3A_650 = tpu.vector_load %arg9[%swap3A_649] {strides = array<i32>} : memref<73728xf32, #tpu.memory_space<vmem>>, vector<16xf32>,
      %swap3A_651 = vector.shape_cast %swap3A_650 : vector<16xf32> to vector<16xf32>
      %swap3A_652 = vector.shape_cast %gather3A_644 : vector<16xf32> to vector<16xf32>
      tpu.vector_store %arg9[%swap3A_649], %swap3A_652 {strides = array<i32>} : memref<73728xf32, #tpu.memory_space<vmem>>, vector<16xf32>,
      %mul3A_653 = arith.muli %gather3A_587, %sub3A_113 : vector<16xi32>
      %add3A_654 = arith.addi %get3A_33, %mul3A_653 : vector<16xi32>
      %broadcast_in_dim3A_655 = vector.shape_cast %add3A_654 : vector<16xi32> to vector<16x1xi32>
      %gather3A_656 = vector.shape_cast %broadcast_in_dim3A_655 : vector<16x1xi32> to vector<16xi32>
      %gather3A_657 = tpu.dynamic_gather %get3A_584[%gather3A_656] in [0] : vector<16xf32>, vector<16xi32> -> vector<16xf32>
      %mul3A_658 = arith.constant 144 : i32
      %mul3A_659 = arith.muli %add3A_579, %mul3A_658 : i32
      %add3A_660 = arith.constant 80 : i32
      %add3A_661 = arith.addi %mul3A_659, %add3A_660 : i32
      %swap3A_662 = arith.index_cast %add3A_661 : i32 to index
      %swap3A_663 = tpu.vector_load %arg9[%swap3A_662] {strides = array<i32>} : memref<73728xf32, #tpu.memory_space<vmem>>, vector<16xf32>,
      %swap3A_664 = vector.shape_cast %swap3A_663 : vector<16xf32> to vector<16xf32>
      %swap3A_665 = vector.shape_cast %gather3A_657 : vector<16xf32> to vector<16xf32>
      tpu.vector_store %arg9[%swap3A_662], %swap3A_665 {strides = array<i32>} : memref<73728xf32, #tpu.memory_space<vmem>>, vector<16xf32>,
      %mul3A_666 = arith.muli %gather3A_587, %sub3A_124 : vector<16xi32>
      %add3A_667 = arith.addi %get3A_38, %mul3A_666 : vector<16xi32>
      %broadcast_in_dim3A_668 = vector.shape_cast %add3A_667 : vector<16xi32> to vector<16x1xi32>
      %gather3A_669 = vector.shape_cast %broadcast_in_dim3A_668 : vector<16x1xi32> to vector<16xi32>
      %gather3A_670 = tpu.dynamic_gather %get3A_584[%gather3A_669] in [0] : vector<16xf32>, vector<16xi32> -> vector<16xf32>
      %mul3A_671 = arith.constant 144 : i32
      %mul3A_672 = arith.muli %add3A_579, %mul3A_671 : i32
      %add3A_673 = arith.constant 96 : i32
      %add3A_674 = arith.addi %mul3A_672, %add3A_673 : i32
      %swap3A_675 = arith.index_cast %add3A_674 : i32 to index
      %swap3A_676 = tpu.vector_load %arg9[%swap3A_675] {strides = array<i32>} : memref<73728xf32, #tpu.memory_space<vmem>>, vector<16xf32>,
      %swap3A_677 = vector.shape_cast %swap3A_676 : vector<16xf32> to vector<16xf32>
      %swap3A_678 = vector.shape_cast %gather3A_670 : vector<16xf32> to vector<16xf32>
      tpu.vector_store %arg9[%swap3A_675], %swap3A_678 {strides = array<i32>} : memref<73728xf32, #tpu.memory_space<vmem>>, vector<16xf32>,
      %mul3A_679 = arith.muli %gather3A_587, %sub3A_135 : vector<16xi32>
      %add3A_680 = arith.addi %get3A_43, %mul3A_679 : vector<16xi32>
      %broadcast_in_dim3A_681 = vector.shape_cast %add3A_680 : vector<16xi32> to vector<16x1xi32>
      %gather3A_682 = vector.shape_cast %broadcast_in_dim3A_681 : vector<16x1xi32> to vector<16xi32>
      %gather3A_683 = tpu.dynamic_gather %get3A_584[%gather3A_682] in [0] : vector<16xf32>, vector<16xi32> -> vector<16xf32>
      %mul3A_684 = arith.constant 144 : i32
      %mul3A_685 = arith.muli %add3A_579, %mul3A_684 : i32
      %add3A_686 = arith.constant 112 : i32
      %add3A_687 = arith.addi %mul3A_685, %add3A_686 : i32
      %swap3A_688 = arith.index_cast %add3A_687 : i32 to index
      %swap3A_689 = tpu.vector_load %arg9[%swap3A_688] {strides = array<i32>} : memref<73728xf32, #tpu.memory_space<vmem>>, vector<16xf32>,
      %swap3A_690 = vector.shape_cast %swap3A_689 : vector<16xf32> to vector<16xf32>
      %swap3A_691 = vector.shape_cast %gather3A_683 : vector<16xf32> to vector<16xf32>
      tpu.vector_store %arg9[%swap3A_688], %swap3A_691 {strides = array<i32>} : memref<73728xf32, #tpu.memory_space<vmem>>, vector<16xf32>,
      %mul3A_692 = arith.muli %gather3A_587, %sub3A_146 : vector<16xi32>
      %add3A_693 = arith.addi %get3A_48, %mul3A_692 : vector<16xi32>
      %broadcast_in_dim3A_694 = vector.shape_cast %add3A_693 : vector<16xi32> to vector<16x1xi32>
      %gather3A_695 = vector.shape_cast %broadcast_in_dim3A_694 : vector<16x1xi32> to vector<16xi32>
      %gather3A_696 = tpu.dynamic_gather %get3A_584[%gather3A_695] in [0] : vector<16xf32>, vector<16xi32> -> vector<16xf32>
      %mul3A_697 = arith.constant 144 : i32
      %mul3A_698 = arith.muli %add3A_579, %mul3A_697 : i32
      %add3A_699 = arith.constant 128 : i32
      %add3A_700 = arith.addi %mul3A_698, %add3A_699 : i32
      %swap3A_701 = arith.index_cast %add3A_700 : i32 to index
      %swap3A_702 = tpu.vector_load %arg9[%swap3A_701] {strides = array<i32>} : memref<73728xf32, #tpu.memory_space<vmem>>, vector<16xf32>,
      %swap3A_703 = vector.shape_cast %swap3A_702 : vector<16xf32> to vector<16xf32>
      %swap3A_704 = vector.shape_cast %gather3A_696 : vector<16xf32> to vector<16xf32>
      tpu.vector_store %arg9[%swap3A_701], %swap3A_704 {strides = array<i32>} : memref<73728xf32, #tpu.memory_space<vmem>>, vector<16xf32>,
      %mul3A_705 = arith.constant 16 : i32
      %mul3A_706 = arith.muli %scan3A_185, %mul3A_705 : i32
      %add3A_707 = arith.constant 4 : i32
      %add3A_708 = arith.addi %mul3A_706, %add3A_707 : i32
      %mul3A_709 = arith.constant 16 : i32
      %mul3A_710 = arith.muli %add3A_708, %mul3A_709 : i32
      %get3A_711 = arith.index_cast %mul3A_710 : i32 to index
      %get3A_712 = tpu.vector_load %arg7[%get3A_711] {strides = array<i32>} : memref<8192xf32, #tpu.memory_space<vmem>>, vector<16xf32>,
      %get3A_713 = vector.shape_cast %get3A_712 : vector<16xf32> to vector<16xf32>
      %broadcast_in_dim3A_714 = vector.shape_cast %broadcast_in_dim3A_155 : vector<16xi32> to vector<16x1xi32>
      %gather3A_715 = vector.shape_cast %broadcast_in_dim3A_714 : vector<16x1xi32> to vector<16xi32>
      %gather3A_716 = tpu.dynamic_gather %get3A_190[%gather3A_715] in [0] : vector<16xi32>, vector<16xi32> -> vector<16xi32>
      %mul3A_717 = arith.muli %gather3A_716, %sub3A : vector<16xi32>
      %add3A_718 = arith.addi %get3A_8, %mul3A_717 : vector<16xi32>
      %broadcast_in_dim3A_719 = vector.shape_cast %add3A_718 : vector<16xi32> to vector<16x1xi32>
      %gather3A_720 = vector.shape_cast %broadcast_in_dim3A_719 : vector<16x1xi32> to vector<16xi32>
      %gather3A_721 = tpu.dynamic_gather %get3A_713[%gather3A_720] in [0] : vector<16xf32>, vector<16xi32> -> vector<16xf32>
      %mul3A_722 = arith.constant 144 : i32
      %mul3A_723 = arith.muli %add3A_708, %mul3A_722 : i32
      %add3A_724 = arith.constant 0 : i32
      %add3A_725 = arith.addi %mul3A_723, %add3A_724 : i32
      %swap3A_726 = arith.index_cast %add3A_725 : i32 to index
      %swap3A_727 = tpu.vector_load %arg9[%swap3A_726] {strides = array<i32>} : memref<73728xf32, #tpu.memory_space<vmem>>, vector<16xf32>,
      %swap3A_728 = vector.shape_cast %swap3A_727 : vector<16xf32> to vector<16xf32>
      %swap3A_729 = vector.shape_cast %gather3A_721 : vector<16xf32> to vector<16xf32>
      tpu.vector_store %arg9[%swap3A_726], %swap3A_729 {strides = array<i32>} : memref<73728xf32, #tpu.memory_space<vmem>>, vector<16xf32>,
      %mul3A_730 = arith.muli %gather3A_716, %sub3A_69 : vector<16xi32>
      %add3A_731 = arith.addi %get3A_13, %mul3A_730 : vector<16xi32>
      %broadcast_in_dim3A_732 = vector.shape_cast %add3A_731 : vector<16xi32> to vector<16x1xi32>
      %gather3A_733 = vector.shape_cast %broadcast_in_dim3A_732 : vector<16x1xi32> to vector<16xi32>
      %gather3A_734 = tpu.dynamic_gather %get3A_713[%gather3A_733] in [0] : vector<16xf32>, vector<16xi32> -> vector<16xf32>
      %mul3A_735 = arith.constant 144 : i32
      %mul3A_736 = arith.muli %add3A_708, %mul3A_735 : i32
      %add3A_737 = arith.constant 16 : i32
      %add3A_738 = arith.addi %mul3A_736, %add3A_737 : i32
      %swap3A_739 = arith.index_cast %add3A_738 : i32 to index
      %swap3A_740 = tpu.vector_load %arg9[%swap3A_739] {strides = array<i32>} : memref<73728xf32, #tpu.memory_space<vmem>>, vector<16xf32>,
      %swap3A_741 = vector.shape_cast %swap3A_740 : vector<16xf32> to vector<16xf32>
      %swap3A_742 = vector.shape_cast %gather3A_734 : vector<16xf32> to vector<16xf32>
      tpu.vector_store %arg9[%swap3A_739], %swap3A_742 {strides = array<i32>} : memref<73728xf32, #tpu.memory_space<vmem>>, vector<16xf32>,
      %mul3A_743 = arith.muli %gather3A_716, %sub3A_80 : vector<16xi32>
      %add3A_744 = arith.addi %get3A_18, %mul3A_743 : vector<16xi32>
      %broadcast_in_dim3A_745 = vector.shape_cast %add3A_744 : vector<16xi32> to vector<16x1xi32>
      %gather3A_746 = vector.shape_cast %broadcast_in_dim3A_745 : vector<16x1xi32> to vector<16xi32>
      %gather3A_747 = tpu.dynamic_gather %get3A_713[%gather3A_746] in [0] : vector<16xf32>, vector<16xi32> -> vector<16xf32>
      %mul3A_748 = arith.constant 144 : i32
      %mul3A_749 = arith.muli %add3A_708, %mul3A_748 : i32
      %add3A_750 = arith.constant 32 : i32
      %add3A_751 = arith.addi %mul3A_749, %add3A_750 : i32
      %swap3A_752 = arith.index_cast %add3A_751 : i32 to index
      %swap3A_753 = tpu.vector_load %arg9[%swap3A_752] {strides = array<i32>} : memref<73728xf32, #tpu.memory_space<vmem>>, vector<16xf32>,
      %swap3A_754 = vector.shape_cast %swap3A_753 : vector<16xf32> to vector<16xf32>
      %swap3A_755 = vector.shape_cast %gather3A_747 : vector<16xf32> to vector<16xf32>
      tpu.vector_store %arg9[%swap3A_752], %swap3A_755 {strides = array<i32>} : memref<73728xf32, #tpu.memory_space<vmem>>, vector<16xf32>,
      %mul3A_756 = arith.muli %gather3A_716, %sub3A_91 : vector<16xi32>
      %add3A_757 = arith.addi %get3A_23, %mul3A_756 : vector<16xi32>
      %broadcast_in_dim3A_758 = vector.shape_cast %add3A_757 : vector<16xi32> to vector<16x1xi32>
      %gather3A_759 = vector.shape_cast %broadcast_in_dim3A_758 : vector<16x1xi32> to vector<16xi32>
      %gather3A_760 = tpu.dynamic_gather %get3A_713[%gather3A_759] in [0] : vector<16xf32>, vector<16xi32> -> vector<16xf32>
      %mul3A_761 = arith.constant 144 : i32
      %mul3A_762 = arith.muli %add3A_708, %mul3A_761 : i32
      %add3A_763 = arith.constant 48 : i32
      %add3A_764 = arith.addi %mul3A_762, %add3A_763 : i32
      %swap3A_765 = arith.index_cast %add3A_764 : i32 to index
      %swap3A_766 = tpu.vector_load %arg9[%swap3A_765] {strides = array<i32>} : memref<73728xf32, #tpu.memory_space<vmem>>, vector<16xf32>,
      %swap3A_767 = vector.shape_cast %swap3A_766 : vector<16xf32> to vector<16xf32>
      %swap3A_768 = vector.shape_cast %gather3A_760 : vector<16xf32> to vector<16xf32>
      tpu.vector_store %arg9[%swap3A_765], %swap3A_768 {strides = array<i32>} : memref<73728xf32, #tpu.memory_space<vmem>>, vector<16xf32>,
      %mul3A_769 = arith.muli %gather3A_716, %sub3A_102 : vector<16xi32>
      %add3A_770 = arith.addi %get3A_28, %mul3A_769 : vector<16xi32>
      %broadcast_in_dim3A_771 = vector.shape_cast %add3A_770 : vector<16xi32> to vector<16x1xi32>
      %gather3A_772 = vector.shape_cast %broadcast_in_dim3A_771 : vector<16x1xi32> to vector<16xi32>
      %gather3A_773 = tpu.dynamic_gather %get3A_713[%gather3A_772] in [0] : vector<16xf32>, vector<16xi32> -> vector<16xf32>
      %mul3A_774 = arith.constant 144 : i32
      %mul3A_775 = arith.muli %add3A_708, %mul3A_774 : i32
      %add3A_776 = arith.constant 64 : i32
      %add3A_777 = arith.addi %mul3A_775, %add3A_776 : i32
      %swap3A_778 = arith.index_cast %add3A_777 : i32 to index
      %swap3A_779 = tpu.vector_load %arg9[%swap3A_778] {strides = array<i32>} : memref<73728xf32, #tpu.memory_space<vmem>>, vector<16xf32>,
      %swap3A_780 = vector.shape_cast %swap3A_779 : vector<16xf32> to vector<16xf32>
      %swap3A_781 = vector.shape_cast %gather3A_773 : vector<16xf32> to vector<16xf32>
      tpu.vector_store %arg9[%swap3A_778], %swap3A_781 {strides = array<i32>} : memref<73728xf32, #tpu.memory_space<vmem>>, vector<16xf32>,
      %mul3A_782 = arith.muli %gather3A_716, %sub3A_113 : vector<16xi32>
      %add3A_783 = arith.addi %get3A_33, %mul3A_782 : vector<16xi32>
      %broadcast_in_dim3A_784 = vector.shape_cast %add3A_783 : vector<16xi32> to vector<16x1xi32>
      %gather3A_785 = vector.shape_cast %broadcast_in_dim3A_784 : vector<16x1xi32> to vector<16xi32>
      %gather3A_786 = tpu.dynamic_gather %get3A_713[%gather3A_785] in [0] : vector<16xf32>, vector<16xi32> -> vector<16xf32>
      %mul3A_787 = arith.constant 144 : i32
      %mul3A_788 = arith.muli %add3A_708, %mul3A_787 : i32
      %add3A_789 = arith.constant 80 : i32
      %add3A_790 = arith.addi %mul3A_788, %add3A_789 : i32
      %swap3A_791 = arith.index_cast %add3A_790 : i32 to index
      %swap3A_792 = tpu.vector_load %arg9[%swap3A_791] {strides = array<i32>} : memref<73728xf32, #tpu.memory_space<vmem>>, vector<16xf32>,
      %swap3A_793 = vector.shape_cast %swap3A_792 : vector<16xf32> to vector<16xf32>
      %swap3A_794 = vector.shape_cast %gather3A_786 : vector<16xf32> to vector<16xf32>
      tpu.vector_store %arg9[%swap3A_791], %swap3A_794 {strides = array<i32>} : memref<73728xf32, #tpu.memory_space<vmem>>, vector<16xf32>,
      %mul3A_795 = arith.muli %gather3A_716, %sub3A_124 : vector<16xi32>
      %add3A_796 = arith.addi %get3A_38, %mul3A_795 : vector<16xi32>
      %broadcast_in_dim3A_797 = vector.shape_cast %add3A_796 : vector<16xi32> to vector<16x1xi32>
      %gather3A_798 = vector.shape_cast %broadcast_in_dim3A_797 : vector<16x1xi32> to vector<16xi32>
      %gather3A_799 = tpu.dynamic_gather %get3A_713[%gather3A_798] in [0] : vector<16xf32>, vector<16xi32> -> vector<16xf32>
      %mul3A_800 = arith.constant 144 : i32
      %mul3A_801 = arith.muli %add3A_708, %mul3A_800 : i32
      %add3A_802 = arith.constant 96 : i32
      %add3A_803 = arith.addi %mul3A_801, %add3A_802 : i32
      %swap3A_804 = arith.index_cast %add3A_803 : i32 to index
      %swap3A_805 = tpu.vector_load %arg9[%swap3A_804] {strides = array<i32>} : memref<73728xf32, #tpu.memory_space<vmem>>, vector<16xf32>,
      %swap3A_806 = vector.shape_cast %swap3A_805 : vector<16xf32> to vector<16xf32>
      %swap3A_807 = vector.shape_cast %gather3A_799 : vector<16xf32> to vector<16xf32>
      tpu.vector_store %arg9[%swap3A_804], %swap3A_807 {strides = array<i32>} : memref<73728xf32, #tpu.memory_space<vmem>>, vector<16xf32>,
      %mul3A_808 = arith.muli %gather3A_716, %sub3A_135 : vector<16xi32>
      %add3A_809 = arith.addi %get3A_43, %mul3A_808 : vector<16xi32>
      %broadcast_in_dim3A_810 = vector.shape_cast %add3A_809 : vector<16xi32> to vector<16x1xi32>
      %gather3A_811 = vector.shape_cast %broadcast_in_dim3A_810 : vector<16x1xi32> to vector<16xi32>
      %gather3A_812 = tpu.dynamic_gather %get3A_713[%gather3A_811] in [0] : vector<16xf32>, vector<16xi32> -> vector<16xf32>
      %mul3A_813 = arith.constant 144 : i32
      %mul3A_814 = arith.muli %add3A_708, %mul3A_813 : i32
      %add3A_815 = arith.constant 112 : i32
      %add3A_816 = arith.addi %mul3A_814, %add3A_815 : i32
      %swap3A_817 = arith.index_cast %add3A_816 : i32 to index
      %swap3A_818 = tpu.vector_load %arg9[%swap3A_817] {strides = array<i32>} : memref<73728xf32, #tpu.memory_space<vmem>>, vector<16xf32>,
      %swap3A_819 = vector.shape_cast %swap3A_818 : vector<16xf32> to vector<16xf32>
      %swap3A_820 = vector.shape_cast %gather3A_812 : vector<16xf32> to vector<16xf32>
      tpu.vector_store %arg9[%swap3A_817], %swap3A_820 {strides = array<i32>} : memref<73728xf32, #tpu.memory_space<vmem>>, vector<16xf32>,
      %mul3A_821 = arith.muli %gather3A_716, %sub3A_146 : vector<16xi32>
      %add3A_822 = arith.addi %get3A_48, %mul3A_821 : vector<16xi32>
      %broadcast_in_dim3A_823 = vector.shape_cast %add3A_822 : vector<16xi32> to vector<16x1xi32>
      %gather3A_824 = vector.shape_cast %broadcast_in_dim3A_823 : vector<16x1xi32> to vector<16xi32>
      %gather3A_825 = tpu.dynamic_gather %get3A_713[%gather3A_824] in [0] : vector<16xf32>, vector<16xi32> -> vector<16xf32>
      %mul3A_826 = arith.constant 144 : i32
      %mul3A_827 = arith.muli %add3A_708, %mul3A_826 : i32
      %add3A_828 = arith.constant 128 : i32
      %add3A_829 = arith.addi %mul3A_827, %add3A_828 : i32
      %swap3A_830 = arith.index_cast %add3A_829 : i32 to index
      %swap3A_831 = tpu.vector_load %arg9[%swap3A_830] {strides = array<i32>} : memref<73728xf32, #tpu.memory_space<vmem>>, vector<16xf32>,
      %swap3A_832 = vector.shape_cast %swap3A_831 : vector<16xf32> to vector<16xf32>
      %swap3A_833 = vector.shape_cast %gather3A_825 : vector<16xf32> to vector<16xf32>
      tpu.vector_store %arg9[%swap3A_830], %swap3A_833 {strides = array<i32>} : memref<73728xf32, #tpu.memory_space<vmem>>, vector<16xf32>,
      %mul3A_834 = arith.constant 16 : i32
      %mul3A_835 = arith.muli %scan3A_185, %mul3A_834 : i32
      %add3A_836 = arith.constant 5 : i32
      %add3A_837 = arith.addi %mul3A_835, %add3A_836 : i32
      %mul3A_838 = arith.constant 16 : i32
      %mul3A_839 = arith.muli %add3A_837, %mul3A_838 : i32
      %get3A_840 = arith.index_cast %mul3A_839 : i32 to index
      %get3A_841 = tpu.vector_load %arg7[%get3A_840] {strides = array<i32>} : memref<8192xf32, #tpu.memory_space<vmem>>, vector<16xf32>,
      %get3A_842 = vector.shape_cast %get3A_841 : vector<16xf32> to vector<16xf32>
      %broadcast_in_dim3A_843 = vector.shape_cast %broadcast_in_dim3A_157 : vector<16xi32> to vector<16x1xi32>
      %gather3A_844 = vector.shape_cast %broadcast_in_dim3A_843 : vector<16x1xi32> to vector<16xi32>
      %gather3A_845 = tpu.dynamic_gather %get3A_190[%gather3A_844] in [0] : vector<16xi32>, vector<16xi32> -> vector<16xi32>
      %mul3A_846 = arith.muli %gather3A_845, %sub3A : vector<16xi32>
      %add3A_847 = arith.addi %get3A_8, %mul3A_846 : vector<16xi32>
      %broadcast_in_dim3A_848 = vector.shape_cast %add3A_847 : vector<16xi32> to vector<16x1xi32>
      %gather3A_849 = vector.shape_cast %broadcast_in_dim3A_848 : vector<16x1xi32> to vector<16xi32>
      %gather3A_850 = tpu.dynamic_gather %get3A_842[%gather3A_849] in [0] : vector<16xf32>, vector<16xi32> -> vector<16xf32>
      %mul3A_851 = arith.constant 144 : i32
      %mul3A_852 = arith.muli %add3A_837, %mul3A_851 : i32
      %add3A_853 = arith.constant 0 : i32
      %add3A_854 = arith.addi %mul3A_852, %add3A_853 : i32
      %swap3A_855 = arith.index_cast %add3A_854 : i32 to index
      %swap3A_856 = tpu.vector_load %arg9[%swap3A_855] {strides = array<i32>} : memref<73728xf32, #tpu.memory_space<vmem>>, vector<16xf32>,
      %swap3A_857 = vector.shape_cast %swap3A_856 : vector<16xf32> to vector<16xf32>
      %swap3A_858 = vector.shape_cast %gather3A_850 : vector<16xf32> to vector<16xf32>
      tpu.vector_store %arg9[%swap3A_855], %swap3A_858 {strides = array<i32>} : memref<73728xf32, #tpu.memory_space<vmem>>, vector<16xf32>,
      %mul3A_859 = arith.muli %gather3A_845, %sub3A_69 : vector<16xi32>
      %add3A_860 = arith.addi %get3A_13, %mul3A_859 : vector<16xi32>
      %broadcast_in_dim3A_861 = vector.shape_cast %add3A_860 : vector<16xi32> to vector<16x1xi32>
      %gather3A_862 = vector.shape_cast %broadcast_in_dim3A_861 : vector<16x1xi32> to vector<16xi32>
      %gather3A_863 = tpu.dynamic_gather %get3A_842[%gather3A_862] in [0] : vector<16xf32>, vector<16xi32> -> vector<16xf32>
      %mul3A_864 = arith.constant 144 : i32
      %mul3A_865 = arith.muli %add3A_837, %mul3A_864 : i32
      %add3A_866 = arith.constant 16 : i32
      %add3A_867 = arith.addi %mul3A_865, %add3A_866 : i32
      %swap3A_868 = arith.index_cast %add3A_867 : i32 to index
      %swap3A_869 = tpu.vector_load %arg9[%swap3A_868] {strides = array<i32>} : memref<73728xf32, #tpu.memory_space<vmem>>, vector<16xf32>,
      %swap3A_870 = vector.shape_cast %swap3A_869 : vector<16xf32> to vector<16xf32>
      %swap3A_871 = vector.shape_cast %gather3A_863 : vector<16xf32> to vector<16xf32>
      tpu.vector_store %arg9[%swap3A_868], %swap3A_871 {strides = array<i32>} : memref<73728xf32, #tpu.memory_space<vmem>>, vector<16xf32>,
      %mul3A_872 = arith.muli %gather3A_845, %sub3A_80 : vector<16xi32>
      %add3A_873 = arith.addi %get3A_18, %mul3A_872 : vector<16xi32>
      %broadcast_in_dim3A_874 = vector.shape_cast %add3A_873 : vector<16xi32> to vector<16x1xi32>
      %gather3A_875 = vector.shape_cast %broadcast_in_dim3A_874 : vector<16x1xi32> to vector<16xi32>
      %gather3A_876 = tpu.dynamic_gather %get3A_842[%gather3A_875] in [0] : vector<16xf32>, vector<16xi32> -> vector<16xf32>
      %mul3A_877 = arith.constant 144 : i32
      %mul3A_878 = arith.muli %add3A_837, %mul3A_877 : i32
      %add3A_879 = arith.constant 32 : i32
      %add3A_880 = arith.addi %mul3A_878, %add3A_879 : i32
      %swap3A_881 = arith.index_cast %add3A_880 : i32 to index
      %swap3A_882 = tpu.vector_load %arg9[%swap3A_881] {strides = array<i32>} : memref<73728xf32, #tpu.memory_space<vmem>>, vector<16xf32>,
      %swap3A_883 = vector.shape_cast %swap3A_882 : vector<16xf32> to vector<16xf32>
      %swap3A_884 = vector.shape_cast %gather3A_876 : vector<16xf32> to vector<16xf32>
      tpu.vector_store %arg9[%swap3A_881], %swap3A_884 {strides = array<i32>} : memref<73728xf32, #tpu.memory_space<vmem>>, vector<16xf32>,
      %mul3A_885 = arith.muli %gather3A_845, %sub3A_91 : vector<16xi32>
      %add3A_886 = arith.addi %get3A_23, %mul3A_885 : vector<16xi32>
      %broadcast_in_dim3A_887 = vector.shape_cast %add3A_886 : vector<16xi32> to vector<16x1xi32>
      %gather3A_888 = vector.shape_cast %broadcast_in_dim3A_887 : vector<16x1xi32> to vector<16xi32>
      %gather3A_889 = tpu.dynamic_gather %get3A_842[%gather3A_888] in [0] : vector<16xf32>, vector<16xi32> -> vector<16xf32>
      %mul3A_890 = arith.constant 144 : i32
      %mul3A_891 = arith.muli %add3A_837, %mul3A_890 : i32
      %add3A_892 = arith.constant 48 : i32
      %add3A_893 = arith.addi %mul3A_891, %add3A_892 : i32
      %swap3A_894 = arith.index_cast %add3A_893 : i32 to index
      %swap3A_895 = tpu.vector_load %arg9[%swap3A_894] {strides = array<i32>} : memref<73728xf32, #tpu.memory_space<vmem>>, vector<16xf32>,
      %swap3A_896 = vector.shape_cast %swap3A_895 : vector<16xf32> to vector<16xf32>
      %swap3A_897 = vector.shape_cast %gather3A_889 : vector<16xf32> to vector<16xf32>
      tpu.vector_store %arg9[%swap3A_894], %swap3A_897 {strides = array<i32>} : memref<73728xf32, #tpu.memory_space<vmem>>, vector<16xf32>,
      %mul3A_898 = arith.muli %gather3A_845, %sub3A_102 : vector<16xi32>
      %add3A_899 = arith.addi %get3A_28, %mul3A_898 : vector<16xi32>
      %broadcast_in_dim3A_900 = vector.shape_cast %add3A_899 : vector<16xi32> to vector<16x1xi32>
      %gather3A_901 = vector.shape_cast %broadcast_in_dim3A_900 : vector<16x1xi32> to vector<16xi32>
      %gather3A_902 = tpu.dynamic_gather %get3A_842[%gather3A_901] in [0] : vector<16xf32>, vector<16xi32> -> vector<16xf32>
      %mul3A_903 = arith.constant 144 : i32
      %mul3A_904 = arith.muli %add3A_837, %mul3A_903 : i32
      %add3A_905 = arith.constant 64 : i32
      %add3A_906 = arith.addi %mul3A_904, %add3A_905 : i32
      %swap3A_907 = arith.index_cast %add3A_906 : i32 to index
      %swap3A_908 = tpu.vector_load %arg9[%swap3A_907] {strides = array<i32>} : memref<73728xf32, #tpu.memory_space<vmem>>, vector<16xf32>,
      %swap3A_909 = vector.shape_cast %swap3A_908 : vector<16xf32> to vector<16xf32>
      %swap3A_910 = vector.shape_cast %gather3A_902 : vector<16xf32> to vector<16xf32>
      tpu.vector_store %arg9[%swap3A_907], %swap3A_910 {strides = array<i32>} : memref<73728xf32, #tpu.memory_space<vmem>>, vector<16xf32>,
      %mul3A_911 = arith.muli %gather3A_845, %sub3A_113 : vector<16xi32>
      %add3A_912 = arith.addi %get3A_33, %mul3A_911 : vector<16xi32>
      %broadcast_in_dim3A_913 = vector.shape_cast %add3A_912 : vector<16xi32> to vector<16x1xi32>
      %gather3A_914 = vector.shape_cast %broadcast_in_dim3A_913 : vector<16x1xi32> to vector<16xi32>
      %gather3A_915 = tpu.dynamic_gather %get3A_842[%gather3A_914] in [0] : vector<16xf32>, vector<16xi32> -> vector<16xf32>
      %mul3A_916 = arith.constant 144 : i32
      %mul3A_917 = arith.muli %add3A_837, %mul3A_916 : i32
      %add3A_918 = arith.constant 80 : i32
      %add3A_919 = arith.addi %mul3A_917, %add3A_918 : i32
      %swap3A_920 = arith.index_cast %add3A_919 : i32 to index
      %swap3A_921 = tpu.vector_load %arg9[%swap3A_920] {strides = array<i32>} : memref<73728xf32, #tpu.memory_space<vmem>>, vector<16xf32>,
      %swap3A_922 = vector.shape_cast %swap3A_921 : vector<16xf32> to vector<16xf32>
      %swap3A_923 = vector.shape_cast %gather3A_915 : vector<16xf32> to vector<16xf32>
      tpu.vector_store %arg9[%swap3A_920], %swap3A_923 {strides = array<i32>} : memref<73728xf32, #tpu.memory_space<vmem>>, vector<16xf32>,
      %mul3A_924 = arith.muli %gather3A_845, %sub3A_124 : vector<16xi32>
      %add3A_925 = arith.addi %get3A_38, %mul3A_924 : vector<16xi32>
      %broadcast_in_dim3A_926 = vector.shape_cast %add3A_925 : vector<16xi32> to vector<16x1xi32>
      %gather3A_927 = vector.shape_cast %broadcast_in_dim3A_926 : vector<16x1xi32> to vector<16xi32>
      %gather3A_928 = tpu.dynamic_gather %get3A_842[%gather3A_927] in [0] : vector<16xf32>, vector<16xi32> -> vector<16xf32>
      %mul3A_929 = arith.constant 144 : i32
      %mul3A_930 = arith.muli %add3A_837, %mul3A_929 : i32
      %add3A_931 = arith.constant 96 : i32
      %add3A_932 = arith.addi %mul3A_930, %add3A_931 : i32
      %swap3A_933 = arith.index_cast %add3A_932 : i32 to index
      %swap3A_934 = tpu.vector_load %arg9[%swap3A_933] {strides = array<i32>} : memref<73728xf32, #tpu.memory_space<vmem>>, vector<16xf32>,
      %swap3A_935 = vector.shape_cast %swap3A_934 : vector<16xf32> to vector<16xf32>
      %swap3A_936 = vector.shape_cast %gather3A_928 : vector<16xf32> to vector<16xf32>
      tpu.vector_store %arg9[%swap3A_933], %swap3A_936 {strides = array<i32>} : memref<73728xf32, #tpu.memory_space<vmem>>, vector<16xf32>,
      %mul3A_937 = arith.muli %gather3A_845, %sub3A_135 : vector<16xi32>
      %add3A_938 = arith.addi %get3A_43, %mul3A_937 : vector<16xi32>
      %broadcast_in_dim3A_939 = vector.shape_cast %add3A_938 : vector<16xi32> to vector<16x1xi32>
      %gather3A_940 = vector.shape_cast %broadcast_in_dim3A_939 : vector<16x1xi32> to vector<16xi32>
      %gather3A_941 = tpu.dynamic_gather %get3A_842[%gather3A_940] in [0] : vector<16xf32>, vector<16xi32> -> vector<16xf32>
      %mul3A_942 = arith.constant 144 : i32
      %mul3A_943 = arith.muli %add3A_837, %mul3A_942 : i32
      %add3A_944 = arith.constant 112 : i32
      %add3A_945 = arith.addi %mul3A_943, %add3A_944 : i32
      %swap3A_946 = arith.index_cast %add3A_945 : i32 to index
      %swap3A_947 = tpu.vector_load %arg9[%swap3A_946] {strides = array<i32>} : memref<73728xf32, #tpu.memory_space<vmem>>, vector<16xf32>,
      %swap3A_948 = vector.shape_cast %swap3A_947 : vector<16xf32> to vector<16xf32>
      %swap3A_949 = vector.shape_cast %gather3A_941 : vector<16xf32> to vector<16xf32>
      tpu.vector_store %arg9[%swap3A_946], %swap3A_949 {strides = array<i32>} : memref<73728xf32, #tpu.memory_space<vmem>>, vector<16xf32>,
      %mul3A_950 = arith.muli %gather3A_845, %sub3A_146 : vector<16xi32>
      %add3A_951 = arith.addi %get3A_48, %mul3A_950 : vector<16xi32>
      %broadcast_in_dim3A_952 = vector.shape_cast %add3A_951 : vector<16xi32> to vector<16x1xi32>
      %gather3A_953 = vector.shape_cast %broadcast_in_dim3A_952 : vector<16x1xi32> to vector<16xi32>
      %gather3A_954 = tpu.dynamic_gather %get3A_842[%gather3A_953] in [0] : vector<16xf32>, vector<16xi32> -> vector<16xf32>
      %mul3A_955 = arith.constant 144 : i32
      %mul3A_956 = arith.muli %add3A_837, %mul3A_955 : i32
      %add3A_957 = arith.constant 128 : i32
      %add3A_958 = arith.addi %mul3A_956, %add3A_957 : i32
      %swap3A_959 = arith.index_cast %add3A_958 : i32 to index
      %swap3A_960 = tpu.vector_load %arg9[%swap3A_959] {strides = array<i32>} : memref<73728xf32, #tpu.memory_space<vmem>>, vector<16xf32>,
      %swap3A_961 = vector.shape_cast %swap3A_960 : vector<16xf32> to vector<16xf32>
      %swap3A_962 = vector.shape_cast %gather3A_954 : vector<16xf32> to vector<16xf32>
      tpu.vector_store %arg9[%swap3A_959], %swap3A_962 {strides = array<i32>} : memref<73728xf32, #tpu.memory_space<vmem>>, vector<16xf32>,
      %mul3A_963 = arith.constant 16 : i32
      %mul3A_964 = arith.muli %scan3A_185, %mul3A_963 : i32
      %add3A_965 = arith.constant 6 : i32
      %add3A_966 = arith.addi %mul3A_964, %add3A_965 : i32
      %mul3A_967 = arith.constant 16 : i32
      %mul3A_968 = arith.muli %add3A_966, %mul3A_967 : i32
      %get3A_969 = arith.index_cast %mul3A_968 : i32 to index
      %get3A_970 = tpu.vector_load %arg7[%get3A_969] {strides = array<i32>} : memref<8192xf32, #tpu.memory_space<vmem>>, vector<16xf32>,
      %get3A_971 = vector.shape_cast %get3A_970 : vector<16xf32> to vector<16xf32>
      %broadcast_in_dim3A_972 = vector.shape_cast %broadcast_in_dim3A_159 : vector<16xi32> to vector<16x1xi32>
      %gather3A_973 = vector.shape_cast %broadcast_in_dim3A_972 : vector<16x1xi32> to vector<16xi32>
      %gather3A_974 = tpu.dynamic_gather %get3A_190[%gather3A_973] in [0] : vector<16xi32>, vector<16xi32> -> vector<16xi32>
      %mul3A_975 = arith.muli %gather3A_974, %sub3A : vector<16xi32>
      %add3A_976 = arith.addi %get3A_8, %mul3A_975 : vector<16xi32>
      %broadcast_in_dim3A_977 = vector.shape_cast %add3A_976 : vector<16xi32> to vector<16x1xi32>
      %gather3A_978 = vector.shape_cast %broadcast_in_dim3A_977 : vector<16x1xi32> to vector<16xi32>
      %gather3A_979 = tpu.dynamic_gather %get3A_971[%gather3A_978] in [0] : vector<16xf32>, vector<16xi32> -> vector<16xf32>
      %mul3A_980 = arith.constant 144 : i32
      %mul3A_981 = arith.muli %add3A_966, %mul3A_980 : i32
      %add3A_982 = arith.constant 0 : i32
      %add3A_983 = arith.addi %mul3A_981, %add3A_982 : i32
      %swap3A_984 = arith.index_cast %add3A_983 : i32 to index
      %swap3A_985 = tpu.vector_load %arg9[%swap3A_984] {strides = array<i32>} : memref<73728xf32, #tpu.memory_space<vmem>>, vector<16xf32>,
      %swap3A_986 = vector.shape_cast %swap3A_985 : vector<16xf32> to vector<16xf32>
      %swap3A_987 = vector.shape_cast %gather3A_979 : vector<16xf32> to vector<16xf32>
      tpu.vector_store %arg9[%swap3A_984], %swap3A_987 {strides = array<i32>} : memref<73728xf32, #tpu.memory_space<vmem>>, vector<16xf32>,
      %mul3A_988 = arith.muli %gather3A_974, %sub3A_69 : vector<16xi32>
      %add3A_989 = arith.addi %get3A_13, %mul3A_988 : vector<16xi32>
      %broadcast_in_dim3A_990 = vector.shape_cast %add3A_989 : vector<16xi32> to vector<16x1xi32>
      %gather3A_991 = vector.shape_cast %broadcast_in_dim3A_990 : vector<16x1xi32> to vector<16xi32>
      %gather3A_992 = tpu.dynamic_gather %get3A_971[%gather3A_991] in [0] : vector<16xf32>, vector<16xi32> -> vector<16xf32>
      %mul3A_993 = arith.constant 144 : i32
      %mul3A_994 = arith.muli %add3A_966, %mul3A_993 : i32
      %add3A_995 = arith.constant 16 : i32
      %add3A_996 = arith.addi %mul3A_994, %add3A_995 : i32
      %swap3A_997 = arith.index_cast %add3A_996 : i32 to index
      %swap3A_998 = tpu.vector_load %arg9[%swap3A_997] {strides = array<i32>} : memref<73728xf32, #tpu.memory_space<vmem>>, vector<16xf32>,
      %swap3A_999 = vector.shape_cast %swap3A_998 : vector<16xf32> to vector<16xf32>
      %swap3A_1000 = vector.shape_cast %gather3A_992 : vector<16xf32> to vector<16xf32>
      tpu.vector_store %arg9[%swap3A_997], %swap3A_1000 {strides = array<i32>} : memref<73728xf32, #tpu.memory_space<vmem>>, vector<16xf32>,
      %mul3A_1001 = arith.muli %gather3A_974, %sub3A_80 : vector<16xi32>
      %add3A_1002 = arith.addi %get3A_18, %mul3A_1001 : vector<16xi32>
      %broadcast_in_dim3A_1003 = vector.shape_cast %add3A_1002 : vector<16xi32> to vector<16x1xi32>
      %gather3A_1004 = vector.shape_cast %broadcast_in_dim3A_1003 : vector<16x1xi32> to vector<16xi32>
      %gather3A_1005 = tpu.dynamic_gather %get3A_971[%gather3A_1004] in [0] : vector<16xf32>, vector<16xi32> -> vector<16xf32>
      %mul3A_1006 = arith.constant 144 : i32
      %mul3A_1007 = arith.muli %add3A_966, %mul3A_1006 : i32
      %add3A_1008 = arith.constant 32 : i32
      %add3A_1009 = arith.addi %mul3A_1007, %add3A_1008 : i32
      %swap3A_1010 = arith.index_cast %add3A_1009 : i32 to index
      %swap3A_1011 = tpu.vector_load %arg9[%swap3A_1010] {strides = array<i32>} : memref<73728xf32, #tpu.memory_space<vmem>>, vector<16xf32>,
      %swap3A_1012 = vector.shape_cast %swap3A_1011 : vector<16xf32> to vector<16xf32>
      %swap3A_1013 = vector.shape_cast %gather3A_1005 : vector<16xf32> to vector<16xf32>
      tpu.vector_store %arg9[%swap3A_1010], %swap3A_1013 {strides = array<i32>} : memref<73728xf32, #tpu.memory_space<vmem>>, vector<16xf32>,
      %mul3A_1014 = arith.muli %gather3A_974, %sub3A_91 : vector<16xi32>
      %add3A_1015 = arith.addi %get3A_23, %mul3A_1014 : vector<16xi32>
      %broadcast_in_dim3A_1016 = vector.shape_cast %add3A_1015 : vector<16xi32> to vector<16x1xi32>
      %gather3A_1017 = vector.shape_cast %broadcast_in_dim3A_1016 : vector<16x1xi32> to vector<16xi32>
      %gather3A_1018 = tpu.dynamic_gather %get3A_971[%gather3A_1017] in [0] : vector<16xf32>, vector<16xi32> -> vector<16xf32>
      %mul3A_1019 = arith.constant 144 : i32
      %mul3A_1020 = arith.muli %add3A_966, %mul3A_1019 : i32
      %add3A_1021 = arith.constant 48 : i32
      %add3A_1022 = arith.addi %mul3A_1020, %add3A_1021 : i32
      %swap3A_1023 = arith.index_cast %add3A_1022 : i32 to index
      %swap3A_1024 = tpu.vector_load %arg9[%swap3A_1023] {strides = array<i32>} : memref<73728xf32, #tpu.memory_space<vmem>>, vector<16xf32>,
      %swap3A_1025 = vector.shape_cast %swap3A_1024 : vector<16xf32> to vector<16xf32>
      %swap3A_1026 = vector.shape_cast %gather3A_1018 : vector<16xf32> to vector<16xf32>
      tpu.vector_store %arg9[%swap3A_1023], %swap3A_1026 {strides = array<i32>} : memref<73728xf32, #tpu.memory_space<vmem>>, vector<16xf32>,
      %mul3A_1027 = arith.muli %gather3A_974, %sub3A_102 : vector<16xi32>
      %add3A_1028 = arith.addi %get3A_28, %mul3A_1027 : vector<16xi32>
      %broadcast_in_dim3A_1029 = vector.shape_cast %add3A_1028 : vector<16xi32> to vector<16x1xi32>
      %gather3A_1030 = vector.shape_cast %broadcast_in_dim3A_1029 : vector<16x1xi32> to vector<16xi32>
      %gather3A_1031 = tpu.dynamic_gather %get3A_971[%gather3A_1030] in [0] : vector<16xf32>, vector<16xi32> -> vector<16xf32>
      %mul3A_1032 = arith.constant 144 : i32
      %mul3A_1033 = arith.muli %add3A_966, %mul3A_1032 : i32
      %add3A_1034 = arith.constant 64 : i32
      %add3A_1035 = arith.addi %mul3A_1033, %add3A_1034 : i32
      %swap3A_1036 = arith.index_cast %add3A_1035 : i32 to index
      %swap3A_1037 = tpu.vector_load %arg9[%swap3A_1036] {strides = array<i32>} : memref<73728xf32, #tpu.memory_space<vmem>>, vector<16xf32>,
      %swap3A_1038 = vector.shape_cast %swap3A_1037 : vector<16xf32> to vector<16xf32>
      %swap3A_1039 = vector.shape_cast %gather3A_1031 : vector<16xf32> to vector<16xf32>
      tpu.vector_store %arg9[%swap3A_1036], %swap3A_1039 {strides = array<i32>} : memref<73728xf32, #tpu.memory_space<vmem>>, vector<16xf32>,
      %mul3A_1040 = arith.muli %gather3A_974, %sub3A_113 : vector<16xi32>
      %add3A_1041 = arith.addi %get3A_33, %mul3A_1040 : vector<16xi32>
      %broadcast_in_dim3A_1042 = vector.shape_cast %add3A_1041 : vector<16xi32> to vector<16x1xi32>
      %gather3A_1043 = vector.shape_cast %broadcast_in_dim3A_1042 : vector<16x1xi32> to vector<16xi32>
      %gather3A_1044 = tpu.dynamic_gather %get3A_971[%gather3A_1043] in [0] : vector<16xf32>, vector<16xi32> -> vector<16xf32>
      %mul3A_1045 = arith.constant 144 : i32
      %mul3A_1046 = arith.muli %add3A_966, %mul3A_1045 : i32
      %add3A_1047 = arith.constant 80 : i32
      %add3A_1048 = arith.addi %mul3A_1046, %add3A_1047 : i32
      %swap3A_1049 = arith.index_cast %add3A_1048 : i32 to index
      %swap3A_1050 = tpu.vector_load %arg9[%swap3A_1049] {strides = array<i32>} : memref<73728xf32, #tpu.memory_space<vmem>>, vector<16xf32>,
      %swap3A_1051 = vector.shape_cast %swap3A_1050 : vector<16xf32> to vector<16xf32>
      %swap3A_1052 = vector.shape_cast %gather3A_1044 : vector<16xf32> to vector<16xf32>
      tpu.vector_store %arg9[%swap3A_1049], %swap3A_1052 {strides = array<i32>} : memref<73728xf32, #tpu.memory_space<vmem>>, vector<16xf32>,
      %mul3A_1053 = arith.muli %gather3A_974, %sub3A_124 : vector<16xi32>
      %add3A_1054 = arith.addi %get3A_38, %mul3A_1053 : vector<16xi32>
      %broadcast_in_dim3A_1055 = vector.shape_cast %add3A_1054 : vector<16xi32> to vector<16x1xi32>
      %gather3A_1056 = vector.shape_cast %broadcast_in_dim3A_1055 : vector<16x1xi32> to vector<16xi32>
      %gather3A_1057 = tpu.dynamic_gather %get3A_971[%gather3A_1056] in [0] : vector<16xf32>, vector<16xi32> -> vector<16xf32>
      %mul3A_1058 = arith.constant 144 : i32
      %mul3A_1059 = arith.muli %add3A_966, %mul3A_1058 : i32
      %add3A_1060 = arith.constant 96 : i32
      %add3A_1061 = arith.addi %mul3A_1059, %add3A_1060 : i32
      %swap3A_1062 = arith.index_cast %add3A_1061 : i32 to index
      %swap3A_1063 = tpu.vector_load %arg9[%swap3A_1062] {strides = array<i32>} : memref<73728xf32, #tpu.memory_space<vmem>>, vector<16xf32>,
      %swap3A_1064 = vector.shape_cast %swap3A_1063 : vector<16xf32> to vector<16xf32>
      %swap3A_1065 = vector.shape_cast %gather3A_1057 : vector<16xf32> to vector<16xf32>
      tpu.vector_store %arg9[%swap3A_1062], %swap3A_1065 {strides = array<i32>} : memref<73728xf32, #tpu.memory_space<vmem>>, vector<16xf32>,
      %mul3A_1066 = arith.muli %gather3A_974, %sub3A_135 : vector<16xi32>
      %add3A_1067 = arith.addi %get3A_43, %mul3A_1066 : vector<16xi32>
      %broadcast_in_dim3A_1068 = vector.shape_cast %add3A_1067 : vector<16xi32> to vector<16x1xi32>
      %gather3A_1069 = vector.shape_cast %broadcast_in_dim3A_1068 : vector<16x1xi32> to vector<16xi32>
      %gather3A_1070 = tpu.dynamic_gather %get3A_971[%gather3A_1069] in [0] : vector<16xf32>, vector<16xi32> -> vector<16xf32>
      %mul3A_1071 = arith.constant 144 : i32
      %mul3A_1072 = arith.muli %add3A_966, %mul3A_1071 : i32
      %add3A_1073 = arith.constant 112 : i32
      %add3A_1074 = arith.addi %mul3A_1072, %add3A_1073 : i32
      %swap3A_1075 = arith.index_cast %add3A_1074 : i32 to index
      %swap3A_1076 = tpu.vector_load %arg9[%swap3A_1075] {strides = array<i32>} : memref<73728xf32, #tpu.memory_space<vmem>>, vector<16xf32>,
      %swap3A_1077 = vector.shape_cast %swap3A_1076 : vector<16xf32> to vector<16xf32>
      %swap3A_1078 = vector.shape_cast %gather3A_1070 : vector<16xf32> to vector<16xf32>
      tpu.vector_store %arg9[%swap3A_1075], %swap3A_1078 {strides = array<i32>} : memref<73728xf32, #tpu.memory_space<vmem>>, vector<16xf32>,
      %mul3A_1079 = arith.muli %gather3A_974, %sub3A_146 : vector<16xi32>
      %add3A_1080 = arith.addi %get3A_48, %mul3A_1079 : vector<16xi32>
      %broadcast_in_dim3A_1081 = vector.shape_cast %add3A_1080 : vector<16xi32> to vector<16x1xi32>
      %gather3A_1082 = vector.shape_cast %broadcast_in_dim3A_1081 : vector<16x1xi32> to vector<16xi32>
      %gather3A_1083 = tpu.dynamic_gather %get3A_971[%gather3A_1082] in [0] : vector<16xf32>, vector<16xi32> -> vector<16xf32>
      %mul3A_1084 = arith.constant 144 : i32
      %mul3A_1085 = arith.muli %add3A_966, %mul3A_1084 : i32
      %add3A_1086 = arith.constant 128 : i32
      %add3A_1087 = arith.addi %mul3A_1085, %add3A_1086 : i32
      %swap3A_1088 = arith.index_cast %add3A_1087 : i32 to index
      %swap3A_1089 = tpu.vector_load %arg9[%swap3A_1088] {strides = array<i32>} : memref<73728xf32, #tpu.memory_space<vmem>>, vector<16xf32>,
      %swap3A_1090 = vector.shape_cast %swap3A_1089 : vector<16xf32> to vector<16xf32>
      %swap3A_1091 = vector.shape_cast %gather3A_1083 : vector<16xf32> to vector<16xf32>
      tpu.vector_store %arg9[%swap3A_1088], %swap3A_1091 {strides = array<i32>} : memref<73728xf32, #tpu.memory_space<vmem>>, vector<16xf32>,
      %mul3A_1092 = arith.constant 16 : i32
      %mul3A_1093 = arith.muli %scan3A_185, %mul3A_1092 : i32
      %add3A_1094 = arith.constant 7 : i32
      %add3A_1095 = arith.addi %mul3A_1093, %add3A_1094 : i32
      %mul3A_1096 = arith.constant 16 : i32
      %mul3A_1097 = arith.muli %add3A_1095, %mul3A_1096 : i32
      %get3A_1098 = arith.index_cast %mul3A_1097 : i32 to index
      %get3A_1099 = tpu.vector_load %arg7[%get3A_1098] {strides = array<i32>} : memref<8192xf32, #tpu.memory_space<vmem>>, vector<16xf32>,
      %get3A_1100 = vector.shape_cast %get3A_1099 : vector<16xf32> to vector<16xf32>
      %broadcast_in_dim3A_1101 = vector.shape_cast %broadcast_in_dim3A_161 : vector<16xi32> to vector<16x1xi32>
      %gather3A_1102 = vector.shape_cast %broadcast_in_dim3A_1101 : vector<16x1xi32> to vector<16xi32>
      %gather3A_1103 = tpu.dynamic_gather %get3A_190[%gather3A_1102] in [0] : vector<16xi32>, vector<16xi32> -> vector<16xi32>
      %mul3A_1104 = arith.muli %gather3A_1103, %sub3A : vector<16xi32>
      %add3A_1105 = arith.addi %get3A_8, %mul3A_1104 : vector<16xi32>
      %broadcast_in_dim3A_1106 = vector.shape_cast %add3A_1105 : vector<16xi32> to vector<16x1xi32>
      %gather3A_1107 = vector.shape_cast %broadcast_in_dim3A_1106 : vector<16x1xi32> to vector<16xi32>
      %gather3A_1108 = tpu.dynamic_gather %get3A_1100[%gather3A_1107] in [0] : vector<16xf32>, vector<16xi32> -> vector<16xf32>
      %mul3A_1109 = arith.constant 144 : i32
      %mul3A_1110 = arith.muli %add3A_1095, %mul3A_1109 : i32
      %add3A_1111 = arith.constant 0 : i32
      %add3A_1112 = arith.addi %mul3A_1110, %add3A_1111 : i32
      %swap3A_1113 = arith.index_cast %add3A_1112 : i32 to index
      %swap3A_1114 = tpu.vector_load %arg9[%swap3A_1113] {strides = array<i32>} : memref<73728xf32, #tpu.memory_space<vmem>>, vector<16xf32>,
      %swap3A_1115 = vector.shape_cast %swap3A_1114 : vector<16xf32> to vector<16xf32>
      %swap3A_1116 = vector.shape_cast %gather3A_1108 : vector<16xf32> to vector<16xf32>
      tpu.vector_store %arg9[%swap3A_1113], %swap3A_1116 {strides = array<i32>} : memref<73728xf32, #tpu.memory_space<vmem>>, vector<16xf32>,
      %mul3A_1117 = arith.muli %gather3A_1103, %sub3A_69 : vector<16xi32>
      %add3A_1118 = arith.addi %get3A_13, %mul3A_1117 : vector<16xi32>
      %broadcast_in_dim3A_1119 = vector.shape_cast %add3A_1118 : vector<16xi32> to vector<16x1xi32>
      %gather3A_1120 = vector.shape_cast %broadcast_in_dim3A_1119 : vector<16x1xi32> to vector<16xi32>
      %gather3A_1121 = tpu.dynamic_gather %get3A_1100[%gather3A_1120] in [0] : vector<16xf32>, vector<16xi32> -> vector<16xf32>
      %mul3A_1122 = arith.constant 144 : i32
      %mul3A_1123 = arith.muli %add3A_1095, %mul3A_1122 : i32
      %add3A_1124 = arith.constant 16 : i32
      %add3A_1125 = arith.addi %mul3A_1123, %add3A_1124 : i32
      %swap3A_1126 = arith.index_cast %add3A_1125 : i32 to index
      %swap3A_1127 = tpu.vector_load %arg9[%swap3A_1126] {strides = array<i32>} : memref<73728xf32, #tpu.memory_space<vmem>>, vector<16xf32>,
      %swap3A_1128 = vector.shape_cast %swap3A_1127 : vector<16xf32> to vector<16xf32>
      %swap3A_1129 = vector.shape_cast %gather3A_1121 : vector<16xf32> to vector<16xf32>
      tpu.vector_store %arg9[%swap3A_1126], %swap3A_1129 {strides = array<i32>} : memref<73728xf32, #tpu.memory_space<vmem>>, vector<16xf32>,
      %mul3A_1130 = arith.muli %gather3A_1103, %sub3A_80 : vector<16xi32>
      %add3A_1131 = arith.addi %get3A_18, %mul3A_1130 : vector<16xi32>
      %broadcast_in_dim3A_1132 = vector.shape_cast %add3A_1131 : vector<16xi32> to vector<16x1xi32>
      %gather3A_1133 = vector.shape_cast %broadcast_in_dim3A_1132 : vector<16x1xi32> to vector<16xi32>
      %gather3A_1134 = tpu.dynamic_gather %get3A_1100[%gather3A_1133] in [0] : vector<16xf32>, vector<16xi32> -> vector<16xf32>
      %mul3A_1135 = arith.constant 144 : i32
      %mul3A_1136 = arith.muli %add3A_1095, %mul3A_1135 : i32
      %add3A_1137 = arith.constant 32 : i32
      %add3A_1138 = arith.addi %mul3A_1136, %add3A_1137 : i32
      %swap3A_1139 = arith.index_cast %add3A_1138 : i32 to index
      %swap3A_1140 = tpu.vector_load %arg9[%swap3A_1139] {strides = array<i32>} : memref<73728xf32, #tpu.memory_space<vmem>>, vector<16xf32>,
      %swap3A_1141 = vector.shape_cast %swap3A_1140 : vector<16xf32> to vector<16xf32>
      %swap3A_1142 = vector.shape_cast %gather3A_1134 : vector<16xf32> to vector<16xf32>
      tpu.vector_store %arg9[%swap3A_1139], %swap3A_1142 {strides = array<i32>} : memref<73728xf32, #tpu.memory_space<vmem>>, vector<16xf32>,
      %mul3A_1143 = arith.muli %gather3A_1103, %sub3A_91 : vector<16xi32>
      %add3A_1144 = arith.addi %get3A_23, %mul3A_1143 : vector<16xi32>
      %broadcast_in_dim3A_1145 = vector.shape_cast %add3A_1144 : vector<16xi32> to vector<16x1xi32>
      %gather3A_1146 = vector.shape_cast %broadcast_in_dim3A_1145 : vector<16x1xi32> to vector<16xi32>
      %gather3A_1147 = tpu.dynamic_gather %get3A_1100[%gather3A_1146] in [0] : vector<16xf32>, vector<16xi32> -> vector<16xf32>
      %mul3A_1148 = arith.constant 144 : i32
      %mul3A_1149 = arith.muli %add3A_1095, %mul3A_1148 : i32
      %add3A_1150 = arith.constant 48 : i32
      %add3A_1151 = arith.addi %mul3A_1149, %add3A_1150 : i32
      %swap3A_1152 = arith.index_cast %add3A_1151 : i32 to index
      %swap3A_1153 = tpu.vector_load %arg9[%swap3A_1152] {strides = array<i32>} : memref<73728xf32, #tpu.memory_space<vmem>>, vector<16xf32>,
      %swap3A_1154 = vector.shape_cast %swap3A_1153 : vector<16xf32> to vector<16xf32>
      %swap3A_1155 = vector.shape_cast %gather3A_1147 : vector<16xf32> to vector<16xf32>
      tpu.vector_store %arg9[%swap3A_1152], %swap3A_1155 {strides = array<i32>} : memref<73728xf32, #tpu.memory_space<vmem>>, vector<16xf32>,
      %mul3A_1156 = arith.muli %gather3A_1103, %sub3A_102 : vector<16xi32>
      %add3A_1157 = arith.addi %get3A_28, %mul3A_1156 : vector<16xi32>
      %broadcast_in_dim3A_1158 = vector.shape_cast %add3A_1157 : vector<16xi32> to vector<16x1xi32>
      %gather3A_1159 = vector.shape_cast %broadcast_in_dim3A_1158 : vector<16x1xi32> to vector<16xi32>
      %gather3A_1160 = tpu.dynamic_gather %get3A_1100[%gather3A_1159] in [0] : vector<16xf32>, vector<16xi32> -> vector<16xf32>
      %mul3A_1161 = arith.constant 144 : i32
      %mul3A_1162 = arith.muli %add3A_1095, %mul3A_1161 : i32
      %add3A_1163 = arith.constant 64 : i32
      %add3A_1164 = arith.addi %mul3A_1162, %add3A_1163 : i32
      %swap3A_1165 = arith.index_cast %add3A_1164 : i32 to index
      %swap3A_1166 = tpu.vector_load %arg9[%swap3A_1165] {strides = array<i32>} : memref<73728xf32, #tpu.memory_space<vmem>>, vector<16xf32>,
      %swap3A_1167 = vector.shape_cast %swap3A_1166 : vector<16xf32> to vector<16xf32>
      %swap3A_1168 = vector.shape_cast %gather3A_1160 : vector<16xf32> to vector<16xf32>
      tpu.vector_store %arg9[%swap3A_1165], %swap3A_1168 {strides = array<i32>} : memref<73728xf32, #tpu.memory_space<vmem>>, vector<16xf32>,
      %mul3A_1169 = arith.muli %gather3A_1103, %sub3A_113 : vector<16xi32>
      %add3A_1170 = arith.addi %get3A_33, %mul3A_1169 : vector<16xi32>
      %broadcast_in_dim3A_1171 = vector.shape_cast %add3A_1170 : vector<16xi32> to vector<16x1xi32>
      %gather3A_1172 = vector.shape_cast %broadcast_in_dim3A_1171 : vector<16x1xi32> to vector<16xi32>
      %gather3A_1173 = tpu.dynamic_gather %get3A_1100[%gather3A_1172] in [0] : vector<16xf32>, vector<16xi32> -> vector<16xf32>
      %mul3A_1174 = arith.constant 144 : i32
      %mul3A_1175 = arith.muli %add3A_1095, %mul3A_1174 : i32
      %add3A_1176 = arith.constant 80 : i32
      %add3A_1177 = arith.addi %mul3A_1175, %add3A_1176 : i32
      %swap3A_1178 = arith.index_cast %add3A_1177 : i32 to index
      %swap3A_1179 = tpu.vector_load %arg9[%swap3A_1178] {strides = array<i32>} : memref<73728xf32, #tpu.memory_space<vmem>>, vector<16xf32>,
      %swap3A_1180 = vector.shape_cast %swap3A_1179 : vector<16xf32> to vector<16xf32>
      %swap3A_1181 = vector.shape_cast %gather3A_1173 : vector<16xf32> to vector<16xf32>
      tpu.vector_store %arg9[%swap3A_1178], %swap3A_1181 {strides = array<i32>} : memref<73728xf32, #tpu.memory_space<vmem>>, vector<16xf32>,
      %mul3A_1182 = arith.muli %gather3A_1103, %sub3A_124 : vector<16xi32>
      %add3A_1183 = arith.addi %get3A_38, %mul3A_1182 : vector<16xi32>
      %broadcast_in_dim3A_1184 = vector.shape_cast %add3A_1183 : vector<16xi32> to vector<16x1xi32>
      %gather3A_1185 = vector.shape_cast %broadcast_in_dim3A_1184 : vector<16x1xi32> to vector<16xi32>
      %gather3A_1186 = tpu.dynamic_gather %get3A_1100[%gather3A_1185] in [0] : vector<16xf32>, vector<16xi32> -> vector<16xf32>
      %mul3A_1187 = arith.constant 144 : i32
      %mul3A_1188 = arith.muli %add3A_1095, %mul3A_1187 : i32
      %add3A_1189 = arith.constant 96 : i32
      %add3A_1190 = arith.addi %mul3A_1188, %add3A_1189 : i32
      %swap3A_1191 = arith.index_cast %add3A_1190 : i32 to index
      %swap3A_1192 = tpu.vector_load %arg9[%swap3A_1191] {strides = array<i32>} : memref<73728xf32, #tpu.memory_space<vmem>>, vector<16xf32>,
      %swap3A_1193 = vector.shape_cast %swap3A_1192 : vector<16xf32> to vector<16xf32>
      %swap3A_1194 = vector.shape_cast %gather3A_1186 : vector<16xf32> to vector<16xf32>
      tpu.vector_store %arg9[%swap3A_1191], %swap3A_1194 {strides = array<i32>} : memref<73728xf32, #tpu.memory_space<vmem>>, vector<16xf32>,
      %mul3A_1195 = arith.muli %gather3A_1103, %sub3A_135 : vector<16xi32>
      %add3A_1196 = arith.addi %get3A_43, %mul3A_1195 : vector<16xi32>
      %broadcast_in_dim3A_1197 = vector.shape_cast %add3A_1196 : vector<16xi32> to vector<16x1xi32>
      %gather3A_1198 = vector.shape_cast %broadcast_in_dim3A_1197 : vector<16x1xi32> to vector<16xi32>
      %gather3A_1199 = tpu.dynamic_gather %get3A_1100[%gather3A_1198] in [0] : vector<16xf32>, vector<16xi32> -> vector<16xf32>
      %mul3A_1200 = arith.constant 144 : i32
      %mul3A_1201 = arith.muli %add3A_1095, %mul3A_1200 : i32
      %add3A_1202 = arith.constant 112 : i32
      %add3A_1203 = arith.addi %mul3A_1201, %add3A_1202 : i32
      %swap3A_1204 = arith.index_cast %add3A_1203 : i32 to index
      %swap3A_1205 = tpu.vector_load %arg9[%swap3A_1204] {strides = array<i32>} : memref<73728xf32, #tpu.memory_space<vmem>>, vector<16xf32>,
      %swap3A_1206 = vector.shape_cast %swap3A_1205 : vector<16xf32> to vector<16xf32>
      %swap3A_1207 = vector.shape_cast %gather3A_1199 : vector<16xf32> to vector<16xf32>
      tpu.vector_store %arg9[%swap3A_1204], %swap3A_1207 {strides = array<i32>} : memref<73728xf32, #tpu.memory_space<vmem>>, vector<16xf32>,
      %mul3A_1208 = arith.muli %gather3A_1103, %sub3A_146 : vector<16xi32>
      %add3A_1209 = arith.addi %get3A_48, %mul3A_1208 : vector<16xi32>
      %broadcast_in_dim3A_1210 = vector.shape_cast %add3A_1209 : vector<16xi32> to vector<16x1xi32>
      %gather3A_1211 = vector.shape_cast %broadcast_in_dim3A_1210 : vector<16x1xi32> to vector<16xi32>
      %gather3A_1212 = tpu.dynamic_gather %get3A_1100[%gather3A_1211] in [0] : vector<16xf32>, vector<16xi32> -> vector<16xf32>
      %mul3A_1213 = arith.constant 144 : i32
      %mul3A_1214 = arith.muli %add3A_1095, %mul3A_1213 : i32
      %add3A_1215 = arith.constant 128 : i32
      %add3A_1216 = arith.addi %mul3A_1214, %add3A_1215 : i32
      %swap3A_1217 = arith.index_cast %add3A_1216 : i32 to index
      %swap3A_1218 = tpu.vector_load %arg9[%swap3A_1217] {strides = array<i32>} : memref<73728xf32, #tpu.memory_space<vmem>>, vector<16xf32>,
      %swap3A_1219 = vector.shape_cast %swap3A_1218 : vector<16xf32> to vector<16xf32>
      %swap3A_1220 = vector.shape_cast %gather3A_1212 : vector<16xf32> to vector<16xf32>
      tpu.vector_store %arg9[%swap3A_1217], %swap3A_1220 {strides = array<i32>} : memref<73728xf32, #tpu.memory_space<vmem>>, vector<16xf32>,
      %mul3A_1221 = arith.constant 16 : i32
      %mul3A_1222 = arith.muli %scan3A_185, %mul3A_1221 : i32
      %add3A_1223 = arith.constant 8 : i32
      %add3A_1224 = arith.addi %mul3A_1222, %add3A_1223 : i32
      %mul3A_1225 = arith.constant 16 : i32
      %mul3A_1226 = arith.muli %add3A_1224, %mul3A_1225 : i32
      %get3A_1227 = arith.index_cast %mul3A_1226 : i32 to index
      %get3A_1228 = tpu.vector_load %arg7[%get3A_1227] {strides = array<i32>} : memref<8192xf32, #tpu.memory_space<vmem>>, vector<16xf32>,
      %get3A_1229 = vector.shape_cast %get3A_1228 : vector<16xf32> to vector<16xf32>
      %broadcast_in_dim3A_1230 = vector.shape_cast %broadcast_in_dim3A_163 : vector<16xi32> to vector<16x1xi32>
      %gather3A_1231 = vector.shape_cast %broadcast_in_dim3A_1230 : vector<16x1xi32> to vector<16xi32>
      %gather3A_1232 = tpu.dynamic_gather %get3A_190[%gather3A_1231] in [0] : vector<16xi32>, vector<16xi32> -> vector<16xi32>
      %mul3A_1233 = arith.muli %gather3A_1232, %sub3A : vector<16xi32>
      %add3A_1234 = arith.addi %get3A_8, %mul3A_1233 : vector<16xi32>
      %broadcast_in_dim3A_1235 = vector.shape_cast %add3A_1234 : vector<16xi32> to vector<16x1xi32>
      %gather3A_1236 = vector.shape_cast %broadcast_in_dim3A_1235 : vector<16x1xi32> to vector<16xi32>
      %gather3A_1237 = tpu.dynamic_gather %get3A_1229[%gather3A_1236] in [0] : vector<16xf32>, vector<16xi32> -> vector<16xf32>
      %mul3A_1238 = arith.constant 144 : i32
      %mul3A_1239 = arith.muli %add3A_1224, %mul3A_1238 : i32
      %add3A_1240 = arith.constant 0 : i32
      %add3A_1241 = arith.addi %mul3A_1239, %add3A_1240 : i32
      %swap3A_1242 = arith.index_cast %add3A_1241 : i32 to index
      %swap3A_1243 = tpu.vector_load %arg9[%swap3A_1242] {strides = array<i32>} : memref<73728xf32, #tpu.memory_space<vmem>>, vector<16xf32>,
      %swap3A_1244 = vector.shape_cast %swap3A_1243 : vector<16xf32> to vector<16xf32>
      %swap3A_1245 = vector.shape_cast %gather3A_1237 : vector<16xf32> to vector<16xf32>
      tpu.vector_store %arg9[%swap3A_1242], %swap3A_1245 {strides = array<i32>} : memref<73728xf32, #tpu.memory_space<vmem>>, vector<16xf32>,
      %mul3A_1246 = arith.muli %gather3A_1232, %sub3A_69 : vector<16xi32>
      %add3A_1247 = arith.addi %get3A_13, %mul3A_1246 : vector<16xi32>
      %broadcast_in_dim3A_1248 = vector.shape_cast %add3A_1247 : vector<16xi32> to vector<16x1xi32>
      %gather3A_1249 = vector.shape_cast %broadcast_in_dim3A_1248 : vector<16x1xi32> to vector<16xi32>
      %gather3A_1250 = tpu.dynamic_gather %get3A_1229[%gather3A_1249] in [0] : vector<16xf32>, vector<16xi32> -> vector<16xf32>
      %mul3A_1251 = arith.constant 144 : i32
      %mul3A_1252 = arith.muli %add3A_1224, %mul3A_1251 : i32
      %add3A_1253 = arith.constant 16 : i32
      %add3A_1254 = arith.addi %mul3A_1252, %add3A_1253 : i32
      %swap3A_1255 = arith.index_cast %add3A_1254 : i32 to index
      %swap3A_1256 = tpu.vector_load %arg9[%swap3A_1255] {strides = array<i32>} : memref<73728xf32, #tpu.memory_space<vmem>>, vector<16xf32>,
      %swap3A_1257 = vector.shape_cast %swap3A_1256 : vector<16xf32> to vector<16xf32>
      %swap3A_1258 = vector.shape_cast %gather3A_1250 : vector<16xf32> to vector<16xf32>
      tpu.vector_store %arg9[%swap3A_1255], %swap3A_1258 {strides = array<i32>} : memref<73728xf32, #tpu.memory_space<vmem>>, vector<16xf32>,
      %mul3A_1259 = arith.muli %gather3A_1232, %sub3A_80 : vector<16xi32>
      %add3A_1260 = arith.addi %get3A_18, %mul3A_1259 : vector<16xi32>
      %broadcast_in_dim3A_1261 = vector.shape_cast %add3A_1260 : vector<16xi32> to vector<16x1xi32>
      %gather3A_1262 = vector.shape_cast %broadcast_in_dim3A_1261 : vector<16x1xi32> to vector<16xi32>
      %gather3A_1263 = tpu.dynamic_gather %get3A_1229[%gather3A_1262] in [0] : vector<16xf32>, vector<16xi32> -> vector<16xf32>
      %mul3A_1264 = arith.constant 144 : i32
      %mul3A_1265 = arith.muli %add3A_1224, %mul3A_1264 : i32
      %add3A_1266 = arith.constant 32 : i32
      %add3A_1267 = arith.addi %mul3A_1265, %add3A_1266 : i32
      %swap3A_1268 = arith.index_cast %add3A_1267 : i32 to index
      %swap3A_1269 = tpu.vector_load %arg9[%swap3A_1268] {strides = array<i32>} : memref<73728xf32, #tpu.memory_space<vmem>>, vector<16xf32>,
      %swap3A_1270 = vector.shape_cast %swap3A_1269 : vector<16xf32> to vector<16xf32>
      %swap3A_1271 = vector.shape_cast %gather3A_1263 : vector<16xf32> to vector<16xf32>
      tpu.vector_store %arg9[%swap3A_1268], %swap3A_1271 {strides = array<i32>} : memref<73728xf32, #tpu.memory_space<vmem>>, vector<16xf32>,
      %mul3A_1272 = arith.muli %gather3A_1232, %sub3A_91 : vector<16xi32>
      %add3A_1273 = arith.addi %get3A_23, %mul3A_1272 : vector<16xi32>
      %broadcast_in_dim3A_1274 = vector.shape_cast %add3A_1273 : vector<16xi32> to vector<16x1xi32>
      %gather3A_1275 = vector.shape_cast %broadcast_in_dim3A_1274 : vector<16x1xi32> to vector<16xi32>
      %gather3A_1276 = tpu.dynamic_gather %get3A_1229[%gather3A_1275] in [0] : vector<16xf32>, vector<16xi32> -> vector<16xf32>
      %mul3A_1277 = arith.constant 144 : i32
      %mul3A_1278 = arith.muli %add3A_1224, %mul3A_1277 : i32
      %add3A_1279 = arith.constant 48 : i32
      %add3A_1280 = arith.addi %mul3A_1278, %add3A_1279 : i32
      %swap3A_1281 = arith.index_cast %add3A_1280 : i32 to index
      %swap3A_1282 = tpu.vector_load %arg9[%swap3A_1281] {strides = array<i32>} : memref<73728xf32, #tpu.memory_space<vmem>>, vector<16xf32>,
      %swap3A_1283 = vector.shape_cast %swap3A_1282 : vector<16xf32> to vector<16xf32>
      %swap3A_1284 = vector.shape_cast %gather3A_1276 : vector<16xf32> to vector<16xf32>
      tpu.vector_store %arg9[%swap3A_1281], %swap3A_1284 {strides = array<i32>} : memref<73728xf32, #tpu.memory_space<vmem>>, vector<16xf32>,
      %mul3A_1285 = arith.muli %gather3A_1232, %sub3A_102 : vector<16xi32>
      %add3A_1286 = arith.addi %get3A_28, %mul3A_1285 : vector<16xi32>
      %broadcast_in_dim3A_1287 = vector.shape_cast %add3A_1286 : vector<16xi32> to vector<16x1xi32>
      %gather3A_1288 = vector.shape_cast %broadcast_in_dim3A_1287 : vector<16x1xi32> to vector<16xi32>
      %gather3A_1289 = tpu.dynamic_gather %get3A_1229[%gather3A_1288] in [0] : vector<16xf32>, vector<16xi32> -> vector<16xf32>
      %mul3A_1290 = arith.constant 144 : i32
      %mul3A_1291 = arith.muli %add3A_1224, %mul3A_1290 : i32
      %add3A_1292 = arith.constant 64 : i32
      %add3A_1293 = arith.addi %mul3A_1291, %add3A_1292 : i32
      %swap3A_1294 = arith.index_cast %add3A_1293 : i32 to index
      %swap3A_1295 = tpu.vector_load %arg9[%swap3A_1294] {strides = array<i32>} : memref<73728xf32, #tpu.memory_space<vmem>>, vector<16xf32>,
      %swap3A_1296 = vector.shape_cast %swap3A_1295 : vector<16xf32> to vector<16xf32>
      %swap3A_1297 = vector.shape_cast %gather3A_1289 : vector<16xf32> to vector<16xf32>
      tpu.vector_store %arg9[%swap3A_1294], %swap3A_1297 {strides = array<i32>} : memref<73728xf32, #tpu.memory_space<vmem>>, vector<16xf32>,
      %mul3A_1298 = arith.muli %gather3A_1232, %sub3A_113 : vector<16xi32>
      %add3A_1299 = arith.addi %get3A_33, %mul3A_1298 : vector<16xi32>
      %broadcast_in_dim3A_1300 = vector.shape_cast %add3A_1299 : vector<16xi32> to vector<16x1xi32>
      %gather3A_1301 = vector.shape_cast %broadcast_in_dim3A_1300 : vector<16x1xi32> to vector<16xi32>
      %gather3A_1302 = tpu.dynamic_gather %get3A_1229[%gather3A_1301] in [0] : vector<16xf32>, vector<16xi32> -> vector<16xf32>
      %mul3A_1303 = arith.constant 144 : i32
      %mul3A_1304 = arith.muli %add3A_1224, %mul3A_1303 : i32
      %add3A_1305 = arith.constant 80 : i32
      %add3A_1306 = arith.addi %mul3A_1304, %add3A_1305 : i32
      %swap3A_1307 = arith.index_cast %add3A_1306 : i32 to index
      %swap3A_1308 = tpu.vector_load %arg9[%swap3A_1307] {strides = array<i32>} : memref<73728xf32, #tpu.memory_space<vmem>>, vector<16xf32>,
      %swap3A_1309 = vector.shape_cast %swap3A_1308 : vector<16xf32> to vector<16xf32>
      %swap3A_1310 = vector.shape_cast %gather3A_1302 : vector<16xf32> to vector<16xf32>
      tpu.vector_store %arg9[%swap3A_1307], %swap3A_1310 {strides = array<i32>} : memref<73728xf32, #tpu.memory_space<vmem>>, vector<16xf32>,
      %mul3A_1311 = arith.muli %gather3A_1232, %sub3A_124 : vector<16xi32>
      %add3A_1312 = arith.addi %get3A_38, %mul3A_1311 : vector<16xi32>
      %broadcast_in_dim3A_1313 = vector.shape_cast %add3A_1312 : vector<16xi32> to vector<16x1xi32>
      %gather3A_1314 = vector.shape_cast %broadcast_in_dim3A_1313 : vector<16x1xi32> to vector<16xi32>
      %gather3A_1315 = tpu.dynamic_gather %get3A_1229[%gather3A_1314] in [0] : vector<16xf32>, vector<16xi32> -> vector<16xf32>
      %mul3A_1316 = arith.constant 144 : i32
      %mul3A_1317 = arith.muli %add3A_1224, %mul3A_1316 : i32
      %add3A_1318 = arith.constant 96 : i32
      %add3A_1319 = arith.addi %mul3A_1317, %add3A_1318 : i32
      %swap3A_1320 = arith.index_cast %add3A_1319 : i32 to index
      %swap3A_1321 = tpu.vector_load %arg9[%swap3A_1320] {strides = array<i32>} : memref<73728xf32, #tpu.memory_space<vmem>>, vector<16xf32>,
      %swap3A_1322 = vector.shape_cast %swap3A_1321 : vector<16xf32> to vector<16xf32>
      %swap3A_1323 = vector.shape_cast %gather3A_1315 : vector<16xf32> to vector<16xf32>
      tpu.vector_store %arg9[%swap3A_1320], %swap3A_1323 {strides = array<i32>} : memref<73728xf32, #tpu.memory_space<vmem>>, vector<16xf32>,
      %mul3A_1324 = arith.muli %gather3A_1232, %sub3A_135 : vector<16xi32>
      %add3A_1325 = arith.addi %get3A_43, %mul3A_1324 : vector<16xi32>
      %broadcast_in_dim3A_1326 = vector.shape_cast %add3A_1325 : vector<16xi32> to vector<16x1xi32>
      %gather3A_1327 = vector.shape_cast %broadcast_in_dim3A_1326 : vector<16x1xi32> to vector<16xi32>
      %gather3A_1328 = tpu.dynamic_gather %get3A_1229[%gather3A_1327] in [0] : vector<16xf32>, vector<16xi32> -> vector<16xf32>
      %mul3A_1329 = arith.constant 144 : i32
      %mul3A_1330 = arith.muli %add3A_1224, %mul3A_1329 : i32
      %add3A_1331 = arith.constant 112 : i32
      %add3A_1332 = arith.addi %mul3A_1330, %add3A_1331 : i32
      %swap3A_1333 = arith.index_cast %add3A_1332 : i32 to index
      %swap3A_1334 = tpu.vector_load %arg9[%swap3A_1333] {strides = array<i32>} : memref<73728xf32, #tpu.memory_space<vmem>>, vector<16xf32>,
      %swap3A_1335 = vector.shape_cast %swap3A_1334 : vector<16xf32> to vector<16xf32>
      %swap3A_1336 = vector.shape_cast %gather3A_1328 : vector<16xf32> to vector<16xf32>
      tpu.vector_store %arg9[%swap3A_1333], %swap3A_1336 {strides = array<i32>} : memref<73728xf32, #tpu.memory_space<vmem>>, vector<16xf32>,
      %mul3A_1337 = arith.muli %gather3A_1232, %sub3A_146 : vector<16xi32>
      %add3A_1338 = arith.addi %get3A_48, %mul3A_1337 : vector<16xi32>
      %broadcast_in_dim3A_1339 = vector.shape_cast %add3A_1338 : vector<16xi32> to vector<16x1xi32>
      %gather3A_1340 = vector.shape_cast %broadcast_in_dim3A_1339 : vector<16x1xi32> to vector<16xi32>
      %gather3A_1341 = tpu.dynamic_gather %get3A_1229[%gather3A_1340] in [0] : vector<16xf32>, vector<16xi32> -> vector<16xf32>
      %mul3A_1342 = arith.constant 144 : i32
      %mul3A_1343 = arith.muli %add3A_1224, %mul3A_1342 : i32
      %add3A_1344 = arith.constant 128 : i32
      %add3A_1345 = arith.addi %mul3A_1343, %add3A_1344 : i32
      %swap3A_1346 = arith.index_cast %add3A_1345 : i32 to index
      %swap3A_1347 = tpu.vector_load %arg9[%swap3A_1346] {strides = array<i32>} : memref<73728xf32, #tpu.memory_space<vmem>>, vector<16xf32>,
      %swap3A_1348 = vector.shape_cast %swap3A_1347 : vector<16xf32> to vector<16xf32>
      %swap3A_1349 = vector.shape_cast %gather3A_1341 : vector<16xf32> to vector<16xf32>
      tpu.vector_store %arg9[%swap3A_1346], %swap3A_1349 {strides = array<i32>} : memref<73728xf32, #tpu.memory_space<vmem>>, vector<16xf32>,
      %mul3A_1350 = arith.constant 16 : i32
      %mul3A_1351 = arith.muli %scan3A_185, %mul3A_1350 : i32
      %add3A_1352 = arith.constant 9 : i32
      %add3A_1353 = arith.addi %mul3A_1351, %add3A_1352 : i32
      %mul3A_1354 = arith.constant 16 : i32
      %mul3A_1355 = arith.muli %add3A_1353, %mul3A_1354 : i32
      %get3A_1356 = arith.index_cast %mul3A_1355 : i32 to index
      %get3A_1357 = tpu.vector_load %arg7[%get3A_1356] {strides = array<i32>} : memref<8192xf32, #tpu.memory_space<vmem>>, vector<16xf32>,
      %get3A_1358 = vector.shape_cast %get3A_1357 : vector<16xf32> to vector<16xf32>
      %broadcast_in_dim3A_1359 = vector.shape_cast %broadcast_in_dim3A_165 : vector<16xi32> to vector<16x1xi32>
      %gather3A_1360 = vector.shape_cast %broadcast_in_dim3A_1359 : vector<16x1xi32> to vector<16xi32>
      %gather3A_1361 = tpu.dynamic_gather %get3A_190[%gather3A_1360] in [0] : vector<16xi32>, vector<16xi32> -> vector<16xi32>
      %mul3A_1362 = arith.muli %gather3A_1361, %sub3A : vector<16xi32>
      %add3A_1363 = arith.addi %get3A_8, %mul3A_1362 : vector<16xi32>
      %broadcast_in_dim3A_1364 = vector.shape_cast %add3A_1363 : vector<16xi32> to vector<16x1xi32>
      %gather3A_1365 = vector.shape_cast %broadcast_in_dim3A_1364 : vector<16x1xi32> to vector<16xi32>
      %gather3A_1366 = tpu.dynamic_gather %get3A_1358[%gather3A_1365] in [0] : vector<16xf32>, vector<16xi32> -> vector<16xf32>
      %mul3A_1367 = arith.constant 144 : i32
      %mul3A_1368 = arith.muli %add3A_1353, %mul3A_1367 : i32
      %add3A_1369 = arith.constant 0 : i32
      %add3A_1370 = arith.addi %mul3A_1368, %add3A_1369 : i32
      %swap3A_1371 = arith.index_cast %add3A_1370 : i32 to index
      %swap3A_1372 = tpu.vector_load %arg9[%swap3A_1371] {strides = array<i32>} : memref<73728xf32, #tpu.memory_space<vmem>>, vector<16xf32>,
      %swap3A_1373 = vector.shape_cast %swap3A_1372 : vector<16xf32> to vector<16xf32>
      %swap3A_1374 = vector.shape_cast %gather3A_1366 : vector<16xf32> to vector<16xf32>
      tpu.vector_store %arg9[%swap3A_1371], %swap3A_1374 {strides = array<i32>} : memref<73728xf32, #tpu.memory_space<vmem>>, vector<16xf32>,
      %mul3A_1375 = arith.muli %gather3A_1361, %sub3A_69 : vector<16xi32>
      %add3A_1376 = arith.addi %get3A_13, %mul3A_1375 : vector<16xi32>
      %broadcast_in_dim3A_1377 = vector.shape_cast %add3A_1376 : vector<16xi32> to vector<16x1xi32>
      %gather3A_1378 = vector.shape_cast %broadcast_in_dim3A_1377 : vector<16x1xi32> to vector<16xi32>
      %gather3A_1379 = tpu.dynamic_gather %get3A_1358[%gather3A_1378] in [0] : vector<16xf32>, vector<16xi32> -> vector<16xf32>
      %mul3A_1380 = arith.constant 144 : i32
      %mul3A_1381 = arith.muli %add3A_1353, %mul3A_1380 : i32
      %add3A_1382 = arith.constant 16 : i32
      %add3A_1383 = arith.addi %mul3A_1381, %add3A_1382 : i32
      %swap3A_1384 = arith.index_cast %add3A_1383 : i32 to index
      %swap3A_1385 = tpu.vector_load %arg9[%swap3A_1384] {strides = array<i32>} : memref<73728xf32, #tpu.memory_space<vmem>>, vector<16xf32>,
      %swap3A_1386 = vector.shape_cast %swap3A_1385 : vector<16xf32> to vector<16xf32>
      %swap3A_1387 = vector.shape_cast %gather3A_1379 : vector<16xf32> to vector<16xf32>
      tpu.vector_store %arg9[%swap3A_1384], %swap3A_1387 {strides = array<i32>} : memref<73728xf32, #tpu.memory_space<vmem>>, vector<16xf32>,
      %mul3A_1388 = arith.muli %gather3A_1361, %sub3A_80 : vector<16xi32>
      %add3A_1389 = arith.addi %get3A_18, %mul3A_1388 : vector<16xi32>
      %broadcast_in_dim3A_1390 = vector.shape_cast %add3A_1389 : vector<16xi32> to vector<16x1xi32>
      %gather3A_1391 = vector.shape_cast %broadcast_in_dim3A_1390 : vector<16x1xi32> to vector<16xi32>
      %gather3A_1392 = tpu.dynamic_gather %get3A_1358[%gather3A_1391] in [0] : vector<16xf32>, vector<16xi32> -> vector<16xf32>
      %mul3A_1393 = arith.constant 144 : i32
      %mul3A_1394 = arith.muli %add3A_1353, %mul3A_1393 : i32
      %add3A_1395 = arith.constant 32 : i32
      %add3A_1396 = arith.addi %mul3A_1394, %add3A_1395 : i32
      %swap3A_1397 = arith.index_cast %add3A_1396 : i32 to index
      %swap3A_1398 = tpu.vector_load %arg9[%swap3A_1397] {strides = array<i32>} : memref<73728xf32, #tpu.memory_space<vmem>>, vector<16xf32>,
      %swap3A_1399 = vector.shape_cast %swap3A_1398 : vector<16xf32> to vector<16xf32>
      %swap3A_1400 = vector.shape_cast %gather3A_1392 : vector<16xf32> to vector<16xf32>
      tpu.vector_store %arg9[%swap3A_1397], %swap3A_1400 {strides = array<i32>} : memref<73728xf32, #tpu.memory_space<vmem>>, vector<16xf32>,
      %mul3A_1401 = arith.muli %gather3A_1361, %sub3A_91 : vector<16xi32>
      %add3A_1402 = arith.addi %get3A_23, %mul3A_1401 : vector<16xi32>
      %broadcast_in_dim3A_1403 = vector.shape_cast %add3A_1402 : vector<16xi32> to vector<16x1xi32>
      %gather3A_1404 = vector.shape_cast %broadcast_in_dim3A_1403 : vector<16x1xi32> to vector<16xi32>
      %gather3A_1405 = tpu.dynamic_gather %get3A_1358[%gather3A_1404] in [0] : vector<16xf32>, vector<16xi32> -> vector<16xf32>
      %mul3A_1406 = arith.constant 144 : i32
      %mul3A_1407 = arith.muli %add3A_1353, %mul3A_1406 : i32
      %add3A_1408 = arith.constant 48 : i32
      %add3A_1409 = arith.addi %mul3A_1407, %add3A_1408 : i32
      %swap3A_1410 = arith.index_cast %add3A_1409 : i32 to index
      %swap3A_1411 = tpu.vector_load %arg9[%swap3A_1410] {strides = array<i32>} : memref<73728xf32, #tpu.memory_space<vmem>>, vector<16xf32>,
      %swap3A_1412 = vector.shape_cast %swap3A_1411 : vector<16xf32> to vector<16xf32>
      %swap3A_1413 = vector.shape_cast %gather3A_1405 : vector<16xf32> to vector<16xf32>
      tpu.vector_store %arg9[%swap3A_1410], %swap3A_1413 {strides = array<i32>} : memref<73728xf32, #tpu.memory_space<vmem>>, vector<16xf32>,
      %mul3A_1414 = arith.muli %gather3A_1361, %sub3A_102 : vector<16xi32>
      %add3A_1415 = arith.addi %get3A_28, %mul3A_1414 : vector<16xi32>
      %broadcast_in_dim3A_1416 = vector.shape_cast %add3A_1415 : vector<16xi32> to vector<16x1xi32>
      %gather3A_1417 = vector.shape_cast %broadcast_in_dim3A_1416 : vector<16x1xi32> to vector<16xi32>
      %gather3A_1418 = tpu.dynamic_gather %get3A_1358[%gather3A_1417] in [0] : vector<16xf32>, vector<16xi32> -> vector<16xf32>
      %mul3A_1419 = arith.constant 144 : i32
      %mul3A_1420 = arith.muli %add3A_1353, %mul3A_1419 : i32
      %add3A_1421 = arith.constant 64 : i32
      %add3A_1422 = arith.addi %mul3A_1420, %add3A_1421 : i32
      %swap3A_1423 = arith.index_cast %add3A_1422 : i32 to index
      %swap3A_1424 = tpu.vector_load %arg9[%swap3A_1423] {strides = array<i32>} : memref<73728xf32, #tpu.memory_space<vmem>>, vector<16xf32>,
      %swap3A_1425 = vector.shape_cast %swap3A_1424 : vector<16xf32> to vector<16xf32>
      %swap3A_1426 = vector.shape_cast %gather3A_1418 : vector<16xf32> to vector<16xf32>
      tpu.vector_store %arg9[%swap3A_1423], %swap3A_1426 {strides = array<i32>} : memref<73728xf32, #tpu.memory_space<vmem>>, vector<16xf32>,
      %mul3A_1427 = arith.muli %gather3A_1361, %sub3A_113 : vector<16xi32>
      %add3A_1428 = arith.addi %get3A_33, %mul3A_1427 : vector<16xi32>
      %broadcast_in_dim3A_1429 = vector.shape_cast %add3A_1428 : vector<16xi32> to vector<16x1xi32>
      %gather3A_1430 = vector.shape_cast %broadcast_in_dim3A_1429 : vector<16x1xi32> to vector<16xi32>
      %gather3A_1431 = tpu.dynamic_gather %get3A_1358[%gather3A_1430] in [0] : vector<16xf32>, vector<16xi32> -> vector<16xf32>
      %mul3A_1432 = arith.constant 144 : i32
      %mul3A_1433 = arith.muli %add3A_1353, %mul3A_1432 : i32
      %add3A_1434 = arith.constant 80 : i32
      %add3A_1435 = arith.addi %mul3A_1433, %add3A_1434 : i32
      %swap3A_1436 = arith.index_cast %add3A_1435 : i32 to index
      %swap3A_1437 = tpu.vector_load %arg9[%swap3A_1436] {strides = array<i32>} : memref<73728xf32, #tpu.memory_space<vmem>>, vector<16xf32>,
      %swap3A_1438 = vector.shape_cast %swap3A_1437 : vector<16xf32> to vector<16xf32>
      %swap3A_1439 = vector.shape_cast %gather3A_1431 : vector<16xf32> to vector<16xf32>
      tpu.vector_store %arg9[%swap3A_1436], %swap3A_1439 {strides = array<i32>} : memref<73728xf32, #tpu.memory_space<vmem>>, vector<16xf32>,
      %mul3A_1440 = arith.muli %gather3A_1361, %sub3A_124 : vector<16xi32>
      %add3A_1441 = arith.addi %get3A_38, %mul3A_1440 : vector<16xi32>
      %broadcast_in_dim3A_1442 = vector.shape_cast %add3A_1441 : vector<16xi32> to vector<16x1xi32>
      %gather3A_1443 = vector.shape_cast %broadcast_in_dim3A_1442 : vector<16x1xi32> to vector<16xi32>
      %gather3A_1444 = tpu.dynamic_gather %get3A_1358[%gather3A_1443] in [0] : vector<16xf32>, vector<16xi32> -> vector<16xf32>
      %mul3A_1445 = arith.constant 144 : i32
      %mul3A_1446 = arith.muli %add3A_1353, %mul3A_1445 : i32
      %add3A_1447 = arith.constant 96 : i32
      %add3A_1448 = arith.addi %mul3A_1446, %add3A_1447 : i32
      %swap3A_1449 = arith.index_cast %add3A_1448 : i32 to index
      %swap3A_1450 = tpu.vector_load %arg9[%swap3A_1449] {strides = array<i32>} : memref<73728xf32, #tpu.memory_space<vmem>>, vector<16xf32>,
      %swap3A_1451 = vector.shape_cast %swap3A_1450 : vector<16xf32> to vector<16xf32>
      %swap3A_1452 = vector.shape_cast %gather3A_1444 : vector<16xf32> to vector<16xf32>
      tpu.vector_store %arg9[%swap3A_1449], %swap3A_1452 {strides = array<i32>} : memref<73728xf32, #tpu.memory_space<vmem>>, vector<16xf32>,
      %mul3A_1453 = arith.muli %gather3A_1361, %sub3A_135 : vector<16xi32>
      %add3A_1454 = arith.addi %get3A_43, %mul3A_1453 : vector<16xi32>
      %broadcast_in_dim3A_1455 = vector.shape_cast %add3A_1454 : vector<16xi32> to vector<16x1xi32>
      %gather3A_1456 = vector.shape_cast %broadcast_in_dim3A_1455 : vector<16x1xi32> to vector<16xi32>
      %gather3A_1457 = tpu.dynamic_gather %get3A_1358[%gather3A_1456] in [0] : vector<16xf32>, vector<16xi32> -> vector<16xf32>
      %mul3A_1458 = arith.constant 144 : i32
      %mul3A_1459 = arith.muli %add3A_1353, %mul3A_1458 : i32
      %add3A_1460 = arith.constant 112 : i32
      %add3A_1461 = arith.addi %mul3A_1459, %add3A_1460 : i32
      %swap3A_1462 = arith.index_cast %add3A_1461 : i32 to index
      %swap3A_1463 = tpu.vector_load %arg9[%swap3A_1462] {strides = array<i32>} : memref<73728xf32, #tpu.memory_space<vmem>>, vector<16xf32>,
      %swap3A_1464 = vector.shape_cast %swap3A_1463 : vector<16xf32> to vector<16xf32>
      %swap3A_1465 = vector.shape_cast %gather3A_1457 : vector<16xf32> to vector<16xf32>
      tpu.vector_store %arg9[%swap3A_1462], %swap3A_1465 {strides = array<i32>} : memref<73728xf32, #tpu.memory_space<vmem>>, vector<16xf32>,
      %mul3A_1466 = arith.muli %gather3A_1361, %sub3A_146 : vector<16xi32>
      %add3A_1467 = arith.addi %get3A_48, %mul3A_1466 : vector<16xi32>
      %broadcast_in_dim3A_1468 = vector.shape_cast %add3A_1467 : vector<16xi32> to vector<16x1xi32>
      %gather3A_1469 = vector.shape_cast %broadcast_in_dim3A_1468 : vector<16x1xi32> to vector<16xi32>
      %gather3A_1470 = tpu.dynamic_gather %get3A_1358[%gather3A_1469] in [0] : vector<16xf32>, vector<16xi32> -> vector<16xf32>
      %mul3A_1471 = arith.constant 144 : i32
      %mul3A_1472 = arith.muli %add3A_1353, %mul3A_1471 : i32
      %add3A_1473 = arith.constant 128 : i32
      %add3A_1474 = arith.addi %mul3A_1472, %add3A_1473 : i32
      %swap3A_1475 = arith.index_cast %add3A_1474 : i32 to index
      %swap3A_1476 = tpu.vector_load %arg9[%swap3A_1475] {strides = array<i32>} : memref<73728xf32, #tpu.memory_space<vmem>>, vector<16xf32>,
      %swap3A_1477 = vector.shape_cast %swap3A_1476 : vector<16xf32> to vector<16xf32>
      %swap3A_1478 = vector.shape_cast %gather3A_1470 : vector<16xf32> to vector<16xf32>
      tpu.vector_store %arg9[%swap3A_1475], %swap3A_1478 {strides = array<i32>} : memref<73728xf32, #tpu.memory_space<vmem>>, vector<16xf32>,
      %mul3A_1479 = arith.constant 16 : i32
      %mul3A_1480 = arith.muli %scan3A_185, %mul3A_1479 : i32
      %add3A_1481 = arith.constant 10 : i32
      %add3A_1482 = arith.addi %mul3A_1480, %add3A_1481 : i32
      %mul3A_1483 = arith.constant 16 : i32
      %mul3A_1484 = arith.muli %add3A_1482, %mul3A_1483 : i32
      %get3A_1485 = arith.index_cast %mul3A_1484 : i32 to index
      %get3A_1486 = tpu.vector_load %arg7[%get3A_1485] {strides = array<i32>} : memref<8192xf32, #tpu.memory_space<vmem>>, vector<16xf32>,
      %get3A_1487 = vector.shape_cast %get3A_1486 : vector<16xf32> to vector<16xf32>
      %broadcast_in_dim3A_1488 = vector.shape_cast %broadcast_in_dim3A_167 : vector<16xi32> to vector<16x1xi32>
      %gather3A_1489 = vector.shape_cast %broadcast_in_dim3A_1488 : vector<16x1xi32> to vector<16xi32>
      %gather3A_1490 = tpu.dynamic_gather %get3A_190[%gather3A_1489] in [0] : vector<16xi32>, vector<16xi32> -> vector<16xi32>
      %mul3A_1491 = arith.muli %gather3A_1490, %sub3A : vector<16xi32>
      %add3A_1492 = arith.addi %get3A_8, %mul3A_1491 : vector<16xi32>
      %broadcast_in_dim3A_1493 = vector.shape_cast %add3A_1492 : vector<16xi32> to vector<16x1xi32>
      %gather3A_1494 = vector.shape_cast %broadcast_in_dim3A_1493 : vector<16x1xi32> to vector<16xi32>
      %gather3A_1495 = tpu.dynamic_gather %get3A_1487[%gather3A_1494] in [0] : vector<16xf32>, vector<16xi32> -> vector<16xf32>
      %mul3A_1496 = arith.constant 144 : i32
      %mul3A_1497 = arith.muli %add3A_1482, %mul3A_1496 : i32
      %add3A_1498 = arith.constant 0 : i32
      %add3A_1499 = arith.addi %mul3A_1497, %add3A_1498 : i32
      %swap3A_1500 = arith.index_cast %add3A_1499 : i32 to index
      %swap3A_1501 = tpu.vector_load %arg9[%swap3A_1500] {strides = array<i32>} : memref<73728xf32, #tpu.memory_space<vmem>>, vector<16xf32>,
      %swap3A_1502 = vector.shape_cast %swap3A_1501 : vector<16xf32> to vector<16xf32>
      %swap3A_1503 = vector.shape_cast %gather3A_1495 : vector<16xf32> to vector<16xf32>
      tpu.vector_store %arg9[%swap3A_1500], %swap3A_1503 {strides = array<i32>} : memref<73728xf32, #tpu.memory_space<vmem>>, vector<16xf32>,
      %mul3A_1504 = arith.muli %gather3A_1490, %sub3A_69 : vector<16xi32>
      %add3A_1505 = arith.addi %get3A_13, %mul3A_1504 : vector<16xi32>
      %broadcast_in_dim3A_1506 = vector.shape_cast %add3A_1505 : vector<16xi32> to vector<16x1xi32>
      %gather3A_1507 = vector.shape_cast %broadcast_in_dim3A_1506 : vector<16x1xi32> to vector<16xi32>
      %gather3A_1508 = tpu.dynamic_gather %get3A_1487[%gather3A_1507] in [0] : vector<16xf32>, vector<16xi32> -> vector<16xf32>
      %mul3A_1509 = arith.constant 144 : i32
      %mul3A_1510 = arith.muli %add3A_1482, %mul3A_1509 : i32
      %add3A_1511 = arith.constant 16 : i32
      %add3A_1512 = arith.addi %mul3A_1510, %add3A_1511 : i32
      %swap3A_1513 = arith.index_cast %add3A_1512 : i32 to index
      %swap3A_1514 = tpu.vector_load %arg9[%swap3A_1513] {strides = array<i32>} : memref<73728xf32, #tpu.memory_space<vmem>>, vector<16xf32>,
      %swap3A_1515 = vector.shape_cast %swap3A_1514 : vector<16xf32> to vector<16xf32>
      %swap3A_1516 = vector.shape_cast %gather3A_1508 : vector<16xf32> to vector<16xf32>
      tpu.vector_store %arg9[%swap3A_1513], %swap3A_1516 {strides = array<i32>} : memref<73728xf32, #tpu.memory_space<vmem>>, vector<16xf32>,
      %mul3A_1517 = arith.muli %gather3A_1490, %sub3A_80 : vector<16xi32>
      %add3A_1518 = arith.addi %get3A_18, %mul3A_1517 : vector<16xi32>
      %broadcast_in_dim3A_1519 = vector.shape_cast %add3A_1518 : vector<16xi32> to vector<16x1xi32>
      %gather3A_1520 = vector.shape_cast %broadcast_in_dim3A_1519 : vector<16x1xi32> to vector<16xi32>
      %gather3A_1521 = tpu.dynamic_gather %get3A_1487[%gather3A_1520] in [0] : vector<16xf32>, vector<16xi32> -> vector<16xf32>
      %mul3A_1522 = arith.constant 144 : i32
      %mul3A_1523 = arith.muli %add3A_1482, %mul3A_1522 : i32
      %add3A_1524 = arith.constant 32 : i32
      %add3A_1525 = arith.addi %mul3A_1523, %add3A_1524 : i32
      %swap3A_1526 = arith.index_cast %add3A_1525 : i32 to index
      %swap3A_1527 = tpu.vector_load %arg9[%swap3A_1526] {strides = array<i32>} : memref<73728xf32, #tpu.memory_space<vmem>>, vector<16xf32>,
      %swap3A_1528 = vector.shape_cast %swap3A_1527 : vector<16xf32> to vector<16xf32>
      %swap3A_1529 = vector.shape_cast %gather3A_1521 : vector<16xf32> to vector<16xf32>
      tpu.vector_store %arg9[%swap3A_1526], %swap3A_1529 {strides = array<i32>} : memref<73728xf32, #tpu.memory_space<vmem>>, vector<16xf32>,
      %mul3A_1530 = arith.muli %gather3A_1490, %sub3A_91 : vector<16xi32>
      %add3A_1531 = arith.addi %get3A_23, %mul3A_1530 : vector<16xi32>
      %broadcast_in_dim3A_1532 = vector.shape_cast %add3A_1531 : vector<16xi32> to vector<16x1xi32>
      %gather3A_1533 = vector.shape_cast %broadcast_in_dim3A_1532 : vector<16x1xi32> to vector<16xi32>
      %gather3A_1534 = tpu.dynamic_gather %get3A_1487[%gather3A_1533] in [0] : vector<16xf32>, vector<16xi32> -> vector<16xf32>
      %mul3A_1535 = arith.constant 144 : i32
      %mul3A_1536 = arith.muli %add3A_1482, %mul3A_1535 : i32
      %add3A_1537 = arith.constant 48 : i32
      %add3A_1538 = arith.addi %mul3A_1536, %add3A_1537 : i32
      %swap3A_1539 = arith.index_cast %add3A_1538 : i32 to index
      %swap3A_1540 = tpu.vector_load %arg9[%swap3A_1539] {strides = array<i32>} : memref<73728xf32, #tpu.memory_space<vmem>>, vector<16xf32>,
      %swap3A_1541 = vector.shape_cast %swap3A_1540 : vector<16xf32> to vector<16xf32>
      %swap3A_1542 = vector.shape_cast %gather3A_1534 : vector<16xf32> to vector<16xf32>
      tpu.vector_store %arg9[%swap3A_1539], %swap3A_1542 {strides = array<i32>} : memref<73728xf32, #tpu.memory_space<vmem>>, vector<16xf32>,
      %mul3A_1543 = arith.muli %gather3A_1490, %sub3A_102 : vector<16xi32>
      %add3A_1544 = arith.addi %get3A_28, %mul3A_1543 : vector<16xi32>
      %broadcast_in_dim3A_1545 = vector.shape_cast %add3A_1544 : vector<16xi32> to vector<16x1xi32>
      %gather3A_1546 = vector.shape_cast %broadcast_in_dim3A_1545 : vector<16x1xi32> to vector<16xi32>
      %gather3A_1547 = tpu.dynamic_gather %get3A_1487[%gather3A_1546] in [0] : vector<16xf32>, vector<16xi32> -> vector<16xf32>
      %mul3A_1548 = arith.constant 144 : i32
      %mul3A_1549 = arith.muli %add3A_1482, %mul3A_1548 : i32
      %add3A_1550 = arith.constant 64 : i32
      %add3A_1551 = arith.addi %mul3A_1549, %add3A_1550 : i32
      %swap3A_1552 = arith.index_cast %add3A_1551 : i32 to index
      %swap3A_1553 = tpu.vector_load %arg9[%swap3A_1552] {strides = array<i32>} : memref<73728xf32, #tpu.memory_space<vmem>>, vector<16xf32>,
      %swap3A_1554 = vector.shape_cast %swap3A_1553 : vector<16xf32> to vector<16xf32>
      %swap3A_1555 = vector.shape_cast %gather3A_1547 : vector<16xf32> to vector<16xf32>
      tpu.vector_store %arg9[%swap3A_1552], %swap3A_1555 {strides = array<i32>} : memref<73728xf32, #tpu.memory_space<vmem>>, vector<16xf32>,
      %mul3A_1556 = arith.muli %gather3A_1490, %sub3A_113 : vector<16xi32>
      %add3A_1557 = arith.addi %get3A_33, %mul3A_1556 : vector<16xi32>
      %broadcast_in_dim3A_1558 = vector.shape_cast %add3A_1557 : vector<16xi32> to vector<16x1xi32>
      %gather3A_1559 = vector.shape_cast %broadcast_in_dim3A_1558 : vector<16x1xi32> to vector<16xi32>
      %gather3A_1560 = tpu.dynamic_gather %get3A_1487[%gather3A_1559] in [0] : vector<16xf32>, vector<16xi32> -> vector<16xf32>
      %mul3A_1561 = arith.constant 144 : i32
      %mul3A_1562 = arith.muli %add3A_1482, %mul3A_1561 : i32
      %add3A_1563 = arith.constant 80 : i32
      %add3A_1564 = arith.addi %mul3A_1562, %add3A_1563 : i32
      %swap3A_1565 = arith.index_cast %add3A_1564 : i32 to index
      %swap3A_1566 = tpu.vector_load %arg9[%swap3A_1565] {strides = array<i32>} : memref<73728xf32, #tpu.memory_space<vmem>>, vector<16xf32>,
      %swap3A_1567 = vector.shape_cast %swap3A_1566 : vector<16xf32> to vector<16xf32>
      %swap3A_1568 = vector.shape_cast %gather3A_1560 : vector<16xf32> to vector<16xf32>
      tpu.vector_store %arg9[%swap3A_1565], %swap3A_1568 {strides = array<i32>} : memref<73728xf32, #tpu.memory_space<vmem>>, vector<16xf32>,
      %mul3A_1569 = arith.muli %gather3A_1490, %sub3A_124 : vector<16xi32>
      %add3A_1570 = arith.addi %get3A_38, %mul3A_1569 : vector<16xi32>
      %broadcast_in_dim3A_1571 = vector.shape_cast %add3A_1570 : vector<16xi32> to vector<16x1xi32>
      %gather3A_1572 = vector.shape_cast %broadcast_in_dim3A_1571 : vector<16x1xi32> to vector<16xi32>
      %gather3A_1573 = tpu.dynamic_gather %get3A_1487[%gather3A_1572] in [0] : vector<16xf32>, vector<16xi32> -> vector<16xf32>
      %mul3A_1574 = arith.constant 144 : i32
      %mul3A_1575 = arith.muli %add3A_1482, %mul3A_1574 : i32
      %add3A_1576 = arith.constant 96 : i32
      %add3A_1577 = arith.addi %mul3A_1575, %add3A_1576 : i32
      %swap3A_1578 = arith.index_cast %add3A_1577 : i32 to index
      %swap3A_1579 = tpu.vector_load %arg9[%swap3A_1578] {strides = array<i32>} : memref<73728xf32, #tpu.memory_space<vmem>>, vector<16xf32>,
      %swap3A_1580 = vector.shape_cast %swap3A_1579 : vector<16xf32> to vector<16xf32>
      %swap3A_1581 = vector.shape_cast %gather3A_1573 : vector<16xf32> to vector<16xf32>
      tpu.vector_store %arg9[%swap3A_1578], %swap3A_1581 {strides = array<i32>} : memref<73728xf32, #tpu.memory_space<vmem>>, vector<16xf32>,
      %mul3A_1582 = arith.muli %gather3A_1490, %sub3A_135 : vector<16xi32>
      %add3A_1583 = arith.addi %get3A_43, %mul3A_1582 : vector<16xi32>
      %broadcast_in_dim3A_1584 = vector.shape_cast %add3A_1583 : vector<16xi32> to vector<16x1xi32>
      %gather3A_1585 = vector.shape_cast %broadcast_in_dim3A_1584 : vector<16x1xi32> to vector<16xi32>
      %gather3A_1586 = tpu.dynamic_gather %get3A_1487[%gather3A_1585] in [0] : vector<16xf32>, vector<16xi32> -> vector<16xf32>
      %mul3A_1587 = arith.constant 144 : i32
      %mul3A_1588 = arith.muli %add3A_1482, %mul3A_1587 : i32
      %add3A_1589 = arith.constant 112 : i32
      %add3A_1590 = arith.addi %mul3A_1588, %add3A_1589 : i32
      %swap3A_1591 = arith.index_cast %add3A_1590 : i32 to index
      %swap3A_1592 = tpu.vector_load %arg9[%swap3A_1591] {strides = array<i32>} : memref<73728xf32, #tpu.memory_space<vmem>>, vector<16xf32>,
      %swap3A_1593 = vector.shape_cast %swap3A_1592 : vector<16xf32> to vector<16xf32>
      %swap3A_1594 = vector.shape_cast %gather3A_1586 : vector<16xf32> to vector<16xf32>
      tpu.vector_store %arg9[%swap3A_1591], %swap3A_1594 {strides = array<i32>} : memref<73728xf32, #tpu.memory_space<vmem>>, vector<16xf32>,
      %mul3A_1595 = arith.muli %gather3A_1490, %sub3A_146 : vector<16xi32>
      %add3A_1596 = arith.addi %get3A_48, %mul3A_1595 : vector<16xi32>
      %broadcast_in_dim3A_1597 = vector.shape_cast %add3A_1596 : vector<16xi32> to vector<16x1xi32>
      %gather3A_1598 = vector.shape_cast %broadcast_in_dim3A_1597 : vector<16x1xi32> to vector<16xi32>
      %gather3A_1599 = tpu.dynamic_gather %get3A_1487[%gather3A_1598] in [0] : vector<16xf32>, vector<16xi32> -> vector<16xf32>
      %mul3A_1600 = arith.constant 144 : i32
      %mul3A_1601 = arith.muli %add3A_1482, %mul3A_1600 : i32
      %add3A_1602 = arith.constant 128 : i32
      %add3A_1603 = arith.addi %mul3A_1601, %add3A_1602 : i32
      %swap3A_1604 = arith.index_cast %add3A_1603 : i32 to index
      %swap3A_1605 = tpu.vector_load %arg9[%swap3A_1604] {strides = array<i32>} : memref<73728xf32, #tpu.memory_space<vmem>>, vector<16xf32>,
      %swap3A_1606 = vector.shape_cast %swap3A_1605 : vector<16xf32> to vector<16xf32>
      %swap3A_1607 = vector.shape_cast %gather3A_1599 : vector<16xf32> to vector<16xf32>
      tpu.vector_store %arg9[%swap3A_1604], %swap3A_1607 {strides = array<i32>} : memref<73728xf32, #tpu.memory_space<vmem>>, vector<16xf32>,
      %mul3A_1608 = arith.constant 16 : i32
      %mul3A_1609 = arith.muli %scan3A_185, %mul3A_1608 : i32
      %add3A_1610 = arith.constant 11 : i32
      %add3A_1611 = arith.addi %mul3A_1609, %add3A_1610 : i32
      %mul3A_1612 = arith.constant 16 : i32
      %mul3A_1613 = arith.muli %add3A_1611, %mul3A_1612 : i32
      %get3A_1614 = arith.index_cast %mul3A_1613 : i32 to index
      %get3A_1615 = tpu.vector_load %arg7[%get3A_1614] {strides = array<i32>} : memref<8192xf32, #tpu.memory_space<vmem>>, vector<16xf32>,
      %get3A_1616 = vector.shape_cast %get3A_1615 : vector<16xf32> to vector<16xf32>
      %broadcast_in_dim3A_1617 = vector.shape_cast %broadcast_in_dim3A_169 : vector<16xi32> to vector<16x1xi32>
      %gather3A_1618 = vector.shape_cast %broadcast_in_dim3A_1617 : vector<16x1xi32> to vector<16xi32>
      %gather3A_1619 = tpu.dynamic_gather %get3A_190[%gather3A_1618] in [0] : vector<16xi32>, vector<16xi32> -> vector<16xi32>
      %mul3A_1620 = arith.muli %gather3A_1619, %sub3A : vector<16xi32>
      %add3A_1621 = arith.addi %get3A_8, %mul3A_1620 : vector<16xi32>
      %broadcast_in_dim3A_1622 = vector.shape_cast %add3A_1621 : vector<16xi32> to vector<16x1xi32>
      %gather3A_1623 = vector.shape_cast %broadcast_in_dim3A_1622 : vector<16x1xi32> to vector<16xi32>
      %gather3A_1624 = tpu.dynamic_gather %get3A_1616[%gather3A_1623] in [0] : vector<16xf32>, vector<16xi32> -> vector<16xf32>
      %mul3A_1625 = arith.constant 144 : i32
      %mul3A_1626 = arith.muli %add3A_1611, %mul3A_1625 : i32
      %add3A_1627 = arith.constant 0 : i32
      %add3A_1628 = arith.addi %mul3A_1626, %add3A_1627 : i32
      %swap3A_1629 = arith.index_cast %add3A_1628 : i32 to index
      %swap3A_1630 = tpu.vector_load %arg9[%swap3A_1629] {strides = array<i32>} : memref<73728xf32, #tpu.memory_space<vmem>>, vector<16xf32>,
      %swap3A_1631 = vector.shape_cast %swap3A_1630 : vector<16xf32> to vector<16xf32>
      %swap3A_1632 = vector.shape_cast %gather3A_1624 : vector<16xf32> to vector<16xf32>
      tpu.vector_store %arg9[%swap3A_1629], %swap3A_1632 {strides = array<i32>} : memref<73728xf32, #tpu.memory_space<vmem>>, vector<16xf32>,
      %mul3A_1633 = arith.muli %gather3A_1619, %sub3A_69 : vector<16xi32>
      %add3A_1634 = arith.addi %get3A_13, %mul3A_1633 : vector<16xi32>
      %broadcast_in_dim3A_1635 = vector.shape_cast %add3A_1634 : vector<16xi32> to vector<16x1xi32>
      %gather3A_1636 = vector.shape_cast %broadcast_in_dim3A_1635 : vector<16x1xi32> to vector<16xi32>
      %gather3A_1637 = tpu.dynamic_gather %get3A_1616[%gather3A_1636] in [0] : vector<16xf32>, vector<16xi32> -> vector<16xf32>
      %mul3A_1638 = arith.constant 144 : i32
      %mul3A_1639 = arith.muli %add3A_1611, %mul3A_1638 : i32
      %add3A_1640 = arith.constant 16 : i32
      %add3A_1641 = arith.addi %mul3A_1639, %add3A_1640 : i32
      %swap3A_1642 = arith.index_cast %add3A_1641 : i32 to index
      %swap3A_1643 = tpu.vector_load %arg9[%swap3A_1642] {strides = array<i32>} : memref<73728xf32, #tpu.memory_space<vmem>>, vector<16xf32>,
      %swap3A_1644 = vector.shape_cast %swap3A_1643 : vector<16xf32> to vector<16xf32>
      %swap3A_1645 = vector.shape_cast %gather3A_1637 : vector<16xf32> to vector<16xf32>
      tpu.vector_store %arg9[%swap3A_1642], %swap3A_1645 {strides = array<i32>} : memref<73728xf32, #tpu.memory_space<vmem>>, vector<16xf32>,
      %mul3A_1646 = arith.muli %gather3A_1619, %sub3A_80 : vector<16xi32>
      %add3A_1647 = arith.addi %get3A_18, %mul3A_1646 : vector<16xi32>
      %broadcast_in_dim3A_1648 = vector.shape_cast %add3A_1647 : vector<16xi32> to vector<16x1xi32>
      %gather3A_1649 = vector.shape_cast %broadcast_in_dim3A_1648 : vector<16x1xi32> to vector<16xi32>
      %gather3A_1650 = tpu.dynamic_gather %get3A_1616[%gather3A_1649] in [0] : vector<16xf32>, vector<16xi32> -> vector<16xf32>
      %mul3A_1651 = arith.constant 144 : i32
      %mul3A_1652 = arith.muli %add3A_1611, %mul3A_1651 : i32
      %add3A_1653 = arith.constant 32 : i32
      %add3A_1654 = arith.addi %mul3A_1652, %add3A_1653 : i32
      %swap3A_1655 = arith.index_cast %add3A_1654 : i32 to index
      %swap3A_1656 = tpu.vector_load %arg9[%swap3A_1655] {strides = array<i32>} : memref<73728xf32, #tpu.memory_space<vmem>>, vector<16xf32>,
      %swap3A_1657 = vector.shape_cast %swap3A_1656 : vector<16xf32> to vector<16xf32>
      %swap3A_1658 = vector.shape_cast %gather3A_1650 : vector<16xf32> to vector<16xf32>
      tpu.vector_store %arg9[%swap3A_1655], %swap3A_1658 {strides = array<i32>} : memref<73728xf32, #tpu.memory_space<vmem>>, vector<16xf32>,
      %mul3A_1659 = arith.muli %gather3A_1619, %sub3A_91 : vector<16xi32>
      %add3A_1660 = arith.addi %get3A_23, %mul3A_1659 : vector<16xi32>
      %broadcast_in_dim3A_1661 = vector.shape_cast %add3A_1660 : vector<16xi32> to vector<16x1xi32>
      %gather3A_1662 = vector.shape_cast %broadcast_in_dim3A_1661 : vector<16x1xi32> to vector<16xi32>
      %gather3A_1663 = tpu.dynamic_gather %get3A_1616[%gather3A_1662] in [0] : vector<16xf32>, vector<16xi32> -> vector<16xf32>
      %mul3A_1664 = arith.constant 144 : i32
      %mul3A_1665 = arith.muli %add3A_1611, %mul3A_1664 : i32
      %add3A_1666 = arith.constant 48 : i32
      %add3A_1667 = arith.addi %mul3A_1665, %add3A_1666 : i32
      %swap3A_1668 = arith.index_cast %add3A_1667 : i32 to index
      %swap3A_1669 = tpu.vector_load %arg9[%swap3A_1668] {strides = array<i32>} : memref<73728xf32, #tpu.memory_space<vmem>>, vector<16xf32>,
      %swap3A_1670 = vector.shape_cast %swap3A_1669 : vector<16xf32> to vector<16xf32>
      %swap3A_1671 = vector.shape_cast %gather3A_1663 : vector<16xf32> to vector<16xf32>
      tpu.vector_store %arg9[%swap3A_1668], %swap3A_1671 {strides = array<i32>} : memref<73728xf32, #tpu.memory_space<vmem>>, vector<16xf32>,
      %mul3A_1672 = arith.muli %gather3A_1619, %sub3A_102 : vector<16xi32>
      %add3A_1673 = arith.addi %get3A_28, %mul3A_1672 : vector<16xi32>
      %broadcast_in_dim3A_1674 = vector.shape_cast %add3A_1673 : vector<16xi32> to vector<16x1xi32>
      %gather3A_1675 = vector.shape_cast %broadcast_in_dim3A_1674 : vector<16x1xi32> to vector<16xi32>
      %gather3A_1676 = tpu.dynamic_gather %get3A_1616[%gather3A_1675] in [0] : vector<16xf32>, vector<16xi32> -> vector<16xf32>
      %mul3A_1677 = arith.constant 144 : i32
      %mul3A_1678 = arith.muli %add3A_1611, %mul3A_1677 : i32
      %add3A_1679 = arith.constant 64 : i32
      %add3A_1680 = arith.addi %mul3A_1678, %add3A_1679 : i32
      %swap3A_1681 = arith.index_cast %add3A_1680 : i32 to index
      %swap3A_1682 = tpu.vector_load %arg9[%swap3A_1681] {strides = array<i32>} : memref<73728xf32, #tpu.memory_space<vmem>>, vector<16xf32>,
      %swap3A_1683 = vector.shape_cast %swap3A_1682 : vector<16xf32> to vector<16xf32>
      %swap3A_1684 = vector.shape_cast %gather3A_1676 : vector<16xf32> to vector<16xf32>
      tpu.vector_store %arg9[%swap3A_1681], %swap3A_1684 {strides = array<i32>} : memref<73728xf32, #tpu.memory_space<vmem>>, vector<16xf32>,
      %mul3A_1685 = arith.muli %gather3A_1619, %sub3A_113 : vector<16xi32>
      %add3A_1686 = arith.addi %get3A_33, %mul3A_1685 : vector<16xi32>
      %broadcast_in_dim3A_1687 = vector.shape_cast %add3A_1686 : vector<16xi32> to vector<16x1xi32>
      %gather3A_1688 = vector.shape_cast %broadcast_in_dim3A_1687 : vector<16x1xi32> to vector<16xi32>
      %gather3A_1689 = tpu.dynamic_gather %get3A_1616[%gather3A_1688] in [0] : vector<16xf32>, vector<16xi32> -> vector<16xf32>
      %mul3A_1690 = arith.constant 144 : i32
      %mul3A_1691 = arith.muli %add3A_1611, %mul3A_1690 : i32
      %add3A_1692 = arith.constant 80 : i32
      %add3A_1693 = arith.addi %mul3A_1691, %add3A_1692 : i32
      %swap3A_1694 = arith.index_cast %add3A_1693 : i32 to index
      %swap3A_1695 = tpu.vector_load %arg9[%swap3A_1694] {strides = array<i32>} : memref<73728xf32, #tpu.memory_space<vmem>>, vector<16xf32>,
      %swap3A_1696 = vector.shape_cast %swap3A_1695 : vector<16xf32> to vector<16xf32>
      %swap3A_1697 = vector.shape_cast %gather3A_1689 : vector<16xf32> to vector<16xf32>
      tpu.vector_store %arg9[%swap3A_1694], %swap3A_1697 {strides = array<i32>} : memref<73728xf32, #tpu.memory_space<vmem>>, vector<16xf32>,
      %mul3A_1698 = arith.muli %gather3A_1619, %sub3A_124 : vector<16xi32>
      %add3A_1699 = arith.addi %get3A_38, %mul3A_1698 : vector<16xi32>
      %broadcast_in_dim3A_1700 = vector.shape_cast %add3A_1699 : vector<16xi32> to vector<16x1xi32>
      %gather3A_1701 = vector.shape_cast %broadcast_in_dim3A_1700 : vector<16x1xi32> to vector<16xi32>
      %gather3A_1702 = tpu.dynamic_gather %get3A_1616[%gather3A_1701] in [0] : vector<16xf32>, vector<16xi32> -> vector<16xf32>
      %mul3A_1703 = arith.constant 144 : i32
      %mul3A_1704 = arith.muli %add3A_1611, %mul3A_1703 : i32
      %add3A_1705 = arith.constant 96 : i32
      %add3A_1706 = arith.addi %mul3A_1704, %add3A_1705 : i32
      %swap3A_1707 = arith.index_cast %add3A_1706 : i32 to index
      %swap3A_1708 = tpu.vector_load %arg9[%swap3A_1707] {strides = array<i32>} : memref<73728xf32, #tpu.memory_space<vmem>>, vector<16xf32>,
      %swap3A_1709 = vector.shape_cast %swap3A_1708 : vector<16xf32> to vector<16xf32>
      %swap3A_1710 = vector.shape_cast %gather3A_1702 : vector<16xf32> to vector<16xf32>
      tpu.vector_store %arg9[%swap3A_1707], %swap3A_1710 {strides = array<i32>} : memref<73728xf32, #tpu.memory_space<vmem>>, vector<16xf32>,
      %mul3A_1711 = arith.muli %gather3A_1619, %sub3A_135 : vector<16xi32>
      %add3A_1712 = arith.addi %get3A_43, %mul3A_1711 : vector<16xi32>
      %broadcast_in_dim3A_1713 = vector.shape_cast %add3A_1712 : vector<16xi32> to vector<16x1xi32>
      %gather3A_1714 = vector.shape_cast %broadcast_in_dim3A_1713 : vector<16x1xi32> to vector<16xi32>
      %gather3A_1715 = tpu.dynamic_gather %get3A_1616[%gather3A_1714] in [0] : vector<16xf32>, vector<16xi32> -> vector<16xf32>
      %mul3A_1716 = arith.constant 144 : i32
      %mul3A_1717 = arith.muli %add3A_1611, %mul3A_1716 : i32
      %add3A_1718 = arith.constant 112 : i32
      %add3A_1719 = arith.addi %mul3A_1717, %add3A_1718 : i32
      %swap3A_1720 = arith.index_cast %add3A_1719 : i32 to index
      %swap3A_1721 = tpu.vector_load %arg9[%swap3A_1720] {strides = array<i32>} : memref<73728xf32, #tpu.memory_space<vmem>>, vector<16xf32>,
      %swap3A_1722 = vector.shape_cast %swap3A_1721 : vector<16xf32> to vector<16xf32>
      %swap3A_1723 = vector.shape_cast %gather3A_1715 : vector<16xf32> to vector<16xf32>
      tpu.vector_store %arg9[%swap3A_1720], %swap3A_1723 {strides = array<i32>} : memref<73728xf32, #tpu.memory_space<vmem>>, vector<16xf32>,
      %mul3A_1724 = arith.muli %gather3A_1619, %sub3A_146 : vector<16xi32>
      %add3A_1725 = arith.addi %get3A_48, %mul3A_1724 : vector<16xi32>
      %broadcast_in_dim3A_1726 = vector.shape_cast %add3A_1725 : vector<16xi32> to vector<16x1xi32>
      %gather3A_1727 = vector.shape_cast %broadcast_in_dim3A_1726 : vector<16x1xi32> to vector<16xi32>
      %gather3A_1728 = tpu.dynamic_gather %get3A_1616[%gather3A_1727] in [0] : vector<16xf32>, vector<16xi32> -> vector<16xf32>
      %mul3A_1729 = arith.constant 144 : i32
      %mul3A_1730 = arith.muli %add3A_1611, %mul3A_1729 : i32
      %add3A_1731 = arith.constant 128 : i32
      %add3A_1732 = arith.addi %mul3A_1730, %add3A_1731 : i32
      %swap3A_1733 = arith.index_cast %add3A_1732 : i32 to index
      %swap3A_1734 = tpu.vector_load %arg9[%swap3A_1733] {strides = array<i32>} : memref<73728xf32, #tpu.memory_space<vmem>>, vector<16xf32>,
      %swap3A_1735 = vector.shape_cast %swap3A_1734 : vector<16xf32> to vector<16xf32>
      %swap3A_1736 = vector.shape_cast %gather3A_1728 : vector<16xf32> to vector<16xf32>
      tpu.vector_store %arg9[%swap3A_1733], %swap3A_1736 {strides = array<i32>} : memref<73728xf32, #tpu.memory_space<vmem>>, vector<16xf32>,
      %mul3A_1737 = arith.constant 16 : i32
      %mul3A_1738 = arith.muli %scan3A_185, %mul3A_1737 : i32
      %add3A_1739 = arith.constant 12 : i32
      %add3A_1740 = arith.addi %mul3A_1738, %add3A_1739 : i32
      %mul3A_1741 = arith.constant 16 : i32
      %mul3A_1742 = arith.muli %add3A_1740, %mul3A_1741 : i32
      %get3A_1743 = arith.index_cast %mul3A_1742 : i32 to index
      %get3A_1744 = tpu.vector_load %arg7[%get3A_1743] {strides = array<i32>} : memref<8192xf32, #tpu.memory_space<vmem>>, vector<16xf32>,
      %get3A_1745 = vector.shape_cast %get3A_1744 : vector<16xf32> to vector<16xf32>
      %broadcast_in_dim3A_1746 = vector.shape_cast %broadcast_in_dim3A_171 : vector<16xi32> to vector<16x1xi32>
      %gather3A_1747 = vector.shape_cast %broadcast_in_dim3A_1746 : vector<16x1xi32> to vector<16xi32>
      %gather3A_1748 = tpu.dynamic_gather %get3A_190[%gather3A_1747] in [0] : vector<16xi32>, vector<16xi32> -> vector<16xi32>
      %mul3A_1749 = arith.muli %gather3A_1748, %sub3A : vector<16xi32>
      %add3A_1750 = arith.addi %get3A_8, %mul3A_1749 : vector<16xi32>
      %broadcast_in_dim3A_1751 = vector.shape_cast %add3A_1750 : vector<16xi32> to vector<16x1xi32>
      %gather3A_1752 = vector.shape_cast %broadcast_in_dim3A_1751 : vector<16x1xi32> to vector<16xi32>
      %gather3A_1753 = tpu.dynamic_gather %get3A_1745[%gather3A_1752] in [0] : vector<16xf32>, vector<16xi32> -> vector<16xf32>
      %mul3A_1754 = arith.constant 144 : i32
      %mul3A_1755 = arith.muli %add3A_1740, %mul3A_1754 : i32
      %add3A_1756 = arith.constant 0 : i32
      %add3A_1757 = arith.addi %mul3A_1755, %add3A_1756 : i32
      %swap3A_1758 = arith.index_cast %add3A_1757 : i32 to index
      %swap3A_1759 = tpu.vector_load %arg9[%swap3A_1758] {strides = array<i32>} : memref<73728xf32, #tpu.memory_space<vmem>>, vector<16xf32>,
      %swap3A_1760 = vector.shape_cast %swap3A_1759 : vector<16xf32> to vector<16xf32>
      %swap3A_1761 = vector.shape_cast %gather3A_1753 : vector<16xf32> to vector<16xf32>
      tpu.vector_store %arg9[%swap3A_1758], %swap3A_1761 {strides = array<i32>} : memref<73728xf32, #tpu.memory_space<vmem>>, vector<16xf32>,
      %mul3A_1762 = arith.muli %gather3A_1748, %sub3A_69 : vector<16xi32>
      %add3A_1763 = arith.addi %get3A_13, %mul3A_1762 : vector<16xi32>
      %broadcast_in_dim3A_1764 = vector.shape_cast %add3A_1763 : vector<16xi32> to vector<16x1xi32>
      %gather3A_1765 = vector.shape_cast %broadcast_in_dim3A_1764 : vector<16x1xi32> to vector<16xi32>
      %gather3A_1766 = tpu.dynamic_gather %get3A_1745[%gather3A_1765] in [0] : vector<16xf32>, vector<16xi32> -> vector<16xf32>
      %mul3A_1767 = arith.constant 144 : i32
      %mul3A_1768 = arith.muli %add3A_1740, %mul3A_1767 : i32
      %add3A_1769 = arith.constant 16 : i32
      %add3A_1770 = arith.addi %mul3A_1768, %add3A_1769 : i32
      %swap3A_1771 = arith.index_cast %add3A_1770 : i32 to index
      %swap3A_1772 = tpu.vector_load %arg9[%swap3A_1771] {strides = array<i32>} : memref<73728xf32, #tpu.memory_space<vmem>>, vector<16xf32>,
      %swap3A_1773 = vector.shape_cast %swap3A_1772 : vector<16xf32> to vector<16xf32>
      %swap3A_1774 = vector.shape_cast %gather3A_1766 : vector<16xf32> to vector<16xf32>
      tpu.vector_store %arg9[%swap3A_1771], %swap3A_1774 {strides = array<i32>} : memref<73728xf32, #tpu.memory_space<vmem>>, vector<16xf32>,
      %mul3A_1775 = arith.muli %gather3A_1748, %sub3A_80 : vector<16xi32>
      %add3A_1776 = arith.addi %get3A_18, %mul3A_1775 : vector<16xi32>
      %broadcast_in_dim3A_1777 = vector.shape_cast %add3A_1776 : vector<16xi32> to vector<16x1xi32>
      %gather3A_1778 = vector.shape_cast %broadcast_in_dim3A_1777 : vector<16x1xi32> to vector<16xi32>
      %gather3A_1779 = tpu.dynamic_gather %get3A_1745[%gather3A_1778] in [0] : vector<16xf32>, vector<16xi32> -> vector<16xf32>
      %mul3A_1780 = arith.constant 144 : i32
      %mul3A_1781 = arith.muli %add3A_1740, %mul3A_1780 : i32
      %add3A_1782 = arith.constant 32 : i32
      %add3A_1783 = arith.addi %mul3A_1781, %add3A_1782 : i32
      %swap3A_1784 = arith.index_cast %add3A_1783 : i32 to index
      %swap3A_1785 = tpu.vector_load %arg9[%swap3A_1784] {strides = array<i32>} : memref<73728xf32, #tpu.memory_space<vmem>>, vector<16xf32>,
      %swap3A_1786 = vector.shape_cast %swap3A_1785 : vector<16xf32> to vector<16xf32>
      %swap3A_1787 = vector.shape_cast %gather3A_1779 : vector<16xf32> to vector<16xf32>
      tpu.vector_store %arg9[%swap3A_1784], %swap3A_1787 {strides = array<i32>} : memref<73728xf32, #tpu.memory_space<vmem>>, vector<16xf32>,
      %mul3A_1788 = arith.muli %gather3A_1748, %sub3A_91 : vector<16xi32>
      %add3A_1789 = arith.addi %get3A_23, %mul3A_1788 : vector<16xi32>
      %broadcast_in_dim3A_1790 = vector.shape_cast %add3A_1789 : vector<16xi32> to vector<16x1xi32>
      %gather3A_1791 = vector.shape_cast %broadcast_in_dim3A_1790 : vector<16x1xi32> to vector<16xi32>
      %gather3A_1792 = tpu.dynamic_gather %get3A_1745[%gather3A_1791] in [0] : vector<16xf32>, vector<16xi32> -> vector<16xf32>
      %mul3A_1793 = arith.constant 144 : i32
      %mul3A_1794 = arith.muli %add3A_1740, %mul3A_1793 : i32
      %add3A_1795 = arith.constant 48 : i32
      %add3A_1796 = arith.addi %mul3A_1794, %add3A_1795 : i32
      %swap3A_1797 = arith.index_cast %add3A_1796 : i32 to index
      %swap3A_1798 = tpu.vector_load %arg9[%swap3A_1797] {strides = array<i32>} : memref<73728xf32, #tpu.memory_space<vmem>>, vector<16xf32>,
      %swap3A_1799 = vector.shape_cast %swap3A_1798 : vector<16xf32> to vector<16xf32>
      %swap3A_1800 = vector.shape_cast %gather3A_1792 : vector<16xf32> to vector<16xf32>
      tpu.vector_store %arg9[%swap3A_1797], %swap3A_1800 {strides = array<i32>} : memref<73728xf32, #tpu.memory_space<vmem>>, vector<16xf32>,
      %mul3A_1801 = arith.muli %gather3A_1748, %sub3A_102 : vector<16xi32>
      %add3A_1802 = arith.addi %get3A_28, %mul3A_1801 : vector<16xi32>
      %broadcast_in_dim3A_1803 = vector.shape_cast %add3A_1802 : vector<16xi32> to vector<16x1xi32>
      %gather3A_1804 = vector.shape_cast %broadcast_in_dim3A_1803 : vector<16x1xi32> to vector<16xi32>
      %gather3A_1805 = tpu.dynamic_gather %get3A_1745[%gather3A_1804] in [0] : vector<16xf32>, vector<16xi32> -> vector<16xf32>
      %mul3A_1806 = arith.constant 144 : i32
      %mul3A_1807 = arith.muli %add3A_1740, %mul3A_1806 : i32
      %add3A_1808 = arith.constant 64 : i32
      %add3A_1809 = arith.addi %mul3A_1807, %add3A_1808 : i32
      %swap3A_1810 = arith.index_cast %add3A_1809 : i32 to index
      %swap3A_1811 = tpu.vector_load %arg9[%swap3A_1810] {strides = array<i32>} : memref<73728xf32, #tpu.memory_space<vmem>>, vector<16xf32>,
      %swap3A_1812 = vector.shape_cast %swap3A_1811 : vector<16xf32> to vector<16xf32>
      %swap3A_1813 = vector.shape_cast %gather3A_1805 : vector<16xf32> to vector<16xf32>
      tpu.vector_store %arg9[%swap3A_1810], %swap3A_1813 {strides = array<i32>} : memref<73728xf32, #tpu.memory_space<vmem>>, vector<16xf32>,
      %mul3A_1814 = arith.muli %gather3A_1748, %sub3A_113 : vector<16xi32>
      %add3A_1815 = arith.addi %get3A_33, %mul3A_1814 : vector<16xi32>
      %broadcast_in_dim3A_1816 = vector.shape_cast %add3A_1815 : vector<16xi32> to vector<16x1xi32>
      %gather3A_1817 = vector.shape_cast %broadcast_in_dim3A_1816 : vector<16x1xi32> to vector<16xi32>
      %gather3A_1818 = tpu.dynamic_gather %get3A_1745[%gather3A_1817] in [0] : vector<16xf32>, vector<16xi32> -> vector<16xf32>
      %mul3A_1819 = arith.constant 144 : i32
      %mul3A_1820 = arith.muli %add3A_1740, %mul3A_1819 : i32
      %add3A_1821 = arith.constant 80 : i32
      %add3A_1822 = arith.addi %mul3A_1820, %add3A_1821 : i32
      %swap3A_1823 = arith.index_cast %add3A_1822 : i32 to index
      %swap3A_1824 = tpu.vector_load %arg9[%swap3A_1823] {strides = array<i32>} : memref<73728xf32, #tpu.memory_space<vmem>>, vector<16xf32>,
      %swap3A_1825 = vector.shape_cast %swap3A_1824 : vector<16xf32> to vector<16xf32>
      %swap3A_1826 = vector.shape_cast %gather3A_1818 : vector<16xf32> to vector<16xf32>
      tpu.vector_store %arg9[%swap3A_1823], %swap3A_1826 {strides = array<i32>} : memref<73728xf32, #tpu.memory_space<vmem>>, vector<16xf32>,
      %mul3A_1827 = arith.muli %gather3A_1748, %sub3A_124 : vector<16xi32>
      %add3A_1828 = arith.addi %get3A_38, %mul3A_1827 : vector<16xi32>
      %broadcast_in_dim3A_1829 = vector.shape_cast %add3A_1828 : vector<16xi32> to vector<16x1xi32>
      %gather3A_1830 = vector.shape_cast %broadcast_in_dim3A_1829 : vector<16x1xi32> to vector<16xi32>
      %gather3A_1831 = tpu.dynamic_gather %get3A_1745[%gather3A_1830] in [0] : vector<16xf32>, vector<16xi32> -> vector<16xf32>
      %mul3A_1832 = arith.constant 144 : i32
      %mul3A_1833 = arith.muli %add3A_1740, %mul3A_1832 : i32
      %add3A_1834 = arith.constant 96 : i32
      %add3A_1835 = arith.addi %mul3A_1833, %add3A_1834 : i32
      %swap3A_1836 = arith.index_cast %add3A_1835 : i32 to index
      %swap3A_1837 = tpu.vector_load %arg9[%swap3A_1836] {strides = array<i32>} : memref<73728xf32, #tpu.memory_space<vmem>>, vector<16xf32>,
      %swap3A_1838 = vector.shape_cast %swap3A_1837 : vector<16xf32> to vector<16xf32>
      %swap3A_1839 = vector.shape_cast %gather3A_1831 : vector<16xf32> to vector<16xf32>
      tpu.vector_store %arg9[%swap3A_1836], %swap3A_1839 {strides = array<i32>} : memref<73728xf32, #tpu.memory_space<vmem>>, vector<16xf32>,
      %mul3A_1840 = arith.muli %gather3A_1748, %sub3A_135 : vector<16xi32>
      %add3A_1841 = arith.addi %get3A_43, %mul3A_1840 : vector<16xi32>
      %broadcast_in_dim3A_1842 = vector.shape_cast %add3A_1841 : vector<16xi32> to vector<16x1xi32>
      %gather3A_1843 = vector.shape_cast %broadcast_in_dim3A_1842 : vector<16x1xi32> to vector<16xi32>
      %gather3A_1844 = tpu.dynamic_gather %get3A_1745[%gather3A_1843] in [0] : vector<16xf32>, vector<16xi32> -> vector<16xf32>
      %mul3A_1845 = arith.constant 144 : i32
      %mul3A_1846 = arith.muli %add3A_1740, %mul3A_1845 : i32
      %add3A_1847 = arith.constant 112 : i32
      %add3A_1848 = arith.addi %mul3A_1846, %add3A_1847 : i32
      %swap3A_1849 = arith.index_cast %add3A_1848 : i32 to index
      %swap3A_1850 = tpu.vector_load %arg9[%swap3A_1849] {strides = array<i32>} : memref<73728xf32, #tpu.memory_space<vmem>>, vector<16xf32>,
      %swap3A_1851 = vector.shape_cast %swap3A_1850 : vector<16xf32> to vector<16xf32>
      %swap3A_1852 = vector.shape_cast %gather3A_1844 : vector<16xf32> to vector<16xf32>
      tpu.vector_store %arg9[%swap3A_1849], %swap3A_1852 {strides = array<i32>} : memref<73728xf32, #tpu.memory_space<vmem>>, vector<16xf32>,
      %mul3A_1853 = arith.muli %gather3A_1748, %sub3A_146 : vector<16xi32>
      %add3A_1854 = arith.addi %get3A_48, %mul3A_1853 : vector<16xi32>
      %broadcast_in_dim3A_1855 = vector.shape_cast %add3A_1854 : vector<16xi32> to vector<16x1xi32>
      %gather3A_1856 = vector.shape_cast %broadcast_in_dim3A_1855 : vector<16x1xi32> to vector<16xi32>
      %gather3A_1857 = tpu.dynamic_gather %get3A_1745[%gather3A_1856] in [0] : vector<16xf32>, vector<16xi32> -> vector<16xf32>
      %mul3A_1858 = arith.constant 144 : i32
      %mul3A_1859 = arith.muli %add3A_1740, %mul3A_1858 : i32
      %add3A_1860 = arith.constant 128 : i32
      %add3A_1861 = arith.addi %mul3A_1859, %add3A_1860 : i32
      %swap3A_1862 = arith.index_cast %add3A_1861 : i32 to index
      %swap3A_1863 = tpu.vector_load %arg9[%swap3A_1862] {strides = array<i32>} : memref<73728xf32, #tpu.memory_space<vmem>>, vector<16xf32>,
      %swap3A_1864 = vector.shape_cast %swap3A_1863 : vector<16xf32> to vector<16xf32>
      %swap3A_1865 = vector.shape_cast %gather3A_1857 : vector<16xf32> to vector<16xf32>
      tpu.vector_store %arg9[%swap3A_1862], %swap3A_1865 {strides = array<i32>} : memref<73728xf32, #tpu.memory_space<vmem>>, vector<16xf32>,
      %mul3A_1866 = arith.constant 16 : i32
      %mul3A_1867 = arith.muli %scan3A_185, %mul3A_1866 : i32
      %add3A_1868 = arith.constant 13 : i32
      %add3A_1869 = arith.addi %mul3A_1867, %add3A_1868 : i32
      %mul3A_1870 = arith.constant 16 : i32
      %mul3A_1871 = arith.muli %add3A_1869, %mul3A_1870 : i32
      %get3A_1872 = arith.index_cast %mul3A_1871 : i32 to index
      %get3A_1873 = tpu.vector_load %arg7[%get3A_1872] {strides = array<i32>} : memref<8192xf32, #tpu.memory_space<vmem>>, vector<16xf32>,
      %get3A_1874 = vector.shape_cast %get3A_1873 : vector<16xf32> to vector<16xf32>
      %broadcast_in_dim3A_1875 = vector.shape_cast %broadcast_in_dim3A_173 : vector<16xi32> to vector<16x1xi32>
      %gather3A_1876 = vector.shape_cast %broadcast_in_dim3A_1875 : vector<16x1xi32> to vector<16xi32>
      %gather3A_1877 = tpu.dynamic_gather %get3A_190[%gather3A_1876] in [0] : vector<16xi32>, vector<16xi32> -> vector<16xi32>
      %mul3A_1878 = arith.muli %gather3A_1877, %sub3A : vector<16xi32>
      %add3A_1879 = arith.addi %get3A_8, %mul3A_1878 : vector<16xi32>
      %broadcast_in_dim3A_1880 = vector.shape_cast %add3A_1879 : vector<16xi32> to vector<16x1xi32>
      %gather3A_1881 = vector.shape_cast %broadcast_in_dim3A_1880 : vector<16x1xi32> to vector<16xi32>
      %gather3A_1882 = tpu.dynamic_gather %get3A_1874[%gather3A_1881] in [0] : vector<16xf32>, vector<16xi32> -> vector<16xf32>
      %mul3A_1883 = arith.constant 144 : i32
      %mul3A_1884 = arith.muli %add3A_1869, %mul3A_1883 : i32
      %add3A_1885 = arith.constant 0 : i32
      %add3A_1886 = arith.addi %mul3A_1884, %add3A_1885 : i32
      %swap3A_1887 = arith.index_cast %add3A_1886 : i32 to index
      %swap3A_1888 = tpu.vector_load %arg9[%swap3A_1887] {strides = array<i32>} : memref<73728xf32, #tpu.memory_space<vmem>>, vector<16xf32>,
      %swap3A_1889 = vector.shape_cast %swap3A_1888 : vector<16xf32> to vector<16xf32>
      %swap3A_1890 = vector.shape_cast %gather3A_1882 : vector<16xf32> to vector<16xf32>
      tpu.vector_store %arg9[%swap3A_1887], %swap3A_1890 {strides = array<i32>} : memref<73728xf32, #tpu.memory_space<vmem>>, vector<16xf32>,
      %mul3A_1891 = arith.muli %gather3A_1877, %sub3A_69 : vector<16xi32>
      %add3A_1892 = arith.addi %get3A_13, %mul3A_1891 : vector<16xi32>
      %broadcast_in_dim3A_1893 = vector.shape_cast %add3A_1892 : vector<16xi32> to vector<16x1xi32>
      %gather3A_1894 = vector.shape_cast %broadcast_in_dim3A_1893 : vector<16x1xi32> to vector<16xi32>
      %gather3A_1895 = tpu.dynamic_gather %get3A_1874[%gather3A_1894] in [0] : vector<16xf32>, vector<16xi32> -> vector<16xf32>
      %mul3A_1896 = arith.constant 144 : i32
      %mul3A_1897 = arith.muli %add3A_1869, %mul3A_1896 : i32
      %add3A_1898 = arith.constant 16 : i32
      %add3A_1899 = arith.addi %mul3A_1897, %add3A_1898 : i32
      %swap3A_1900 = arith.index_cast %add3A_1899 : i32 to index
      %swap3A_1901 = tpu.vector_load %arg9[%swap3A_1900] {strides = array<i32>} : memref<73728xf32, #tpu.memory_space<vmem>>, vector<16xf32>,
      %swap3A_1902 = vector.shape_cast %swap3A_1901 : vector<16xf32> to vector<16xf32>
      %swap3A_1903 = vector.shape_cast %gather3A_1895 : vector<16xf32> to vector<16xf32>
      tpu.vector_store %arg9[%swap3A_1900], %swap3A_1903 {strides = array<i32>} : memref<73728xf32, #tpu.memory_space<vmem>>, vector<16xf32>,
      %mul3A_1904 = arith.muli %gather3A_1877, %sub3A_80 : vector<16xi32>
      %add3A_1905 = arith.addi %get3A_18, %mul3A_1904 : vector<16xi32>
      %broadcast_in_dim3A_1906 = vector.shape_cast %add3A_1905 : vector<16xi32> to vector<16x1xi32>
      %gather3A_1907 = vector.shape_cast %broadcast_in_dim3A_1906 : vector<16x1xi32> to vector<16xi32>
      %gather3A_1908 = tpu.dynamic_gather %get3A_1874[%gather3A_1907] in [0] : vector<16xf32>, vector<16xi32> -> vector<16xf32>
      %mul3A_1909 = arith.constant 144 : i32
      %mul3A_1910 = arith.muli %add3A_1869, %mul3A_1909 : i32
      %add3A_1911 = arith.constant 32 : i32
      %add3A_1912 = arith.addi %mul3A_1910, %add3A_1911 : i32
      %swap3A_1913 = arith.index_cast %add3A_1912 : i32 to index
      %swap3A_1914 = tpu.vector_load %arg9[%swap3A_1913] {strides = array<i32>} : memref<73728xf32, #tpu.memory_space<vmem>>, vector<16xf32>,
      %swap3A_1915 = vector.shape_cast %swap3A_1914 : vector<16xf32> to vector<16xf32>
      %swap3A_1916 = vector.shape_cast %gather3A_1908 : vector<16xf32> to vector<16xf32>
      tpu.vector_store %arg9[%swap3A_1913], %swap3A_1916 {strides = array<i32>} : memref<73728xf32, #tpu.memory_space<vmem>>, vector<16xf32>,
      %mul3A_1917 = arith.muli %gather3A_1877, %sub3A_91 : vector<16xi32>
      %add3A_1918 = arith.addi %get3A_23, %mul3A_1917 : vector<16xi32>
      %broadcast_in_dim3A_1919 = vector.shape_cast %add3A_1918 : vector<16xi32> to vector<16x1xi32>
      %gather3A_1920 = vector.shape_cast %broadcast_in_dim3A_1919 : vector<16x1xi32> to vector<16xi32>
      %gather3A_1921 = tpu.dynamic_gather %get3A_1874[%gather3A_1920] in [0] : vector<16xf32>, vector<16xi32> -> vector<16xf32>
      %mul3A_1922 = arith.constant 144 : i32
      %mul3A_1923 = arith.muli %add3A_1869, %mul3A_1922 : i32
      %add3A_1924 = arith.constant 48 : i32
      %add3A_1925 = arith.addi %mul3A_1923, %add3A_1924 : i32
      %swap3A_1926 = arith.index_cast %add3A_1925 : i32 to index
      %swap3A_1927 = tpu.vector_load %arg9[%swap3A_1926] {strides = array<i32>} : memref<73728xf32, #tpu.memory_space<vmem>>, vector<16xf32>,
      %swap3A_1928 = vector.shape_cast %swap3A_1927 : vector<16xf32> to vector<16xf32>
      %swap3A_1929 = vector.shape_cast %gather3A_1921 : vector<16xf32> to vector<16xf32>
      tpu.vector_store %arg9[%swap3A_1926], %swap3A_1929 {strides = array<i32>} : memref<73728xf32, #tpu.memory_space<vmem>>, vector<16xf32>,
      %mul3A_1930 = arith.muli %gather3A_1877, %sub3A_102 : vector<16xi32>
      %add3A_1931 = arith.addi %get3A_28, %mul3A_1930 : vector<16xi32>
      %broadcast_in_dim3A_1932 = vector.shape_cast %add3A_1931 : vector<16xi32> to vector<16x1xi32>
      %gather3A_1933 = vector.shape_cast %broadcast_in_dim3A_1932 : vector<16x1xi32> to vector<16xi32>
      %gather3A_1934 = tpu.dynamic_gather %get3A_1874[%gather3A_1933] in [0] : vector<16xf32>, vector<16xi32> -> vector<16xf32>
      %mul3A_1935 = arith.constant 144 : i32
      %mul3A_1936 = arith.muli %add3A_1869, %mul3A_1935 : i32
      %add3A_1937 = arith.constant 64 : i32
      %add3A_1938 = arith.addi %mul3A_1936, %add3A_1937 : i32
      %swap3A_1939 = arith.index_cast %add3A_1938 : i32 to index
      %swap3A_1940 = tpu.vector_load %arg9[%swap3A_1939] {strides = array<i32>} : memref<73728xf32, #tpu.memory_space<vmem>>, vector<16xf32>,
      %swap3A_1941 = vector.shape_cast %swap3A_1940 : vector<16xf32> to vector<16xf32>
      %swap3A_1942 = vector.shape_cast %gather3A_1934 : vector<16xf32> to vector<16xf32>
      tpu.vector_store %arg9[%swap3A_1939], %swap3A_1942 {strides = array<i32>} : memref<73728xf32, #tpu.memory_space<vmem>>, vector<16xf32>,
      %mul3A_1943 = arith.muli %gather3A_1877, %sub3A_113 : vector<16xi32>
      %add3A_1944 = arith.addi %get3A_33, %mul3A_1943 : vector<16xi32>
      %broadcast_in_dim3A_1945 = vector.shape_cast %add3A_1944 : vector<16xi32> to vector<16x1xi32>
      %gather3A_1946 = vector.shape_cast %broadcast_in_dim3A_1945 : vector<16x1xi32> to vector<16xi32>
      %gather3A_1947 = tpu.dynamic_gather %get3A_1874[%gather3A_1946] in [0] : vector<16xf32>, vector<16xi32> -> vector<16xf32>
      %mul3A_1948 = arith.constant 144 : i32
      %mul3A_1949 = arith.muli %add3A_1869, %mul3A_1948 : i32
      %add3A_1950 = arith.constant 80 : i32
      %add3A_1951 = arith.addi %mul3A_1949, %add3A_1950 : i32
      %swap3A_1952 = arith.index_cast %add3A_1951 : i32 to index
      %swap3A_1953 = tpu.vector_load %arg9[%swap3A_1952] {strides = array<i32>} : memref<73728xf32, #tpu.memory_space<vmem>>, vector<16xf32>,
      %swap3A_1954 = vector.shape_cast %swap3A_1953 : vector<16xf32> to vector<16xf32>
      %swap3A_1955 = vector.shape_cast %gather3A_1947 : vector<16xf32> to vector<16xf32>
      tpu.vector_store %arg9[%swap3A_1952], %swap3A_1955 {strides = array<i32>} : memref<73728xf32, #tpu.memory_space<vmem>>, vector<16xf32>,
      %mul3A_1956 = arith.muli %gather3A_1877, %sub3A_124 : vector<16xi32>
      %add3A_1957 = arith.addi %get3A_38, %mul3A_1956 : vector<16xi32>
      %broadcast_in_dim3A_1958 = vector.shape_cast %add3A_1957 : vector<16xi32> to vector<16x1xi32>
      %gather3A_1959 = vector.shape_cast %broadcast_in_dim3A_1958 : vector<16x1xi32> to vector<16xi32>
      %gather3A_1960 = tpu.dynamic_gather %get3A_1874[%gather3A_1959] in [0] : vector<16xf32>, vector<16xi32> -> vector<16xf32>
      %mul3A_1961 = arith.constant 144 : i32
      %mul3A_1962 = arith.muli %add3A_1869, %mul3A_1961 : i32
      %add3A_1963 = arith.constant 96 : i32
      %add3A_1964 = arith.addi %mul3A_1962, %add3A_1963 : i32
      %swap3A_1965 = arith.index_cast %add3A_1964 : i32 to index
      %swap3A_1966 = tpu.vector_load %arg9[%swap3A_1965] {strides = array<i32>} : memref<73728xf32, #tpu.memory_space<vmem>>, vector<16xf32>,
      %swap3A_1967 = vector.shape_cast %swap3A_1966 : vector<16xf32> to vector<16xf32>
      %swap3A_1968 = vector.shape_cast %gather3A_1960 : vector<16xf32> to vector<16xf32>
      tpu.vector_store %arg9[%swap3A_1965], %swap3A_1968 {strides = array<i32>} : memref<73728xf32, #tpu.memory_space<vmem>>, vector<16xf32>,
      %mul3A_1969 = arith.muli %gather3A_1877, %sub3A_135 : vector<16xi32>
      %add3A_1970 = arith.addi %get3A_43, %mul3A_1969 : vector<16xi32>
      %broadcast_in_dim3A_1971 = vector.shape_cast %add3A_1970 : vector<16xi32> to vector<16x1xi32>
      %gather3A_1972 = vector.shape_cast %broadcast_in_dim3A_1971 : vector<16x1xi32> to vector<16xi32>
      %gather3A_1973 = tpu.dynamic_gather %get3A_1874[%gather3A_1972] in [0] : vector<16xf32>, vector<16xi32> -> vector<16xf32>
      %mul3A_1974 = arith.constant 144 : i32
      %mul3A_1975 = arith.muli %add3A_1869, %mul3A_1974 : i32
      %add3A_1976 = arith.constant 112 : i32
      %add3A_1977 = arith.addi %mul3A_1975, %add3A_1976 : i32
      %swap3A_1978 = arith.index_cast %add3A_1977 : i32 to index
      %swap3A_1979 = tpu.vector_load %arg9[%swap3A_1978] {strides = array<i32>} : memref<73728xf32, #tpu.memory_space<vmem>>, vector<16xf32>,
      %swap3A_1980 = vector.shape_cast %swap3A_1979 : vector<16xf32> to vector<16xf32>
      %swap3A_1981 = vector.shape_cast %gather3A_1973 : vector<16xf32> to vector<16xf32>
      tpu.vector_store %arg9[%swap3A_1978], %swap3A_1981 {strides = array<i32>} : memref<73728xf32, #tpu.memory_space<vmem>>, vector<16xf32>,
      %mul3A_1982 = arith.muli %gather3A_1877, %sub3A_146 : vector<16xi32>
      %add3A_1983 = arith.addi %get3A_48, %mul3A_1982 : vector<16xi32>
      %broadcast_in_dim3A_1984 = vector.shape_cast %add3A_1983 : vector<16xi32> to vector<16x1xi32>
      %gather3A_1985 = vector.shape_cast %broadcast_in_dim3A_1984 : vector<16x1xi32> to vector<16xi32>
      %gather3A_1986 = tpu.dynamic_gather %get3A_1874[%gather3A_1985] in [0] : vector<16xf32>, vector<16xi32> -> vector<16xf32>
      %mul3A_1987 = arith.constant 144 : i32
      %mul3A_1988 = arith.muli %add3A_1869, %mul3A_1987 : i32
      %add3A_1989 = arith.constant 128 : i32
      %add3A_1990 = arith.addi %mul3A_1988, %add3A_1989 : i32
      %swap3A_1991 = arith.index_cast %add3A_1990 : i32 to index
      %swap3A_1992 = tpu.vector_load %arg9[%swap3A_1991] {strides = array<i32>} : memref<73728xf32, #tpu.memory_space<vmem>>, vector<16xf32>,
      %swap3A_1993 = vector.shape_cast %swap3A_1992 : vector<16xf32> to vector<16xf32>
      %swap3A_1994 = vector.shape_cast %gather3A_1986 : vector<16xf32> to vector<16xf32>
      tpu.vector_store %arg9[%swap3A_1991], %swap3A_1994 {strides = array<i32>} : memref<73728xf32, #tpu.memory_space<vmem>>, vector<16xf32>,
      %mul3A_1995 = arith.constant 16 : i32
      %mul3A_1996 = arith.muli %scan3A_185, %mul3A_1995 : i32
      %add3A_1997 = arith.constant 14 : i32
      %add3A_1998 = arith.addi %mul3A_1996, %add3A_1997 : i32
      %mul3A_1999 = arith.constant 16 : i32
      %mul3A_2000 = arith.muli %add3A_1998, %mul3A_1999 : i32
      %get3A_2001 = arith.index_cast %mul3A_2000 : i32 to index
      %get3A_2002 = tpu.vector_load %arg7[%get3A_2001] {strides = array<i32>} : memref<8192xf32, #tpu.memory_space<vmem>>, vector<16xf32>,
      %get3A_2003 = vector.shape_cast %get3A_2002 : vector<16xf32> to vector<16xf32>
      %broadcast_in_dim3A_2004 = vector.shape_cast %broadcast_in_dim3A_175 : vector<16xi32> to vector<16x1xi32>
      %gather3A_2005 = vector.shape_cast %broadcast_in_dim3A_2004 : vector<16x1xi32> to vector<16xi32>
      %gather3A_2006 = tpu.dynamic_gather %get3A_190[%gather3A_2005] in [0] : vector<16xi32>, vector<16xi32> -> vector<16xi32>
      %mul3A_2007 = arith.muli %gather3A_2006, %sub3A : vector<16xi32>
      %add3A_2008 = arith.addi %get3A_8, %mul3A_2007 : vector<16xi32>
      %broadcast_in_dim3A_2009 = vector.shape_cast %add3A_2008 : vector<16xi32> to vector<16x1xi32>
      %gather3A_2010 = vector.shape_cast %broadcast_in_dim3A_2009 : vector<16x1xi32> to vector<16xi32>
      %gather3A_2011 = tpu.dynamic_gather %get3A_2003[%gather3A_2010] in [0] : vector<16xf32>, vector<16xi32> -> vector<16xf32>
      %mul3A_2012 = arith.constant 144 : i32
      %mul3A_2013 = arith.muli %add3A_1998, %mul3A_2012 : i32
      %add3A_2014 = arith.constant 0 : i32
      %add3A_2015 = arith.addi %mul3A_2013, %add3A_2014 : i32
      %swap3A_2016 = arith.index_cast %add3A_2015 : i32 to index
      %swap3A_2017 = tpu.vector_load %arg9[%swap3A_2016] {strides = array<i32>} : memref<73728xf32, #tpu.memory_space<vmem>>, vector<16xf32>,
      %swap3A_2018 = vector.shape_cast %swap3A_2017 : vector<16xf32> to vector<16xf32>
      %swap3A_2019 = vector.shape_cast %gather3A_2011 : vector<16xf32> to vector<16xf32>
      tpu.vector_store %arg9[%swap3A_2016], %swap3A_2019 {strides = array<i32>} : memref<73728xf32, #tpu.memory_space<vmem>>, vector<16xf32>,
      %mul3A_2020 = arith.muli %gather3A_2006, %sub3A_69 : vector<16xi32>
      %add3A_2021 = arith.addi %get3A_13, %mul3A_2020 : vector<16xi32>
      %broadcast_in_dim3A_2022 = vector.shape_cast %add3A_2021 : vector<16xi32> to vector<16x1xi32>
      %gather3A_2023 = vector.shape_cast %broadcast_in_dim3A_2022 : vector<16x1xi32> to vector<16xi32>
      %gather3A_2024 = tpu.dynamic_gather %get3A_2003[%gather3A_2023] in [0] : vector<16xf32>, vector<16xi32> -> vector<16xf32>
      %mul3A_2025 = arith.constant 144 : i32
      %mul3A_2026 = arith.muli %add3A_1998, %mul3A_2025 : i32
      %add3A_2027 = arith.constant 16 : i32
      %add3A_2028 = arith.addi %mul3A_2026, %add3A_2027 : i32
      %swap3A_2029 = arith.index_cast %add3A_2028 : i32 to index
      %swap3A_2030 = tpu.vector_load %arg9[%swap3A_2029] {strides = array<i32>} : memref<73728xf32, #tpu.memory_space<vmem>>, vector<16xf32>,
      %swap3A_2031 = vector.shape_cast %swap3A_2030 : vector<16xf32> to vector<16xf32>
      %swap3A_2032 = vector.shape_cast %gather3A_2024 : vector<16xf32> to vector<16xf32>
      tpu.vector_store %arg9[%swap3A_2029], %swap3A_2032 {strides = array<i32>} : memref<73728xf32, #tpu.memory_space<vmem>>, vector<16xf32>,
      %mul3A_2033 = arith.muli %gather3A_2006, %sub3A_80 : vector<16xi32>
      %add3A_2034 = arith.addi %get3A_18, %mul3A_2033 : vector<16xi32>
      %broadcast_in_dim3A_2035 = vector.shape_cast %add3A_2034 : vector<16xi32> to vector<16x1xi32>
      %gather3A_2036 = vector.shape_cast %broadcast_in_dim3A_2035 : vector<16x1xi32> to vector<16xi32>
      %gather3A_2037 = tpu.dynamic_gather %get3A_2003[%gather3A_2036] in [0] : vector<16xf32>, vector<16xi32> -> vector<16xf32>
      %mul3A_2038 = arith.constant 144 : i32
      %mul3A_2039 = arith.muli %add3A_1998, %mul3A_2038 : i32
      %add3A_2040 = arith.constant 32 : i32
      %add3A_2041 = arith.addi %mul3A_2039, %add3A_2040 : i32
      %swap3A_2042 = arith.index_cast %add3A_2041 : i32 to index
      %swap3A_2043 = tpu.vector_load %arg9[%swap3A_2042] {strides = array<i32>} : memref<73728xf32, #tpu.memory_space<vmem>>, vector<16xf32>,
      %swap3A_2044 = vector.shape_cast %swap3A_2043 : vector<16xf32> to vector<16xf32>
      %swap3A_2045 = vector.shape_cast %gather3A_2037 : vector<16xf32> to vector<16xf32>
      tpu.vector_store %arg9[%swap3A_2042], %swap3A_2045 {strides = array<i32>} : memref<73728xf32, #tpu.memory_space<vmem>>, vector<16xf32>,
      %mul3A_2046 = arith.muli %gather3A_2006, %sub3A_91 : vector<16xi32>
      %add3A_2047 = arith.addi %get3A_23, %mul3A_2046 : vector<16xi32>
      %broadcast_in_dim3A_2048 = vector.shape_cast %add3A_2047 : vector<16xi32> to vector<16x1xi32>
      %gather3A_2049 = vector.shape_cast %broadcast_in_dim3A_2048 : vector<16x1xi32> to vector<16xi32>
      %gather3A_2050 = tpu.dynamic_gather %get3A_2003[%gather3A_2049] in [0] : vector<16xf32>, vector<16xi32> -> vector<16xf32>
      %mul3A_2051 = arith.constant 144 : i32
      %mul3A_2052 = arith.muli %add3A_1998, %mul3A_2051 : i32
      %add3A_2053 = arith.constant 48 : i32
      %add3A_2054 = arith.addi %mul3A_2052, %add3A_2053 : i32
      %swap3A_2055 = arith.index_cast %add3A_2054 : i32 to index
      %swap3A_2056 = tpu.vector_load %arg9[%swap3A_2055] {strides = array<i32>} : memref<73728xf32, #tpu.memory_space<vmem>>, vector<16xf32>,
      %swap3A_2057 = vector.shape_cast %swap3A_2056 : vector<16xf32> to vector<16xf32>
      %swap3A_2058 = vector.shape_cast %gather3A_2050 : vector<16xf32> to vector<16xf32>
      tpu.vector_store %arg9[%swap3A_2055], %swap3A_2058 {strides = array<i32>} : memref<73728xf32, #tpu.memory_space<vmem>>, vector<16xf32>,
      %mul3A_2059 = arith.muli %gather3A_2006, %sub3A_102 : vector<16xi32>
      %add3A_2060 = arith.addi %get3A_28, %mul3A_2059 : vector<16xi32>
      %broadcast_in_dim3A_2061 = vector.shape_cast %add3A_2060 : vector<16xi32> to vector<16x1xi32>
      %gather3A_2062 = vector.shape_cast %broadcast_in_dim3A_2061 : vector<16x1xi32> to vector<16xi32>
      %gather3A_2063 = tpu.dynamic_gather %get3A_2003[%gather3A_2062] in [0] : vector<16xf32>, vector<16xi32> -> vector<16xf32>
      %mul3A_2064 = arith.constant 144 : i32
      %mul3A_2065 = arith.muli %add3A_1998, %mul3A_2064 : i32
      %add3A_2066 = arith.constant 64 : i32
      %add3A_2067 = arith.addi %mul3A_2065, %add3A_2066 : i32
      %swap3A_2068 = arith.index_cast %add3A_2067 : i32 to index
      %swap3A_2069 = tpu.vector_load %arg9[%swap3A_2068] {strides = array<i32>} : memref<73728xf32, #tpu.memory_space<vmem>>, vector<16xf32>,
      %swap3A_2070 = vector.shape_cast %swap3A_2069 : vector<16xf32> to vector<16xf32>
      %swap3A_2071 = vector.shape_cast %gather3A_2063 : vector<16xf32> to vector<16xf32>
      tpu.vector_store %arg9[%swap3A_2068], %swap3A_2071 {strides = array<i32>} : memref<73728xf32, #tpu.memory_space<vmem>>, vector<16xf32>,
      %mul3A_2072 = arith.muli %gather3A_2006, %sub3A_113 : vector<16xi32>
      %add3A_2073 = arith.addi %get3A_33, %mul3A_2072 : vector<16xi32>
      %broadcast_in_dim3A_2074 = vector.shape_cast %add3A_2073 : vector<16xi32> to vector<16x1xi32>
      %gather3A_2075 = vector.shape_cast %broadcast_in_dim3A_2074 : vector<16x1xi32> to vector<16xi32>
      %gather3A_2076 = tpu.dynamic_gather %get3A_2003[%gather3A_2075] in [0] : vector<16xf32>, vector<16xi32> -> vector<16xf32>
      %mul3A_2077 = arith.constant 144 : i32
      %mul3A_2078 = arith.muli %add3A_1998, %mul3A_2077 : i32
      %add3A_2079 = arith.constant 80 : i32
      %add3A_2080 = arith.addi %mul3A_2078, %add3A_2079 : i32
      %swap3A_2081 = arith.index_cast %add3A_2080 : i32 to index
      %swap3A_2082 = tpu.vector_load %arg9[%swap3A_2081] {strides = array<i32>} : memref<73728xf32, #tpu.memory_space<vmem>>, vector<16xf32>,
      %swap3A_2083 = vector.shape_cast %swap3A_2082 : vector<16xf32> to vector<16xf32>
      %swap3A_2084 = vector.shape_cast %gather3A_2076 : vector<16xf32> to vector<16xf32>
      tpu.vector_store %arg9[%swap3A_2081], %swap3A_2084 {strides = array<i32>} : memref<73728xf32, #tpu.memory_space<vmem>>, vector<16xf32>,
      %mul3A_2085 = arith.muli %gather3A_2006, %sub3A_124 : vector<16xi32>
      %add3A_2086 = arith.addi %get3A_38, %mul3A_2085 : vector<16xi32>
      %broadcast_in_dim3A_2087 = vector.shape_cast %add3A_2086 : vector<16xi32> to vector<16x1xi32>
      %gather3A_2088 = vector.shape_cast %broadcast_in_dim3A_2087 : vector<16x1xi32> to vector<16xi32>
      %gather3A_2089 = tpu.dynamic_gather %get3A_2003[%gather3A_2088] in [0] : vector<16xf32>, vector<16xi32> -> vector<16xf32>
      %mul3A_2090 = arith.constant 144 : i32
      %mul3A_2091 = arith.muli %add3A_1998, %mul3A_2090 : i32
      %add3A_2092 = arith.constant 96 : i32
      %add3A_2093 = arith.addi %mul3A_2091, %add3A_2092 : i32
      %swap3A_2094 = arith.index_cast %add3A_2093 : i32 to index
      %swap3A_2095 = tpu.vector_load %arg9[%swap3A_2094] {strides = array<i32>} : memref<73728xf32, #tpu.memory_space<vmem>>, vector<16xf32>,
      %swap3A_2096 = vector.shape_cast %swap3A_2095 : vector<16xf32> to vector<16xf32>
      %swap3A_2097 = vector.shape_cast %gather3A_2089 : vector<16xf32> to vector<16xf32>
      tpu.vector_store %arg9[%swap3A_2094], %swap3A_2097 {strides = array<i32>} : memref<73728xf32, #tpu.memory_space<vmem>>, vector<16xf32>,
      %mul3A_2098 = arith.muli %gather3A_2006, %sub3A_135 : vector<16xi32>
      %add3A_2099 = arith.addi %get3A_43, %mul3A_2098 : vector<16xi32>
      %broadcast_in_dim3A_2100 = vector.shape_cast %add3A_2099 : vector<16xi32> to vector<16x1xi32>
      %gather3A_2101 = vector.shape_cast %broadcast_in_dim3A_2100 : vector<16x1xi32> to vector<16xi32>
      %gather3A_2102 = tpu.dynamic_gather %get3A_2003[%gather3A_2101] in [0] : vector<16xf32>, vector<16xi32> -> vector<16xf32>
      %mul3A_2103 = arith.constant 144 : i32
      %mul3A_2104 = arith.muli %add3A_1998, %mul3A_2103 : i32
      %add3A_2105 = arith.constant 112 : i32
      %add3A_2106 = arith.addi %mul3A_2104, %add3A_2105 : i32
      %swap3A_2107 = arith.index_cast %add3A_2106 : i32 to index
      %swap3A_2108 = tpu.vector_load %arg9[%swap3A_2107] {strides = array<i32>} : memref<73728xf32, #tpu.memory_space<vmem>>, vector<16xf32>,
      %swap3A_2109 = vector.shape_cast %swap3A_2108 : vector<16xf32> to vector<16xf32>
      %swap3A_2110 = vector.shape_cast %gather3A_2102 : vector<16xf32> to vector<16xf32>
      tpu.vector_store %arg9[%swap3A_2107], %swap3A_2110 {strides = array<i32>} : memref<73728xf32, #tpu.memory_space<vmem>>, vector<16xf32>,
      %mul3A_2111 = arith.muli %gather3A_2006, %sub3A_146 : vector<16xi32>
      %add3A_2112 = arith.addi %get3A_48, %mul3A_2111 : vector<16xi32>
      %broadcast_in_dim3A_2113 = vector.shape_cast %add3A_2112 : vector<16xi32> to vector<16x1xi32>
      %gather3A_2114 = vector.shape_cast %broadcast_in_dim3A_2113 : vector<16x1xi32> to vector<16xi32>
      %gather3A_2115 = tpu.dynamic_gather %get3A_2003[%gather3A_2114] in [0] : vector<16xf32>, vector<16xi32> -> vector<16xf32>
      %mul3A_2116 = arith.constant 144 : i32
      %mul3A_2117 = arith.muli %add3A_1998, %mul3A_2116 : i32
      %add3A_2118 = arith.constant 128 : i32
      %add3A_2119 = arith.addi %mul3A_2117, %add3A_2118 : i32
      %swap3A_2120 = arith.index_cast %add3A_2119 : i32 to index
      %swap3A_2121 = tpu.vector_load %arg9[%swap3A_2120] {strides = array<i32>} : memref<73728xf32, #tpu.memory_space<vmem>>, vector<16xf32>,
      %swap3A_2122 = vector.shape_cast %swap3A_2121 : vector<16xf32> to vector<16xf32>
      %swap3A_2123 = vector.shape_cast %gather3A_2115 : vector<16xf32> to vector<16xf32>
      tpu.vector_store %arg9[%swap3A_2120], %swap3A_2123 {strides = array<i32>} : memref<73728xf32, #tpu.memory_space<vmem>>, vector<16xf32>,
      %mul3A_2124 = arith.constant 16 : i32
      %mul3A_2125 = arith.muli %scan3A_185, %mul3A_2124 : i32
      %add3A_2126 = arith.constant 15 : i32
      %add3A_2127 = arith.addi %mul3A_2125, %add3A_2126 : i32
      %mul3A_2128 = arith.constant 16 : i32
      %mul3A_2129 = arith.muli %add3A_2127, %mul3A_2128 : i32
      %get3A_2130 = arith.index_cast %mul3A_2129 : i32 to index
      %get3A_2131 = tpu.vector_load %arg7[%get3A_2130] {strides = array<i32>} : memref<8192xf32, #tpu.memory_space<vmem>>, vector<16xf32>,
      %get3A_2132 = vector.shape_cast %get3A_2131 : vector<16xf32> to vector<16xf32>
      %broadcast_in_dim3A_2133 = vector.shape_cast %broadcast_in_dim3A_177 : vector<16xi32> to vector<16x1xi32>
      %gather3A_2134 = vector.shape_cast %broadcast_in_dim3A_2133 : vector<16x1xi32> to vector<16xi32>
      %gather3A_2135 = tpu.dynamic_gather %get3A_190[%gather3A_2134] in [0] : vector<16xi32>, vector<16xi32> -> vector<16xi32>
      %mul3A_2136 = arith.muli %gather3A_2135, %sub3A : vector<16xi32>
      %add3A_2137 = arith.addi %get3A_8, %mul3A_2136 : vector<16xi32>
      %broadcast_in_dim3A_2138 = vector.shape_cast %add3A_2137 : vector<16xi32> to vector<16x1xi32>
      %gather3A_2139 = vector.shape_cast %broadcast_in_dim3A_2138 : vector<16x1xi32> to vector<16xi32>
      %gather3A_2140 = tpu.dynamic_gather %get3A_2132[%gather3A_2139] in [0] : vector<16xf32>, vector<16xi32> -> vector<16xf32>
      %mul3A_2141 = arith.constant 144 : i32
      %mul3A_2142 = arith.muli %add3A_2127, %mul3A_2141 : i32
      %add3A_2143 = arith.constant 0 : i32
      %add3A_2144 = arith.addi %mul3A_2142, %add3A_2143 : i32
      %swap3A_2145 = arith.index_cast %add3A_2144 : i32 to index
      %swap3A_2146 = tpu.vector_load %arg9[%swap3A_2145] {strides = array<i32>} : memref<73728xf32, #tpu.memory_space<vmem>>, vector<16xf32>,
      %swap3A_2147 = vector.shape_cast %swap3A_2146 : vector<16xf32> to vector<16xf32>
      %swap3A_2148 = vector.shape_cast %gather3A_2140 : vector<16xf32> to vector<16xf32>
      tpu.vector_store %arg9[%swap3A_2145], %swap3A_2148 {strides = array<i32>} : memref<73728xf32, #tpu.memory_space<vmem>>, vector<16xf32>,
      %mul3A_2149 = arith.muli %gather3A_2135, %sub3A_69 : vector<16xi32>
      %add3A_2150 = arith.addi %get3A_13, %mul3A_2149 : vector<16xi32>
      %broadcast_in_dim3A_2151 = vector.shape_cast %add3A_2150 : vector<16xi32> to vector<16x1xi32>
      %gather3A_2152 = vector.shape_cast %broadcast_in_dim3A_2151 : vector<16x1xi32> to vector<16xi32>
      %gather3A_2153 = tpu.dynamic_gather %get3A_2132[%gather3A_2152] in [0] : vector<16xf32>, vector<16xi32> -> vector<16xf32>
      %mul3A_2154 = arith.constant 144 : i32
      %mul3A_2155 = arith.muli %add3A_2127, %mul3A_2154 : i32
      %add3A_2156 = arith.constant 16 : i32
      %add3A_2157 = arith.addi %mul3A_2155, %add3A_2156 : i32
      %swap3A_2158 = arith.index_cast %add3A_2157 : i32 to index
      %swap3A_2159 = tpu.vector_load %arg9[%swap3A_2158] {strides = array<i32>} : memref<73728xf32, #tpu.memory_space<vmem>>, vector<16xf32>,
      %swap3A_2160 = vector.shape_cast %swap3A_2159 : vector<16xf32> to vector<16xf32>
      %swap3A_2161 = vector.shape_cast %gather3A_2153 : vector<16xf32> to vector<16xf32>
      tpu.vector_store %arg9[%swap3A_2158], %swap3A_2161 {strides = array<i32>} : memref<73728xf32, #tpu.memory_space<vmem>>, vector<16xf32>,
      %mul3A_2162 = arith.muli %gather3A_2135, %sub3A_80 : vector<16xi32>
      %add3A_2163 = arith.addi %get3A_18, %mul3A_2162 : vector<16xi32>
      %broadcast_in_dim3A_2164 = vector.shape_cast %add3A_2163 : vector<16xi32> to vector<16x1xi32>
      %gather3A_2165 = vector.shape_cast %broadcast_in_dim3A_2164 : vector<16x1xi32> to vector<16xi32>
      %gather3A_2166 = tpu.dynamic_gather %get3A_2132[%gather3A_2165] in [0] : vector<16xf32>, vector<16xi32> -> vector<16xf32>
      %mul3A_2167 = arith.constant 144 : i32
      %mul3A_2168 = arith.muli %add3A_2127, %mul3A_2167 : i32
      %add3A_2169 = arith.constant 32 : i32
      %add3A_2170 = arith.addi %mul3A_2168, %add3A_2169 : i32
      %swap3A_2171 = arith.index_cast %add3A_2170 : i32 to index
      %swap3A_2172 = tpu.vector_load %arg9[%swap3A_2171] {strides = array<i32>} : memref<73728xf32, #tpu.memory_space<vmem>>, vector<16xf32>,
      %swap3A_2173 = vector.shape_cast %swap3A_2172 : vector<16xf32> to vector<16xf32>
      %swap3A_2174 = vector.shape_cast %gather3A_2166 : vector<16xf32> to vector<16xf32>
      tpu.vector_store %arg9[%swap3A_2171], %swap3A_2174 {strides = array<i32>} : memref<73728xf32, #tpu.memory_space<vmem>>, vector<16xf32>,
      %mul3A_2175 = arith.muli %gather3A_2135, %sub3A_91 : vector<16xi32>
      %add3A_2176 = arith.addi %get3A_23, %mul3A_2175 : vector<16xi32>
      %broadcast_in_dim3A_2177 = vector.shape_cast %add3A_2176 : vector<16xi32> to vector<16x1xi32>
      %gather3A_2178 = vector.shape_cast %broadcast_in_dim3A_2177 : vector<16x1xi32> to vector<16xi32>
      %gather3A_2179 = tpu.dynamic_gather %get3A_2132[%gather3A_2178] in [0] : vector<16xf32>, vector<16xi32> -> vector<16xf32>
      %mul3A_2180 = arith.constant 144 : i32
      %mul3A_2181 = arith.muli %add3A_2127, %mul3A_2180 : i32
      %add3A_2182 = arith.constant 48 : i32
      %add3A_2183 = arith.addi %mul3A_2181, %add3A_2182 : i32
      %swap3A_2184 = arith.index_cast %add3A_2183 : i32 to index
      %swap3A_2185 = tpu.vector_load %arg9[%swap3A_2184] {strides = array<i32>} : memref<73728xf32, #tpu.memory_space<vmem>>, vector<16xf32>,
      %swap3A_2186 = vector.shape_cast %swap3A_2185 : vector<16xf32> to vector<16xf32>
      %swap3A_2187 = vector.shape_cast %gather3A_2179 : vector<16xf32> to vector<16xf32>
      tpu.vector_store %arg9[%swap3A_2184], %swap3A_2187 {strides = array<i32>} : memref<73728xf32, #tpu.memory_space<vmem>>, vector<16xf32>,
      %mul3A_2188 = arith.muli %gather3A_2135, %sub3A_102 : vector<16xi32>
      %add3A_2189 = arith.addi %get3A_28, %mul3A_2188 : vector<16xi32>
      %broadcast_in_dim3A_2190 = vector.shape_cast %add3A_2189 : vector<16xi32> to vector<16x1xi32>
      %gather3A_2191 = vector.shape_cast %broadcast_in_dim3A_2190 : vector<16x1xi32> to vector<16xi32>
      %gather3A_2192 = tpu.dynamic_gather %get3A_2132[%gather3A_2191] in [0] : vector<16xf32>, vector<16xi32> -> vector<16xf32>
      %mul3A_2193 = arith.constant 144 : i32
      %mul3A_2194 = arith.muli %add3A_2127, %mul3A_2193 : i32
      %add3A_2195 = arith.constant 64 : i32
      %add3A_2196 = arith.addi %mul3A_2194, %add3A_2195 : i32
      %swap3A_2197 = arith.index_cast %add3A_2196 : i32 to index
      %swap3A_2198 = tpu.vector_load %arg9[%swap3A_2197] {strides = array<i32>} : memref<73728xf32, #tpu.memory_space<vmem>>, vector<16xf32>,
      %swap3A_2199 = vector.shape_cast %swap3A_2198 : vector<16xf32> to vector<16xf32>
      %swap3A_2200 = vector.shape_cast %gather3A_2192 : vector<16xf32> to vector<16xf32>
      tpu.vector_store %arg9[%swap3A_2197], %swap3A_2200 {strides = array<i32>} : memref<73728xf32, #tpu.memory_space<vmem>>, vector<16xf32>,
      %mul3A_2201 = arith.muli %gather3A_2135, %sub3A_113 : vector<16xi32>
      %add3A_2202 = arith.addi %get3A_33, %mul3A_2201 : vector<16xi32>
      %broadcast_in_dim3A_2203 = vector.shape_cast %add3A_2202 : vector<16xi32> to vector<16x1xi32>
      %gather3A_2204 = vector.shape_cast %broadcast_in_dim3A_2203 : vector<16x1xi32> to vector<16xi32>
      %gather3A_2205 = tpu.dynamic_gather %get3A_2132[%gather3A_2204] in [0] : vector<16xf32>, vector<16xi32> -> vector<16xf32>
      %mul3A_2206 = arith.constant 144 : i32
      %mul3A_2207 = arith.muli %add3A_2127, %mul3A_2206 : i32
      %add3A_2208 = arith.constant 80 : i32
      %add3A_2209 = arith.addi %mul3A_2207, %add3A_2208 : i32
      %swap3A_2210 = arith.index_cast %add3A_2209 : i32 to index
      %swap3A_2211 = tpu.vector_load %arg9[%swap3A_2210] {strides = array<i32>} : memref<73728xf32, #tpu.memory_space<vmem>>, vector<16xf32>,
      %swap3A_2212 = vector.shape_cast %swap3A_2211 : vector<16xf32> to vector<16xf32>
      %swap3A_2213 = vector.shape_cast %gather3A_2205 : vector<16xf32> to vector<16xf32>
      tpu.vector_store %arg9[%swap3A_2210], %swap3A_2213 {strides = array<i32>} : memref<73728xf32, #tpu.memory_space<vmem>>, vector<16xf32>,
      %mul3A_2214 = arith.muli %gather3A_2135, %sub3A_124 : vector<16xi32>
      %add3A_2215 = arith.addi %get3A_38, %mul3A_2214 : vector<16xi32>
      %broadcast_in_dim3A_2216 = vector.shape_cast %add3A_2215 : vector<16xi32> to vector<16x1xi32>
      %gather3A_2217 = vector.shape_cast %broadcast_in_dim3A_2216 : vector<16x1xi32> to vector<16xi32>
      %gather3A_2218 = tpu.dynamic_gather %get3A_2132[%gather3A_2217] in [0] : vector<16xf32>, vector<16xi32> -> vector<16xf32>
      %mul3A_2219 = arith.constant 144 : i32
      %mul3A_2220 = arith.muli %add3A_2127, %mul3A_2219 : i32
      %add3A_2221 = arith.constant 96 : i32
      %add3A_2222 = arith.addi %mul3A_2220, %add3A_2221 : i32
      %swap3A_2223 = arith.index_cast %add3A_2222 : i32 to index
      %swap3A_2224 = tpu.vector_load %arg9[%swap3A_2223] {strides = array<i32>} : memref<73728xf32, #tpu.memory_space<vmem>>, vector<16xf32>,
      %swap3A_2225 = vector.shape_cast %swap3A_2224 : vector<16xf32> to vector<16xf32>
      %swap3A_2226 = vector.shape_cast %gather3A_2218 : vector<16xf32> to vector<16xf32>
      tpu.vector_store %arg9[%swap3A_2223], %swap3A_2226 {strides = array<i32>} : memref<73728xf32, #tpu.memory_space<vmem>>, vector<16xf32>,
      %mul3A_2227 = arith.muli %gather3A_2135, %sub3A_135 : vector<16xi32>
      %add3A_2228 = arith.addi %get3A_43, %mul3A_2227 : vector<16xi32>
      %broadcast_in_dim3A_2229 = vector.shape_cast %add3A_2228 : vector<16xi32> to vector<16x1xi32>
      %gather3A_2230 = vector.shape_cast %broadcast_in_dim3A_2229 : vector<16x1xi32> to vector<16xi32>
      %gather3A_2231 = tpu.dynamic_gather %get3A_2132[%gather3A_2230] in [0] : vector<16xf32>, vector<16xi32> -> vector<16xf32>
      %mul3A_2232 = arith.constant 144 : i32
      %mul3A_2233 = arith.muli %add3A_2127, %mul3A_2232 : i32
      %add3A_2234 = arith.constant 112 : i32
      %add3A_2235 = arith.addi %mul3A_2233, %add3A_2234 : i32
      %swap3A_2236 = arith.index_cast %add3A_2235 : i32 to index
      %swap3A_2237 = tpu.vector_load %arg9[%swap3A_2236] {strides = array<i32>} : memref<73728xf32, #tpu.memory_space<vmem>>, vector<16xf32>,
      %swap3A_2238 = vector.shape_cast %swap3A_2237 : vector<16xf32> to vector<16xf32>
      %swap3A_2239 = vector.shape_cast %gather3A_2231 : vector<16xf32> to vector<16xf32>
      tpu.vector_store %arg9[%swap3A_2236], %swap3A_2239 {strides = array<i32>} : memref<73728xf32, #tpu.memory_space<vmem>>, vector<16xf32>,
      %mul3A_2240 = arith.muli %gather3A_2135, %sub3A_146 : vector<16xi32>
      %add3A_2241 = arith.addi %get3A_48, %mul3A_2240 : vector<16xi32>
      %broadcast_in_dim3A_2242 = vector.shape_cast %add3A_2241 : vector<16xi32> to vector<16x1xi32>
      %gather3A_2243 = vector.shape_cast %broadcast_in_dim3A_2242 : vector<16x1xi32> to vector<16xi32>
      %gather3A_2244 = tpu.dynamic_gather %get3A_2132[%gather3A_2243] in [0] : vector<16xf32>, vector<16xi32> -> vector<16xf32>
      %mul3A_2245 = arith.constant 144 : i32
      %mul3A_2246 = arith.muli %add3A_2127, %mul3A_2245 : i32
      %add3A_2247 = arith.constant 128 : i32
      %add3A_2248 = arith.addi %mul3A_2246, %add3A_2247 : i32
      %swap3A_2249 = arith.index_cast %add3A_2248 : i32 to index
      %swap3A_2250 = tpu.vector_load %arg9[%swap3A_2249] {strides = array<i32>} : memref<73728xf32, #tpu.memory_space<vmem>>, vector<16xf32>,
      %swap3A_2251 = vector.shape_cast %swap3A_2250 : vector<16xf32> to vector<16xf32>
      %swap3A_2252 = vector.shape_cast %gather3A_2244 : vector<16xf32> to vector<16xf32>
      tpu.vector_store %arg9[%swap3A_2249], %swap3A_2252 {strides = array<i32>} : memref<73728xf32, #tpu.memory_space<vmem>>, vector<16xf32>,
    }
    %scan3A_182 = arith.constant 32 : i32
    %mul3A_183 = arith.constant 144 : i32
    %mul3A_184 = arith.muli %mul3A_2, %mul3A_183 : i32
    "tpu.region"() ({
      %run_scoped3A = tpu.sem_alloc : memref<!tpu.dma_semaphore, #tpu.memory_space<semaphore_mem>>
      %dma_start3A = tpu.memref_slice %arg6[%mul3A_184] : memref<2359296xf32, #tpu.memory_space<hbm>> -> memref<73728xf32, #tpu.memory_space<hbm>>
      %dma_start3A_185 = tpu.memref_slice %arg6[%mul3A_184] : memref<2359296xf32, #tpu.memory_space<hbm>> -> memref<73728xf32, #tpu.memory_space<hbm>>
      tpu.enqueue_dma source(%arg9 : memref<73728xf32, #tpu.memory_space<vmem>>) target(%dma_start3A_185 : memref<73728xf32, #tpu.memory_space<hbm>>) target_semaphore(%run_scoped3A : memref<!tpu.dma_semaphore, #tpu.memory_space<semaphore_mem>>)
      %dma_wait3A = tpu.memref_slice %arg6[%mul3A_184] : memref<2359296xf32, #tpu.memory_space<hbm>> -> memref<73728xf32, #tpu.memory_space<hbm>>
      %dma_wait3A_186 = tpu.memref_slice %arg6[%mul3A_184] : memref<2359296xf32, #tpu.memory_space<hbm>> -> memref<73728xf32, #tpu.memory_space<hbm>>
      tpu.wait_dma2 semaphore(%run_scoped3A : memref<!tpu.dma_semaphore, #tpu.memory_space<semaphore_mem>>) src(%arg9 : memref<73728xf32, #tpu.memory_space<vmem>>) dst(%dma_wait3A_186 : memref<73728xf32, #tpu.memory_space<hbm>>)
      tpu.yield
    }) : () -> ()
    return
  }
}

module attributes {stable_mosaic.version = 14 : i64} {
  func.func @_ll12_kernel(%arg0: i32, %arg1: memref<4096x64xf32, #tpu.memory_space<vmem>>, %arg2: memref<776x136xf32, #tpu.memory_space<vmem>>, %arg3: memref<4096x16xf32, #tpu.memory_space<vmem>>) attributes {dimension_semantics = [#tpu.dimension_semantics<arbitrary>], iteration_bounds = array<i64: 4>, scalar_prefetch = 0 : i64, scratch_operands = 0 : i64, tpu.core_type = #tpu.core_type<tc>, window_params = [{transform_indices = @transform_0, window_bounds = array<i64: 4096, 64>}, {pipeline_mode = #tpu.pipeline_mode<synchronous>, transform_indices = @transform_1, window_bounds = array<i64: 776, 136>}, {transform_indices = @transform_2, window_bounds = array<i64: 4096, 16>}]} {
    %get3A = arith.constant 0 : index
    %get3A_0 = arith.constant 0 : index
    %get3A_1 = vector.load %arg1[%get3A, %get3A_0] : memref<4096x64xf32, #tpu.memory_space<vmem>>, vector<4096x64xf32>
    %broadcast_in_dim3A = arith.constant 1.000000e+00 : f32
    %broadcast_in_dim3A_2 = vector.broadcast %broadcast_in_dim3A : f32 to vector<4096x8xf32>
    %mul3A = arith.mulf %get3A_1, %get3A_1 : vector<4096x64xf32>
    %concatenate3A = tpu.concatenate %get3A_1, %mul3A, %broadcast_in_dim3A_2 in 1 : vector<4096x64xf32>, vector<4096x64xf32>, vector<4096x8xf32> -> vector<4096x136xf32>
    %get3A_3 = arith.constant 0 : index
    %get3A_4 = arith.constant 0 : index
    %get3A_5 = vector.load %arg2[%get3A_3, %get3A_4] : memref<776x136xf32, #tpu.memory_space<vmem>>, vector<776x136xf32>
    %dot_general3A = arith.constant dense<0.000000e+00> : vector<776x4096xf32>
    %dot_general3A_6 = tpu.matmul %get3A_5, %concatenate3A, %dot_general3A {dimension_numbers = #tpu.dot_dimension_numbers<[1], [1], [0], [0], [0, 0, 1, 0], [], []>, transpose_lhs_hint = false} : vector<776x136xf32>, vector<4096x136xf32>, vector<776x4096xf32> -> vector<776x4096xf32>
    %slice3A = vector.extract_strided_slice %dot_general3A_6 {offsets = [768, 0], sizes = [1, 4096], strides = [1, 1]} : vector<776x4096xf32> to vector<1x4096xf32>
    %slice3A_7 = vector.extract_strided_slice %dot_general3A_6 {offsets = [0, 0], sizes = [768, 4096], strides = [1, 1]} : vector<776x4096xf32> to vector<768x4096xf32>
    %reshape3A = vector.shape_cast %slice3A_7 : vector<768x4096xf32> to vector<12x64x4096xf32>
    %reduce_max3A = arith.constant dense<0xFF800000> : vector<12x4096xf32>
    %reduce_max3A_8 = vector.multi_reduction <maximumf>, %reshape3A, %reduce_max3A [1] : vector<12x64x4096xf32> to vector<12x4096xf32>
    %broadcast_in_dim3A_9 = vector.shape_cast %reduce_max3A_8 : vector<12x4096xf32> to vector<12x1x4096xf32>
    %sub3A = vector.broadcast %broadcast_in_dim3A_9 : vector<12x1x4096xf32> to vector<12x64x4096xf32>
    %sub3A_10 = arith.subf %reshape3A, %sub3A : vector<12x64x4096xf32>
    %exp23A = math.exp2 %sub3A_10 : vector<12x64x4096xf32>
    %reduce_sum3A = arith.constant dense<0.000000e+00> : vector<12x4096xf32>
    %reduce_sum3A_11 = vector.multi_reduction <add>, %exp23A, %reduce_sum3A [1] : vector<12x64x4096xf32> to vector<12x4096xf32>
    %log3A = math.log %reduce_sum3A_11 : vector<12x4096xf32>
    %log3A_12 = arith.constant 2.000000e+00 : f32
    %log3A_13 = math.log %log3A_12 : f32
    %div3A = vector.broadcast %log3A_13 : f32 to vector<12x4096xf32>
    %div3A_14 = arith.divf %log3A, %div3A : vector<12x4096xf32>
    %add3A = arith.addf %reduce_max3A_8, %div3A_14 : vector<12x4096xf32>
    %sub3A_15 = arith.constant 121.755524 : f32
    %sub3A_16 = vector.broadcast %sub3A_15 : f32 to vector<1x4096xf32>
    %sub3A_17 = arith.subf %sub3A_16, %slice3A : vector<1x4096xf32>
    %add3A_18 = vector.broadcast %sub3A_17 : vector<1x4096xf32> to vector<12x4096xf32>
    %add3A_19 = arith.addf %add3A, %add3A_18 : vector<12x4096xf32>
    %mul3A_20 = arith.constant 0.693147182 : f32
    %mul3A_21 = vector.broadcast %mul3A_20 : f32 to vector<12x4096xf32>
    %mul3A_22 = arith.mulf %add3A_19, %mul3A_21 : vector<12x4096xf32>
    %broadcast_in_dim3A_23 = arith.constant 0.000000e+00 : f32
    %broadcast_in_dim3A_24 = vector.broadcast %broadcast_in_dim3A_23 : f32 to vector<4x4096xf32>
    %concatenate3A_25 = tpu.concatenate %mul3A_22, %broadcast_in_dim3A_24 in 0 : vector<12x4096xf32>, vector<4x4096xf32> -> vector<16x4096xf32>
    %transpose3A = tpu.transpose %concatenate3A_25, [1, 0] : vector<16x4096xf32> -> vector<4096x16xf32>
    %swap3A = arith.constant 0 : index
    %swap3A_26 = arith.constant 0 : index
    %swap3A_27 = vector.load %arg3[%swap3A, %swap3A_26] : memref<4096x16xf32, #tpu.memory_space<vmem>>, vector<4096x16xf32>
    tpu.vector_store %arg3[%swap3A, %swap3A_26], %transpose3A {strides = array<i32>} : memref<4096x16xf32, #tpu.memory_space<vmem>>, vector<4096x16xf32>,
    return
  }
  func.func @transform_0(%arg0: i32) -> (i32, i32) {
    %c0_i32 = arith.constant 0 : i32
    %c0_i32_0 = arith.constant 0 : i32
    return %arg0, %c0_i32 : i32, i32
  }
  func.func @transform_1(%arg0: i32) -> (i32, i32) {
    %c0_i32 = arith.constant 0 : i32
    %c0_i32_0 = arith.constant 0 : i32
    %c0_i32_1 = arith.constant 0 : i32
    return %c0_i32, %c0_i32_0 : i32, i32
  }
  func.func @transform_2(%arg0: i32) -> (i32, i32) {
    %c0_i32 = arith.constant 0 : i32
    %c0_i32_0 = arith.constant 0 : i32
    return %arg0, %c0_i32 : i32, i32
  }
}

</mosaic_0001>

<sc_bundles>
// kernel: kernel.4.cloned.1.call-start
scs
__scs_entry_jumppad:
0x0: {  	(pc) =	sbr.rel $0x88, $3  }
0x1: {  	(tag) =	ssettag $0x0;
	lr =	simm.s32 $0x1  }
0x2: {  	[smem:$0x3F9F] =	sst lr;
	_ =	strace $0xD0000000  }
0x3: {  	_ = 	snop  }
0x4: {  	_ = 	snop  }
0x5: {  	_ = 	snop  }
0x6: {  	_ = 	snop  }
0x7: {  	_ = 	snop  }
__scs_overlays_trampoline_lowered:
0x8: {  	[smem:$0x3FAE] =	sst s0  }
0x9: {  	[smem:$0x3FAF] =	sst s1  }
0xa: {  	[smem:$0x3FB0] =	sst s2  }
0xb: {  	[smem:$0x3FB1] =	sst s3  }
0xc: {  	[smem:$0x3FB2] =	sst s4  }
0xd: {  	[smem:$0x3FB3] =	sst s5  }
0xe: {  	[smem:$0x3FB4] =	sst s6  }
0xf: {  	[smem:$0x3FB5] =	sst s7  }
0x10: {  	[smem:$0x3FB6] =	sst s8  }
0x11: {  	[smem:$0x3FB7] =	sst s9;
	s0 =	simm.s32 @!p0 $0x0  }
0x12: {  	s1 =	sld [smem:$0x3F9D];
	s0 =	simm.s32 @p0 $0x1  }
0x13: {  	[smem:$0x3FB8] =	sst s0;
	s0 =	simm.s32 @!p1 $0x0  }
0x14: {  	s2 =	sld [smem:$0x3F9C];
	s0 =	simm.s32 @p1 $0x1  }
0x15: {  	[smem:$0x3FB9] =	sst s0;
	s0 =	simm.s32 @!p2 $0x0  }
0x16: {  	s3 =	sld [smem:$0x3FDB];
	s0 =	simm.s32 @p2 $0x1  }
0x17: {  	s4 =	simm.s32 $0x1BF5;
	[smem:$0x3FBB] =	sst s0  }
0x18: {  	s0 =	sld [smem:$0x3F9E];
	_ =	swait.ge [sflag:s4], $0x0  }
0x19: {  	s7 =	sld [smem:$0x3F9F]  }
0x1a: {  	s8 =	sadd.s32 $0xFFFFE003, lr  }
0x1b: {  	s9 =	sadd.s32 $0xFFFFFEF7, lr;
	s5 =	simm.s32 $0xFFFFFFFF;
	p2 =	slt.u32 s8, $0xFFFFF086  }
0x1c: {  	p1 =	slt.u32 s9, $0xF7A;
	s5 =	simm.s32 @!p2 $0x0  }
0x1d: {  	s5 =	simm.s32 @p1 $0x1;
	p0 =	seq.s32 s7, s2  }
0x1e: {  	s7 =	smul.u32 @!p0 $0xF7A, s2;
	p2 =	seq.s32 @!p0 s5, $0x0  }
0x1f: {  	s9 =	smul.u32 $0xF7A, s1;
	s8 =	simm.s32 @!p0 $0x1BF5;
	p2 =	por !p2, p0  }
0x20: {  	[sflag:s8] =	ssyncset.s32 @!p0 $0xFFFFF086;
	s6 =	sadd.s32 @!p0 s3, s7;
	s7 =	simm.s32 @!p0 $0x108  }
0x21: {  	s3 =	sadd.s32 s3, s9;
	s6 =	sadd.s32 @!p0 $0x88, s6;
	s7 =	simm.s32 @p2 $0x1082  }
0x22: {  	[simem:s7], [sflag:s8] =	dma.local @!p0 [hbm:s6], $0xF7A  }
0x23: {  	s9 =	sor.u32 $0xD0000000, s2;
	s6 =	simm.s32 $0x108;
	_ =	swait.ge @!p0 [sflag:s8], $0x0  }
0x24: {  	s3 =	sadd.s32 $0x88, s3;
	s6 =	simm.s32 @!p1 $0x1082;
	[sflag:s4] =	ssyncset.s32 $0xFFFFF086  }
0x25: {  	[simem:s6], [sflag:s4] =	dma.local [hbm:s3], $0xF7A  }
0x26: {  	[smem:$0x3F9F] =	sst s1;
	(tag) =	ssettag s2;
	_ =	strace s9  }
0x27: {  	s1 =	sld [smem:$0x3FAF]  }
0x28: {  	s2 =	sld [smem:$0x3FB0]  }
0x29: {  	s4 =	sld [smem:$0x3FB2]  }
0x2a: {  	p0 =	seq.s32 s5, $0x0;
	s5 =	sld [smem:$0x3FB3]  }
0x2b: {  	s6 =	sld [smem:$0x3FB4]  }
0x2c: {  	s7 =	sld [smem:$0x3FB5]  }
0x2d: {  	s3 =	simm.s32 $0x108;
	s8 =	sld [smem:$0x3FB6]  }
0x2e: {  	s3 =	simm.s32 @!p0 $0x1082;
	s9 =	sld [smem:$0x3FB7]  }
0x2f: {  	lr =	sadd.s32 s0, s3;
	s0 =	sld [smem:$0x3FAE]  }
0x30: {  	s3 =	sld [smem:$0x3FB1]  }
0x31: {  	[smem:$0x3FBA] =	sst s10  }
0x32: {  	s10 =	sld [smem:$0x3FB8];
	_ =	sdelay $0x3  }
0x33: {  	p0 =	seq.s32 s10, $0x1;
	s10 =	sld [smem:$0x3FBA];
	_ =	sdelay $0x3  }
0x34: {  	[smem:$0x3FBA] =	sst s10  }
0x35: {  	s10 =	sld [smem:$0x3FB9];
	_ =	sdelay $0x3  }
0x36: {  	p1 =	seq.s32 s10, $0x1;
	s10 =	sld [smem:$0x3FBA];
	_ =	sdelay $0x3  }
0x37: {  	[smem:$0x3FBA] =	sst s10  }
0x38: {  	s10 =	sld [smem:$0x3FBB]  }
0x39: {  	_ = 	snop;
	(pc) =	sbr.ind lr, $3  }
0x3a: {  	_ = 	snop  }
0x3b: {  	_ = 	snop  }
0x3c: {  	p2 =	seq.s32 s10, $0x1;
	s10 =	sld [smem:$0x3FBA]  }
0x3d: {  	_ =	shalt  }
0x3e: {  	_ =	shalt  }
0x3f: {  	_ =	shalt  }
0x40: {  	_ =	shalt  }
0x41: {  	_ =	shalt  }
0x42: {  	_ =	shalt  }
0x43: {  	_ =	shalt  }
0x44: {  	_ =	shalt  }
0x45: {  	_ =	shalt  }
0x46: {  	_ =	shalt  }
0x47: {  	_ =	shalt  }
0x48: {  	_ =	shalt  }
0x49: {  	_ =	shalt  }
0x4a: {  	_ =	shalt  }
0x4b: {  	_ =	shalt  }
0x4c: {  	_ =	shalt  }
0x4d: {  	_ =	shalt  }
0x4e: {  	_ =	shalt  }
0x4f: {  	_ =	shalt  }
0x50: {  	_ =	shalt  }
0x51: {  	_ =	shalt  }
0x52: {  	_ =	shalt  }
0x53: {  	_ =	shalt  }
0x54: {  	_ =	shalt  }
0x55: {  	_ =	shalt  }
0x56: {  	_ =	shalt  }
0x57: {  	_ =	shalt  }
0x58: {  	_ =	shalt  }
0x59: {  	_ =	shalt  }
0x5a: {  	_ =	shalt  }
0x5b: {  	_ =	shalt  }
0x5c: {  	_ =	shalt  }
0x5d: {  	_ =	shalt  }
0x5e: {  	_ =	shalt  }
0x5f: {  	_ =	shalt  }
0x60: {  	_ =	shalt  }
0x61: {  	_ =	shalt  }
0x62: {  	_ =	shalt  }
0x63: {  	_ =	shalt  }
0x64: {  	_ =	shalt  }
0x65: {  	_ =	shalt  }
0x66: {  	_ =	shalt  }
0x67: {  	_ =	shalt  }
0x68: {  	_ =	shalt  }
0x69: {  	_ =	shalt  }
0x6a: {  	_ =	shalt  }
0x6b: {  	_ =	shalt  }
0x6c: {  	_ =	shalt  }
0x6d: {  	_ =	shalt  }
0x6e: {  	_ =	shalt  }
0x6f: {  	_ =	shalt  }
0x70: {  	_ =	shalt  }
0x71: {  	_ =	shalt  }
0x72: {  	_ =	shalt  }
0x73: {  	_ =	shalt  }
0x74: {  	_ =	shalt  }
0x75: {  	_ =	shalt  }
0x76: {  	_ =	shalt  }
0x77: {  	_ =	shalt  }
0x78: {  	_ =	shalt  }
0x79: {  	_ =	shalt  }
0x7a: {  	_ =	shalt  }
0x7b: {  	_ =	shalt  }
0x7c: {  	_ =	shalt  }
0x7d: {  	_ =	shalt  }
0x7e: {  	_ =	shalt  }
0x7f: {  	_ =	shalt  }
0x80: {  	_ =	shalt  }
0x81: {  	_ =	shalt  }
0x82: {  	_ =	shalt  }
0x83: {  	_ =	shalt  }
0x84: {  	_ =	shalt  }
0x85: {  	_ =	shalt  }
0x86: {  	_ =	shalt  }
0x87: {  	_ =	shalt  }
.Lfunc_end0:
.L_simem_size_0:
called_computation_lowered:
.L_overlay_start_0:
0x88: {  	s2 =	sld [smem:$0x3FD9]  }
0x89: {  	s3 =	sld [smem:$0x3FFE];
	_ =	sdelay $0x1  }
0x8a: {  	s1 =	srdreg.scid  }
0x8b: {  	s0 =	sand.u32 $0x1, s1  }
0x8c: {  	s17 =	sshll.u32 s0, $0xA;
	s2 =	sadd.s32 s3, s2  }
0x8d: {  	s2 =	sadd.s32 s2, s17  }
0x8e: {  	[smem:$0x3FC6] =	sst s2  }
0x8f: {  	_ = 	snop  }
0x90: {  	s2 =	sld [smem:$0x3FC8]  }
0x91: {  	s18 =	sld [smem:$0x3FD0];
	(tm) =	ssettm $0x1  }
0x92: {  	s4 =	sld [smem:$0x3FFB];
	_ =	sdelay $0x3  }
0x93: {  	_ =	strace s4  }
0x94: {  	s4 =	sld [smem:$0x3FFC];
	_ =	sdelay $0x3  }
0x95: {  	_ =	strace s4  }
0x96: {  	s4 =	sld [smem:$0x3FFD];
	_ =	sdelay $0x3  }
0x97: {  	_ =	strace s4  }
0x98: {  	_ =	strace $0x8FFFFFFF  }
0x99: {  	s19 =	sld [smem:$0x3FDB];
	_ =	sdelay $0x1  }
0x9a: {  	s5 =	simm.s32 $_scs_section_size  }
0x9b: {  	s6 =	simm.s32 $_size__tile_overlayer_lowered;
	s7 =	simm.s32 $_tile_overlayer_lowered  }
0x9c: {  	s22 =	simm.s32 $0x1BFF;
	s21 =	sshll.u32 s7, $0x1;
	s4 =	sadd.s32 s5, s19  }
0x9d: {  	s8 =	simm.s32 $0x0;
	s20 =	sshll.u32 s6, $0x1;
	s6 =	sadd.s32 s21, s4  }
0x9e: {  	[timem:s8], [sflag:s22] =	dma.local [hbm:s6], s20  }
0x9f: {  	_ =	swait.ge [sflag:s22], s20  }
0xa0: {  	s5 =	ssub.s32 $0x0, s20;
	[sflag:s22] =	ssyncset.done $0x0  }
0xa1: {  	[sflag:s22] =	ssyncadd.s32 s5;
	_ =	sdelay $0x1  }
0xa2: {  	s23 =	simm.s32 $0x1B8B  }
0xa3: {  	_ =	swait.ge [sflag:s23], $0x1  }
0xa4: {  	[sflag:s23] =	ssyncset.done $0x0  }
0xa5: {  	s25 =	simm.s32 $0x1B8E;
	s24 =	sld [smem:$0x3FFE];
	[sflag:s23] =	ssyncadd.s32 $0xFFFFFFFF  }
0xa6: {  	s26 =	simm.s32 $execute0_lowered;
	[smem:$0x3FD2] =	sst s25  }
0xa7: {  	s6 =	sshll.u32 s26, $0x1;
	_ =	strace $0x80000046;
	[dreg:$0x1] =	wrdreg $0xFFFFFFFF  }
0xa8: {  	s28 =	simm.s32 $_size_execute0_lowered;
	s4 =	sadd.s32 s4, s6;
	[dreg:$0x0] =	wrdreg $0x0  }
0xa9: {  	s6 =	sshll.u32 s28, $0x1;
	[dreg:$0x2] =	wrdreg s4  }
0xaa: {  	[dreg:$0x3] =	wrdreg s6  }
0xab: {  	[dreg:$0x4] =	wrdreg $0xC0  }
0xac: {  	_ =	task [dreg:s8], $0x5FFFF  }
0xad: {  	[dreg:$0x1] =	wrdreg $0xFFFFFFFF  }
0xae: {  	[dreg:$0x0] =	wrdreg $0x60  }
0xaf: {  	[dreg:$0x2] =	wrdreg s24  }
0xb0: {  	[dreg:$0x3] =	wrdreg s2  }
0xb1: {  	[dreg:$0x4] =	wrdreg s18  }
0xb2: {  	[dreg:$0x5] =	wrdreg $0x9  }
0xb3: {  	_ =	task.clear_ibuf [dreg:s8], $0x6FFFF;
	_ =	strace $0x90000046  }
0xb4: {  	s29 =	simm.s32 $0x9;
	_ =	strace $0x80000048  }
0xb5: {  	_ =	swait.ge [sflag:s29], $0x1  }
0xb6: {  	[sflag:s29] =	ssyncadd.s32 $0xFFFFFFFF  }
0xb7: {  	_ =	strace $0x90000048  }
0xb8: {  	_ =	sfence  }
0xb9: {  	s30 =	sld [smem:$0x0];
	_ =	sdelay $0x2  }
0xba: {  	s31 =	sshll.u32 s1, $0xD;
	s1 =	sshrl.u32 s1, $0x2  }
0xbb: {  	s3 =	sand.u32 $0x4000, s31;
	s1 =	sadd.s32 s1, s30  }
0xbc: {  	s0 =	sor.u32 s3, s0;
	s1 =	sshll.u32 s1, $0x11  }
0xbd: {  	s0 =	sor.u32 s1, s0  }
0xbe: {  	s0 =	sadd.s32 $0x8F2B, s0  }
0xbf: {  	[sflag:s0] =	ssyncadd.remote.s32 $0x1  }
0xc0: {  	_ =	sfence.sel $0xFFFF  }
0xc1: {  	[dreg:$0x0] =	wrdreg $0xFFFFFFFF;
	(pc) =	sbr.abs _section_cstart, $3  }
0xc2: {  	[dreg:$0x1] =	wrdreg $0xFFFFFFFF  }
0xc3: {  	_ =	task.clear_ibuf [dreg:s8], $0x2FFFF;
	_ =	strace $0x9FFFFFFF  }
0xc4: {  	(tm) =	ssettm $0x7FFFFFFF  }
0xc5: {  	_ =	shalt  }
tec
execute0_lowered:
.L_overlay_start_1:
0x0: {  	(tag) =	ssettag $0x1  }
0x1: {  	s4 =	rddreg [dreg:$0x0]  }
0x2: {  	s6 =	rddreg [dreg:$0x1];
	s1 =	srdreg.scid  }
0x3: {  	s0 =	stileid.u32;
	s7 =	rddreg [dreg:$0x2];
	s2 =	simm.s32 $0x0  }
0x4: {  	s12 =	simm.s32 $0x2200;
	s3 =	sand.u32 $0x1, s1;
	s1 =	rddreg [dreg:$0x3]  }
0x5: {  	s13 =	simm.s32 $0x0;
	s5 =	sshll.u32 s0, $0x1;
	[smem:$0x7FF] =	sst s2  }
0x6: {  	v0 =	vimm.s32 $0x0;
	s5 =	sor.u32 s3, s5;
	_ =	strace $0x80000047;
	s9 =	ssub.s32 $0x2, s3  }
0x7: {  	v1 =	vimm.s32 $0xF;
	v2 =	vimm.s32 $0x1;
	v3 =	vimm.s32 $0x2;
	s3 =	sadd.s32 $0x8C00, s4;
	s8 =	sshll.u32 s5, $0xA;
	s10 =	sshrl.u32 s9, $0x1  }
0x8: {  	v4 =	vimm.s32 $0x3;
	v5 =	vimm.s32 $0x4;
	v6 =	vimm.s32 $0x5;
	s11 =	smul.u32 $0x2400, s5;
	s31 =	sshll.u32 s5, $0x6;
	s8 =	sadd.s32 s8, s4  }
0x9: {  	v7 =	vimm.s32 $0x6;
	v8 =	vimm.s32 $0x7;
	v9 =	vimm.s32 $0x8;
	s4 =	sadd.s32 $0x8A00, s4;
	s9 =	ssub.s32 s9, s10;
	s6 =	sadd.s32 s6, s31  }
0xa: {  	v10 =	vimm.s32 $0x9;
	v11 =	vimm.s32 $0xA;
	v12 =	vimm.s32 $0xB;
	s10 =	simm.s32 $0x14200;
	s5 =	sadd.s32 $0xA00, s8;
	s7 =	sadd.s32 s7, s11  }
0xb: {  	v13 =	vimm.s32 $0xC;
	v14 =	vimm.s32 $0xD;
	v15 =	vimm.s32 $0xE;
	s8 =	smax.u32 s9, $0x1;
	s9 =	simm.s32 $0x1;
	s11 =	simm.s32 $0x14A00  }
.LBB2_1:
0xc: {  	[tilespmem:s2], [sflag:$0x1] =	stream.linear.gather [hbm4b:s5+s2], $0x2000, $0x38;
	[tilespmem:$0x15200] =	vst v63  }
0xd: {  	_ =	swait.ge [sflag:s9], $0x2000  }
0xe: {  	[sflag:s9] =	ssyncset.done $0x0  }
0xf: {  	s14 =	simm.s32 $0x2000;
	[sflag:s9] =	ssyncadd.s32 $0xFFFFE000  }
0x10: {  	[tilespmem:s14], [sflag:$0x1] =	stream.linear.gather [hbm4b:s6+s2], $0x200, $0x38;
	[tilespmem:$0x15200] =	vst v63  }
0x11: {  	_ =	swait.ge [sflag:s9], $0x200  }
0x12: {  	[sflag:s9] =	ssyncset.done $0x0  }
0x13: {  	[sflag:s9] =	ssyncadd.s32 $0xFFFFFE00  }
0x14: {  	[tilespmem:s10], [sflag:$0x1] =	stream.linear.gather [hbm4b:s3+s2], $0x480, $0x38;
	[tilespmem:$0x15200] =	vst v63  }
0x15: {  	_ =	swait.ge [sflag:s9], $0x480  }
0x16: {  	[sflag:s9] =	ssyncset.done $0x0  }
0x17: {  	[sflag:s9] =	ssyncadd.s32 $0xFFFFFB80  }
0x18: {  	[tilespmem:s11], [sflag:$0x1] =	stream.linear.gather [hbm4b:s4+s2], $0x480, $0x38;
	[tilespmem:$0x15200] =	vst v63  }
0x19: {  	_ =	swait.ge [sflag:s9], $0x480  }
0x1a: {  	[sflag:s9] =	ssyncset.done $0x0  }
0x1b: {  	[sflag:s9] =	ssyncadd.s32 $0xFFFFFB80  }
0x1c: {  	v16 =	vld [tilespmem:$0x14200]  }
0x1d: {  	v17 =	vld [tilespmem:$0x14280]  }
0x1e: {  	v18 =	vld [tilespmem:$0x14300]  }
0x1f: {  	v19 =	vld [tilespmem:$0x14380]  }
0x20: {  	v20 =	vld [tilespmem:$0x14400]  }
0x21: {  	v21 =	vld [tilespmem:$0x14480]  }
0x22: {  	v22 =	vld [tilespmem:$0x14500]  }
0x23: {  	v23 =	vld [tilespmem:$0x14580]  }
0x24: {  	v24 =	vld [tilespmem:$0x14600]  }
0x25: {  	v25 =	vld [tilespmem:$0x14A00]  }
0x26: {  	v26 =	vld [tilespmem:$0x14A80]  }
0x27: {  	v27 =	vld [tilespmem:$0x14B00]  }
0x28: {  	v28 =	vld [tilespmem:$0x14B80]  }
0x29: {  	v29 =	vld [tilespmem:$0x14C00]  }
0x2a: {  	v30 =	vld [tilespmem:$0x14C80]  }
0x2b: {  	v31 =	vld [tilespmem:$0x14D00]  }
0x2c: {  	v32 =	vld [tilespmem:$0x14D80]  }
0x2d: {  	v33 =	vld [tilespmem:$0x14E00];
	_ =	sdelay $0x2  }
0x2e: {  	v25 =	vsub.s32 v25, v16;
	v26 =	vsub.s32 v26, v17;
	v27 =	vsub.s32 v27, v18  }
0x2f: {  	v28 =	vsub.s32 v28, v19;
	v29 =	vsub.s32 v29, v20;
	v30 =	vsub.s32 v30, v21  }
0x30: {  	s15 =	simm.s32 $0x870;
	s16 =	simm.s32 $0x80;
	s17 =	simm.s32 $0x2670;
	v31 =	vsub.s32 v31, v22;
	v32 =	vsub.s32 v32, v23;
	v33 =	vsub.s32 v33, v24  }
.LBB2_2:
0x31: {  	v34 =	vld [tilespmem:s14+$0x0];
	_ =	sdelay $0x4  }
0x32: {  	v35 =	vld [tilespmem:s16+$0xFFFFFF80];
	v36 =	vperm.xlane v34, v0;
	_ =	sdelay $0x1  }
0x33: {  	v37 =	vmul.u32 v25, v36  }
0x34: {  	v38 =	vmul.u32 v26, v36  }
0x35: {  	v39 =	vmul.u32 v27, v36;
	v37 =	vadd.s32 v16, v37  }
0x36: {  	v40 =	vmul.u32 v28, v36;
	v38 =	vadd.s32 v17, v38;
	v37 =	vperm.xlane v35, v37  }
0x37: {  	v41 =	vmul.u32 v29, v36;
	v39 =	vadd.s32 v18, v39;
	v38 =	vperm.xlane v35, v38  }
0x38: {  	v57 =	vmul.u32 v30, v36;
	v56 =	vadd.s32 v19, v40;
	v55 =	vperm.xlane v35, v39;
	[tilespmem:s17+$0xFFFFFB90] =	vst v37  }
0x39: {  	v60 =	vmul.u32 v31, v36;
	v59 =	vadd.s32 v20, v41;
	v58 =	vperm.xlane v35, v56;
	[tilespmem:s17+$0xFFFFFBA0] =	vst v38  }
0x3a: {  	v63 =	vmul.u32 v32, v36;
	v62 =	vadd.s32 v21, v57;
	v61 =	vperm.xlane v35, v59;
	[tilespmem:s17+$0xFFFFFBB0] =	vst v55  }
0x3b: {  	v36 =	vmul.u32 v33, v36;
	v45 =	vadd.s32 v22, v60;
	v44 =	vperm.xlane v35, v62;
	[tilespmem:s17+$0xFFFFFBC0] =	vst v58  }
0x3c: {  	v47 =	vadd.s32 v23, v63;
	v46 =	vperm.xlane v35, v45;
	[tilespmem:s17+$0xFFFFFBD0] =	vst v61  }
0x3d: {  	v36 =	vadd.s32 v24, v36;
	v48 =	vperm.xlane v35, v47;
	[tilespmem:s17+$0xFFFFFBE0] =	vst v44  }
0x3e: {  	v35 =	vperm.xlane v35, v36;
	[tilespmem:s17+$0xFFFFFBF0] =	vst v46  }
0x3f: {  	[tilespmem:s17+$0xFFFFFC00] =	vst v48  }
0x40: {  	[tilespmem:s17+$0xFFFFFC10] =	vst v35  }
0x41: {  	v49 =	vperm.xlane v34, v2;
	v35 =	vld [tilespmem:s16+$0xFFFFFF90];
	_ =	sdelay $0x1  }
0x42: {  	v50 =	vmul.u32 v25, v49  }
0x43: {  	v51 =	vmul.u32 v26, v49  }
0x44: {  	v52 =	vmul.u32 v27, v49;
	v37 =	vadd.s32 v16, v50  }
0x45: {  	v53 =	vmul.u32 v28, v49;
	v38 =	vadd.s32 v17, v51;
	v37 =	vperm.xlane v35, v37  }
0x46: {  	v54 =	vmul.u32 v29, v49;
	v39 =	vadd.s32 v18, v52;
	v38 =	vperm.xlane v35, v38  }
0x47: {  	v57 =	vmul.u32 v30, v49;
	v56 =	vadd.s32 v19, v53;
	v55 =	vperm.xlane v35, v39;
	[tilespmem:s17+$0xFFFFFC20] =	vst v37  }
0x48: {  	v60 =	vmul.u32 v31, v49;
	v59 =	vadd.s32 v20, v54;
	v58 =	vperm.xlane v35, v56;
	[tilespmem:s17+$0xFFFFFC30] =	vst v38  }
0x49: {  	v63 =	vmul.u32 v32, v49;
	v62 =	vadd.s32 v21, v57;
	v61 =	vperm.xlane v35, v59;
	[tilespmem:s17+$0xFFFFFC40] =	vst v55  }
0x4a: {  	v36 =	vmul.u32 v33, v49;
	v45 =	vadd.s32 v22, v60;
	v44 =	vperm.xlane v35, v62;
	[tilespmem:s17+$0xFFFFFC50] =	vst v58  }
0x4b: {  	v47 =	vadd.s32 v23, v63;
	v46 =	vperm.xlane v35, v45;
	[tilespmem:s17+$0xFFFFFC60] =	vst v61  }
0x4c: {  	v36 =	vadd.s32 v24, v36;
	v48 =	vperm.xlane v35, v47;
	[tilespmem:s17+$0xFFFFFC70] =	vst v44  }
0x4d: {  	v35 =	vperm.xlane v35, v36;
	[tilespmem:s17+$0xFFFFFC80] =	vst v46  }
0x4e: {  	[tilespmem:s17+$0xFFFFFC90] =	vst v48  }
0x4f: {  	[tilespmem:s17+$0xFFFFFCA0] =	vst v35  }
0x50: {  	v49 =	vperm.xlane v34, v3;
	v35 =	vld [tilespmem:s16+$0xFFFFFFA0];
	_ =	sdelay $0x1  }
0x51: {  	v50 =	vmul.u32 v25, v49  }
0x52: {  	v51 =	vmul.u32 v26, v49  }
0x53: {  	v52 =	vmul.u32 v27, v49;
	v37 =	vadd.s32 v16, v50  }
0x54: {  	v53 =	vmul.u32 v28, v49;
	v38 =	vadd.s32 v17, v51;
	v37 =	vperm.xlane v35, v37  }
0x55: {  	v54 =	vmul.u32 v29, v49;
	v39 =	vadd.s32 v18, v52;
	v38 =	vperm.xlane v35, v38  }
0x56: {  	v57 =	vmul.u32 v30, v49;
	v56 =	vadd.s32 v19, v53;
	v55 =	vperm.xlane v35, v39;
	[tilespmem:s17+$0xFFFFFCB0] =	vst v37  }
0x57: {  	v60 =	vmul.u32 v31, v49;
	v59 =	vadd.s32 v20, v54;
	v58 =	vperm.xlane v35, v56;
	[tilespmem:s17+$0xFFFFFCC0] =	vst v38  }
0x58: {  	v63 =	vmul.u32 v32, v49;
	v62 =	vadd.s32 v21, v57;
	v61 =	vperm.xlane v35, v59;
	[tilespmem:s17+$0xFFFFFCD0] =	vst v55  }
0x59: {  	v45 =	vadd.s32 v22, v60;
	v36 =	vmul.u32 v33, v49;
	v44 =	vperm.xlane v35, v62;
	[tilespmem:s17+$0xFFFFFCE0] =	vst v58  }
0x5a: {  	v47 =	vadd.s32 v23, v63;
	v46 =	vperm.xlane v35, v45;
	[tilespmem:s17+$0xFFFFFCF0] =	vst v61  }
0x5b: {  	v36 =	vadd.s32 v24, v36;
	v48 =	vperm.xlane v35, v47;
	[tilespmem:s17+$0xFFFFFD00] =	vst v44  }
0x5c: {  	v35 =	vperm.xlane v35, v36;
	[tilespmem:s17+$0xFFFFFD10] =	vst v46  }
0x5d: {  	[tilespmem:s17+$0xFFFFFD20] =	vst v48  }
0x5e: {  	[tilespmem:s17+$0xFFFFFD30] =	vst v35  }
0x5f: {  	v49 =	vperm.xlane v34, v4;
	v35 =	vld [tilespmem:s16+$0xFFFFFFB0];
	_ =	sdelay $0x1  }
0x60: {  	v50 =	vmul.u32 v25, v49  }
0x61: {  	v51 =	vmul.u32 v26, v49  }
0x62: {  	v52 =	vmul.u32 v27, v49;
	v37 =	vadd.s32 v16, v50  }
0x63: {  	v53 =	vmul.u32 v28, v49;
	v38 =	vadd.s32 v17, v51;
	v37 =	vperm.xlane v35, v37  }
0x64: {  	v54 =	vmul.u32 v29, v49;
	v39 =	vadd.s32 v18, v52;
	v38 =	vperm.xlane v35, v38  }
0x65: {  	v57 =	vmul.u32 v30, v49;
	v56 =	vadd.s32 v19, v53;
	v55 =	vperm.xlane v35, v39;
	[tilespmem:s17+$0xFFFFFD40] =	vst v37  }
0x66: {  	v60 =	vmul.u32 v31, v49;
	v59 =	vadd.s32 v20, v54;
	v58 =	vperm.xlane v35, v56;
	[tilespmem:s17+$0xFFFFFD50] =	vst v38  }
0x67: {  	v63 =	vmul.u32 v32, v49;
	v62 =	vadd.s32 v21, v57;
	v61 =	vperm.xlane v35, v59;
	[tilespmem:s17+$0xFFFFFD60] =	vst v55  }
0x68: {  	v45 =	vadd.s32 v22, v60;
	v36 =	vmul.u32 v33, v49;
	v44 =	vperm.xlane v35, v62;
	[tilespmem:s17+$0xFFFFFD70] =	vst v58  }
0x69: {  	v47 =	vadd.s32 v23, v63;
	v46 =	vperm.xlane v35, v45;
	[tilespmem:s17+$0xFFFFFD80] =	vst v61  }
0x6a: {  	v36 =	vadd.s32 v24, v36;
	v48 =	vperm.xlane v35, v47;
	[tilespmem:s17+$0xFFFFFD90] =	vst v44  }
0x6b: {  	v35 =	vperm.xlane v35, v36;
	[tilespmem:s17+$0xFFFFFDA0] =	vst v46  }
0x6c: {  	[tilespmem:s17+$0xFFFFFDB0] =	vst v48  }
0x6d: {  	[tilespmem:s17+$0xFFFFFDC0] =	vst v35  }
0x6e: {  	v49 =	vperm.xlane v34, v5;
	v35 =	vld [tilespmem:s16+$0xFFFFFFC0];
	_ =	sdelay $0x1  }
0x6f: {  	v50 =	vmul.u32 v25, v49  }
0x70: {  	v51 =	vmul.u32 v26, v49  }
0x71: {  	v52 =	vmul.u32 v27, v49;
	v37 =	vadd.s32 v16, v50  }
0x72: {  	v53 =	vmul.u32 v28, v49;
	v38 =	vadd.s32 v17, v51;
	v37 =	vperm.xlane v35, v37  }
0x73: {  	v54 =	vmul.u32 v29, v49;
	v39 =	vadd.s32 v18, v52;
	v38 =	vperm.xlane v35, v38  }
0x74: {  	v57 =	vmul.u32 v30, v49;
	v56 =	vadd.s32 v19, v53;
	v55 =	vperm.xlane v35, v39;
	[tilespmem:s17+$0xFFFFFDD0] =	vst v37  }
0x75: {  	v60 =	vmul.u32 v31, v49;
	v59 =	vadd.s32 v20, v54;
	v58 =	vperm.xlane v35, v56;
	[tilespmem:s17+$0xFFFFFDE0] =	vst v38  }
0x76: {  	v63 =	vmul.u32 v32, v49;
	v62 =	vadd.s32 v21, v57;
	v61 =	vperm.xlane v35, v59;
	[tilespmem:s17+$0xFFFFFDF0] =	vst v55  }
0x77: {  	v45 =	vadd.s32 v22, v60;
	v36 =	vmul.u32 v33, v49;
	v44 =	vperm.xlane v35, v62;
	[tilespmem:s17+$0xFFFFFE00] =	vst v58  }
0x78: {  	v47 =	vadd.s32 v23, v63;
	v46 =	vperm.xlane v35, v45;
	[tilespmem:s17+$0xFFFFFE10] =	vst v61  }
0x79: {  	v36 =	vadd.s32 v24, v36;
	v48 =	vperm.xlane v35, v47;
	[tilespmem:s17+$0xFFFFFE20] =	vst v44  }
0x7a: {  	v35 =	vperm.xlane v35, v36;
	[tilespmem:s17+$0xFFFFFE30] =	vst v46  }
0x7b: {  	[tilespmem:s17+$0xFFFFFE40] =	vst v48  }
0x7c: {  	[tilespmem:s17+$0xFFFFFE50] =	vst v35  }
0x7d: {  	v49 =	vperm.xlane v34, v6;
	v35 =	vld [tilespmem:s16+$0xFFFFFFD0];
	_ =	sdelay $0x1  }
0x7e: {  	v50 =	vmul.u32 v25, v49  }
0x7f: {  	v51 =	vmul.u32 v26, v49  }
0x80: {  	v52 =	vmul.u32 v27, v49;
	v37 =	vadd.s32 v16, v50  }
0x81: {  	v53 =	vmul.u32 v28, v49;
	v38 =	vadd.s32 v17, v51;
	v37 =	vperm.xlane v35, v37  }
0x82: {  	v54 =	vmul.u32 v29, v49;
	v39 =	vadd.s32 v18, v52;
	v38 =	vperm.xlane v35, v38  }
0x83: {  	v57 =	vmul.u32 v30, v49;
	v56 =	vadd.s32 v19, v53;
	v55 =	vperm.xlane v35, v39;
	[tilespmem:s17+$0xFFFFFE60] =	vst v37  }
0x84: {  	v60 =	vmul.u32 v31, v49;
	v59 =	vadd.s32 v20, v54;
	v58 =	vperm.xlane v35, v56;
	[tilespmem:s17+$0xFFFFFE70] =	vst v38  }
0x85: {  	v63 =	vmul.u32 v32, v49;
	v62 =	vadd.s32 v21, v57;
	v61 =	vperm.xlane v35, v59;
	[tilespmem:s17+$0xFFFFFE80] =	vst v55  }
0x86: {  	v45 =	vadd.s32 v22, v60;
	v36 =	vmul.u32 v33, v49;
	v44 =	vperm.xlane v35, v62;
	[tilespmem:s17+$0xFFFFFE90] =	vst v58  }
0x87: {  	v47 =	vadd.s32 v23, v63;
	v46 =	vperm.xlane v35, v45;
	[tilespmem:s17+$0xFFFFFEA0] =	vst v61  }
0x88: {  	v36 =	vadd.s32 v24, v36;
	v48 =	vperm.xlane v35, v47;
	[tilespmem:s17+$0xFFFFFEB0] =	vst v44  }
0x89: {  	v35 =	vperm.xlane v35, v36;
	[tilespmem:s17+$0xFFFFFEC0] =	vst v46  }
0x8a: {  	[tilespmem:s17+$0xFFFFFED0] =	vst v48  }
0x8b: {  	[tilespmem:s17+$0xFFFFFEE0] =	vst v35  }
0x8c: {  	v49 =	vperm.xlane v34, v7;
	v35 =	vld [tilespmem:s16+$0xFFFFFFE0];
	_ =	sdelay $0x1  }
0x8d: {  	v50 =	vmul.u32 v25, v49  }
0x8e: {  	v51 =	vmul.u32 v26, v49  }
0x8f: {  	v52 =	vmul.u32 v27, v49;
	v37 =	vadd.s32 v16, v50  }
0x90: {  	v53 =	vmul.u32 v28, v49;
	v38 =	vadd.s32 v17, v51;
	v37 =	vperm.xlane v35, v37  }
0x91: {  	v54 =	vmul.u32 v29, v49;
	v39 =	vadd.s32 v18, v52;
	v38 =	vperm.xlane v35, v38  }
0x92: {  	v57 =	vmul.u32 v30, v49;
	v56 =	vadd.s32 v19, v53;
	v55 =	vperm.xlane v35, v39;
	[tilespmem:s17+$0xFFFFFEF0] =	vst v37  }
0x93: {  	v60 =	vmul.u32 v31, v49;
	v59 =	vadd.s32 v20, v54;
	v58 =	vperm.xlane v35, v56;
	[tilespmem:s17+$0xFFFFFF00] =	vst v38  }
0x94: {  	v63 =	vmul.u32 v32, v49;
	v62 =	vadd.s32 v21, v57;
	v61 =	vperm.xlane v35, v59;
	[tilespmem:s17+$0xFFFFFF10] =	vst v55  }
0x95: {  	v45 =	vadd.s32 v22, v60;
	v36 =	vmul.u32 v33, v49;
	v44 =	vperm.xlane v35, v62;
	[tilespmem:s17+$0xFFFFFF20] =	vst v58  }
0x96: {  	v47 =	vadd.s32 v23, v63;
	v46 =	vperm.xlane v35, v45;
	[tilespmem:s17+$0xFFFFFF30] =	vst v61  }
0x97: {  	v36 =	vadd.s32 v24, v36;
	v48 =	vperm.xlane v35, v47;
	[tilespmem:s17+$0xFFFFFF40] =	vst v44  }
0x98: {  	v35 =	vperm.xlane v35, v36;
	[tilespmem:s17+$0xFFFFFF50] =	vst v46  }
0x99: {  	[tilespmem:s17+$0xFFFFFF60] =	vst v48  }
0x9a: {  	[tilespmem:s17+$0xFFFFFF70] =	vst v35  }
0x9b: {  	v49 =	vperm.xlane v34, v8;
	v35 =	vld [tilespmem:s16+$0xFFFFFFF0];
	_ =	sdelay $0x1  }
0x9c: {  	v50 =	vmul.u32 v25, v49  }
0x9d: {  	v51 =	vmul.u32 v26, v49  }
0x9e: {  	v52 =	vmul.u32 v27, v49;
	v37 =	vadd.s32 v16, v50  }
0x9f: {  	v53 =	vmul.u32 v28, v49;
	v38 =	vadd.s32 v17, v51;
	v37 =	vperm.xlane v35, v37  }
0xa0: {  	v54 =	vmul.u32 v29, v49;
	v39 =	vadd.s32 v18, v52;
	v38 =	vperm.xlane v35, v38  }
0xa1: {  	v57 =	vmul.u32 v30, v49;
	v56 =	vadd.s32 v19, v53;
	v55 =	vperm.xlane v35, v39;
	[tilespmem:s17+$0xFFFFFF80] =	vst v37  }
0xa2: {  	v60 =	vmul.u32 v31, v49;
	v59 =	vadd.s32 v20, v54;
	v58 =	vperm.xlane v35, v56;
	[tilespmem:s17+$0xFFFFFF90] =	vst v38  }
0xa3: {  	v63 =	vmul.u32 v32, v49;
	v62 =	vadd.s32 v21, v57;
	v61 =	vperm.xlane v35, v59;
	[tilespmem:s17+$0xFFFFFFA0] =	vst v55  }
0xa4: {  	v45 =	vadd.s32 v22, v60;
	v36 =	vmul.u32 v33, v49;
	v44 =	vperm.xlane v35, v62;
	[tilespmem:s17+$0xFFFFFFB0] =	vst v58  }
0xa5: {  	v47 =	vadd.s32 v23, v63;
	v46 =	vperm.xlane v35, v45;
	[tilespmem:s17+$0xFFFFFFC0] =	vst v61  }
0xa6: {  	v36 =	vadd.s32 v24, v36;
	v48 =	vperm.xlane v35, v47;
	[tilespmem:s17+$0xFFFFFFD0] =	vst v44  }
0xa7: {  	v35 =	vperm.xlane v35, v36;
	[tilespmem:s17+$0xFFFFFFE0] =	vst v46  }
0xa8: {  	[tilespmem:s17+$0xFFFFFFF0] =	vst v48  }
0xa9: {  	[tilespmem:s17+$0x0] =	vst v35  }
0xaa: {  	v49 =	vperm.xlane v34, v9;
	v35 =	vld [tilespmem:s16+$0x0];
	_ =	sdelay $0x1  }
0xab: {  	v50 =	vmul.u32 v25, v49  }
0xac: {  	v51 =	vmul.u32 v26, v49  }
0xad: {  	v52 =	vmul.u32 v27, v49;
	v37 =	vadd.s32 v16, v50  }
0xae: {  	v53 =	vmul.u32 v28, v49;
	v38 =	vadd.s32 v17, v51;
	v37 =	vperm.xlane v35, v37  }
0xaf: {  	v54 =	vmul.u32 v29, v49;
	v39 =	vadd.s32 v18, v52;
	v38 =	vperm.xlane v35, v38  }
0xb0: {  	v57 =	vmul.u32 v30, v49;
	v56 =	vadd.s32 v19, v53;
	v55 =	vperm.xlane v35, v39;
	[tilespmem:s17+$0x10] =	vst v37  }
0xb1: {  	v60 =	vmul.u32 v31, v49;
	v59 =	vadd.s32 v20, v54;
	v58 =	vperm.xlane v35, v56;
	[tilespmem:s17+$0x20] =	vst v38  }
0xb2: {  	v63 =	vmul.u32 v32, v49;
	v62 =	vadd.s32 v21, v57;
	v61 =	vperm.xlane v35, v59;
	[tilespmem:s17+$0x30] =	vst v55  }
0xb3: {  	v45 =	vadd.s32 v22, v60;
	v36 =	vmul.u32 v33, v49;
	v44 =	vperm.xlane v35, v62;
	[tilespmem:s17+$0x40] =	vst v58  }
0xb4: {  	v47 =	vadd.s32 v23, v63;
	v46 =	vperm.xlane v35, v45;
	[tilespmem:s17+$0x50] =	vst v61  }
0xb5: {  	v36 =	vadd.s32 v24, v36;
	v48 =	vperm.xlane v35, v47;
	[tilespmem:s17+$0x60] =	vst v44  }
0xb6: {  	v35 =	vperm.xlane v35, v36;
	[tilespmem:s17+$0x70] =	vst v46  }
0xb7: {  	[tilespmem:s17+$0x80] =	vst v48  }
0xb8: {  	[tilespmem:s17+$0x90] =	vst v35  }
0xb9: {  	v49 =	vperm.xlane v34, v10;
	v35 =	vld [tilespmem:s16+$0x10];
	_ =	sdelay $0x1  }
0xba: {  	v50 =	vmul.u32 v25, v49  }
0xbb: {  	v51 =	vmul.u32 v26, v49  }
0xbc: {  	v52 =	vmul.u32 v27, v49;
	v37 =	vadd.s32 v16, v50  }
0xbd: {  	v53 =	vmul.u32 v28, v49;
	v38 =	vadd.s32 v17, v51;
	v37 =	vperm.xlane v35, v37  }
0xbe: {  	v54 =	vmul.u32 v29, v49;
	v39 =	vadd.s32 v18, v52;
	v38 =	vperm.xlane v35, v38  }
0xbf: {  	s18 =	sadd.s32 $0xFFFFFCA0, s15;
	v57 =	vmul.u32 v30, v49;
	v56 =	vadd.s32 v19, v53;
	v55 =	vperm.xlane v35, v39;
	[tilespmem:s17+$0xA0] =	vst v37  }
0xc0: {  	s19 =	sor.u32 $0x30, s18;
	v60 =	vmul.u32 v31, v49;
	v59 =	vadd.s32 v20, v54;
	v58 =	vperm.xlane v35, v56;
	[tilespmem:s17+$0xB0] =	vst v38  }
0xc1: {  	v63 =	vmul.u32 v32, v49;
	v62 =	vadd.s32 v21, v57;
	v61 =	vperm.xlane v35, v59;
	[tilespmem:s19+$0x2200] =	vst v55  }
0xc2: {  	s25 =	sor.u32 $0x50, s18;
	v45 =	vadd.s32 v22, v60;
	v36 =	vmul.u32 v33, v49;
	v44 =	vperm.xlane v35, v62;
	[tilespmem:s17+$0xD0] =	vst v58  }
0xc3: {  	v47 =	vadd.s32 v23, v63;
	v46 =	vperm.xlane v35, v45;
	[tilespmem:s25+$0x2200] =	vst v61  }
0xc4: {  	s26 =	sor.u32 $0x70, s18;
	v36 =	vadd.s32 v24, v36;
	v48 =	vperm.xlane v35, v47;
	[tilespmem:s17+$0xF0] =	vst v44  }
0xc5: {  	v35 =	vperm.xlane v35, v36;
	[tilespmem:s26+$0x2200] =	vst v46  }
0xc6: {  	s18 =	sor.u32 $0x90, s18;
	[tilespmem:s17+$0x110] =	vst v48  }
0xc7: {  	[tilespmem:s18+$0x2200] =	vst v35  }
0xc8: {  	v49 =	vperm.xlane v34, v11;
	v35 =	vld [tilespmem:s16+$0x20];
	_ =	sdelay $0x1  }
0xc9: {  	v50 =	vmul.u32 v25, v49  }
0xca: {  	v51 =	vmul.u32 v26, v49  }
0xcb: {  	v52 =	vmul.u32 v27, v49;
	v37 =	vadd.s32 v16, v50  }
0xcc: {  	v53 =	vmul.u32 v28, v49;
	v38 =	vadd.s32 v17, v51;
	v37 =	vperm.xlane v35, v37  }
0xcd: {  	s28 =	sadd.s32 $0xFFFFFD30, s15;
	v54 =	vmul.u32 v29, v49;
	v39 =	vadd.s32 v18, v52;
	v38 =	vperm.xlane v35, v38  }
0xce: {  	s29 =	sor.u32 $0x30, s28;
	v57 =	vmul.u32 v30, v49;
	v56 =	vadd.s32 v19, v53;
	v55 =	vperm.xlane v35, v39;
	[tilespmem:s17+$0x130] =	vst v37  }
0xcf: {  	s30 =	sadd.s32 $0xFFFFFD50, s15;
	v60 =	vmul.u32 v31, v49;
	v59 =	vadd.s32 v20, v54;
	v58 =	vperm.xlane v35, v56;
	[tilespmem:s29+$0x2200] =	vst v38  }
0xd0: {  	v63 =	vmul.u32 v32, v49;
	v62 =	vadd.s32 v21, v57;
	s19 =	sor.u32 $0x50, s30;
	v61 =	vperm.xlane v35, v59;
	[tilespmem:s17+$0x150] =	vst v55  }
0xd1: {  	s31 =	sor.u32 $0x60, s28;
	v45 =	vadd.s32 v22, v60;
	v36 =	vmul.u32 v33, v49;
	v44 =	vperm.xlane v35, v62;
	[tilespmem:s19+$0x2200] =	vst v58  }
0xd2: {  	v47 =	vadd.s32 v23, v63;
	s18 =	sor.u32 $0x70, s28;
	v46 =	vperm.xlane v35, v45;
	[tilespmem:s31+$0x2200] =	vst v61  }
0xd3: {  	v36 =	vadd.s32 v24, v36;
	v48 =	vperm.xlane v35, v47;
	[tilespmem:s18+$0x2200] =	vst v44  }
0xd4: {  	v35 =	vperm.xlane v35, v36;
	[tilespmem:s17+$0x190] =	vst v46  }
0xd5: {  	[tilespmem:s17+$0x1A0] =	vst v48  }
0xd6: {  	[tilespmem:s17+$0x1B0] =	vst v35  }
0xd7: {  	v49 =	vperm.xlane v34, v12;
	v35 =	vld [tilespmem:s16+$0x30];
	_ =	sdelay $0x1  }
0xd8: {  	v50 =	vmul.u32 v25, v49  }
0xd9: {  	v51 =	vmul.u32 v26, v49  }
0xda: {  	v52 =	vmul.u32 v27, v49;
	v37 =	vadd.s32 v16, v50  }
0xdb: {  	v53 =	vmul.u32 v28, v49;
	v38 =	vadd.s32 v17, v51;
	v37 =	vperm.xlane v35, v37  }
0xdc: {  	v54 =	vmul.u32 v29, v49;
	v39 =	vadd.s32 v18, v52;
	v38 =	vperm.xlane v35, v38  }
0xdd: {  	v57 =	vmul.u32 v30, v49;
	v56 =	vadd.s32 v19, v53;
	v55 =	vperm.xlane v35, v39;
	[tilespmem:s17+$0x1C0] =	vst v37  }
0xde: {  	v60 =	vmul.u32 v31, v49;
	v59 =	vadd.s32 v20, v54;
	v58 =	vperm.xlane v35, v56;
	[tilespmem:s17+$0x1D0] =	vst v38  }
0xdf: {  	s20 =	sadd.s32 $0xFFFFFDC0, s15;
	v63 =	vmul.u32 v32, v49;
	v62 =	vadd.s32 v21, v57;
	v61 =	vperm.xlane v35, v59;
	[tilespmem:s17+$0x1E0] =	vst v55  }
0xe0: {  	s21 =	sor.u32 $0x70, s20;
	v45 =	vadd.s32 v22, v60;
	v36 =	vmul.u32 v33, v49;
	v44 =	vperm.xlane v35, v62;
	[tilespmem:s17+$0x1F0] =	vst v58  }
0xe1: {  	v47 =	vadd.s32 v23, v63;
	v46 =	vperm.xlane v35, v45;
	[tilespmem:s21+$0x2200] =	vst v61  }
0xe2: {  	v36 =	vadd.s32 v24, v36;
	v48 =	vperm.xlane v35, v47;
	[tilespmem:s17+$0x210] =	vst v44  }
0xe3: {  	v35 =	vperm.xlane v35, v36;
	[tilespmem:s17+$0x220] =	vst v46  }
0xe4: {  	s18 =	sor.u32 $0xB0, s20;
	[tilespmem:s17+$0x230] =	vst v48  }
0xe5: {  	[tilespmem:s18+$0x2200] =	vst v35  }
0xe6: {  	v49 =	vperm.xlane v34, v13;
	v35 =	vld [tilespmem:s16+$0x40];
	_ =	sdelay $0x1  }
0xe7: {  	v50 =	vmul.u32 v25, v49  }
0xe8: {  	v51 =	vmul.u32 v26, v49  }
0xe9: {  	v52 =	vmul.u32 v27, v49;
	v37 =	vadd.s32 v16, v50  }
0xea: {  	v53 =	vmul.u32 v28, v49;
	v38 =	vadd.s32 v17, v51;
	v37 =	vperm.xlane v35, v37  }
0xeb: {  	s22 =	sadd.s32 $0xFFFFFE50, s15;
	v54 =	vmul.u32 v29, v49;
	v39 =	vadd.s32 v18, v52;
	v38 =	vperm.xlane v35, v38  }
0xec: {  	s23 =	sor.u32 $0x50, s22;
	v57 =	vmul.u32 v30, v49;
	v56 =	vadd.s32 v19, v53;
	v55 =	vperm.xlane v35, v39;
	[tilespmem:s17+$0x250] =	vst v37  }
0xed: {  	s24 =	sor.u32 $0x60, s22;
	v60 =	vmul.u32 v31, v49;
	v59 =	vadd.s32 v20, v54;
	v58 =	vperm.xlane v35, v56;
	[tilespmem:s23+$0x2200] =	vst v38  }
0xee: {  	v63 =	vmul.u32 v32, v49;
	v62 =	vadd.s32 v21, v57;
	s18 =	sor.u32 $0x70, s22;
	v61 =	vperm.xlane v35, v59;
	[tilespmem:s24+$0x2200] =	vst v55  }
0xef: {  	v45 =	vadd.s32 v22, v60;
	v36 =	vmul.u32 v33, v49;
	v44 =	vperm.xlane v35, v62;
	[tilespmem:s18+$0x2200] =	vst v58  }
0xf0: {  	v47 =	vadd.s32 v23, v63;
	v46 =	vperm.xlane v35, v45;
	[tilespmem:s17+$0x290] =	vst v61  }
0xf1: {  	v36 =	vadd.s32 v24, v36;
	v48 =	vperm.xlane v35, v47;
	[tilespmem:s17+$0x2A0] =	vst v44  }
0xf2: {  	v35 =	vperm.xlane v35, v36;
	[tilespmem:s17+$0x2B0] =	vst v46  }
0xf3: {  	[tilespmem:s17+$0x2C0] =	vst v48  }
0xf4: {  	[tilespmem:s17+$0x2D0] =	vst v35  }
0xf5: {  	v49 =	vperm.xlane v34, v14;
	v35 =	vld [tilespmem:s16+$0x50];
	_ =	sdelay $0x1  }
0xf6: {  	v50 =	vmul.u32 v25, v49  }
0xf7: {  	v51 =	vmul.u32 v26, v49  }
0xf8: {  	v52 =	vmul.u32 v27, v49;
	v37 =	vadd.s32 v16, v50  }
0xf9: {  	v53 =	vmul.u32 v28, v49;
	v38 =	vadd.s32 v17, v51;
	v37 =	vperm.xlane v35, v37  }
0xfa: {  	v54 =	vmul.u32 v29, v49;
	v39 =	vadd.s32 v18, v52;
	v38 =	vperm.xlane v35, v38  }
0xfb: {  	s25 =	sadd.s32 $0xFFFFFEE0, s15;
	v57 =	vmul.u32 v30, v49;
	v56 =	vadd.s32 v19, v53;
	v55 =	vperm.xlane v35, v39;
	[tilespmem:s17+$0x2E0] =	vst v37  }
0xfc: {  	s26 =	sor.u32 $0x70, s25;
	v60 =	vmul.u32 v31, v49;
	v59 =	vadd.s32 v20, v54;
	v58 =	vperm.xlane v35, v56;
	[tilespmem:s17+$0x2F0] =	vst v38  }
0xfd: {  	v63 =	vmul.u32 v32, v49;
	v62 =	vadd.s32 v21, v57;
	v61 =	vperm.xlane v35, v59;
	[tilespmem:s26+$0x2200] =	vst v55  }
0xfe: {  	v43 =	vadd.s32 v22, v60;
	v36 =	vmul.u32 v33, v49;
	v42 =	vperm.xlane v35, v62;
	[tilespmem:s17+$0x310] =	vst v58  }
0xff: {  	v45 =	vadd.s32 v23, v63;
	v44 =	vperm.xlane v35, v43;
	[tilespmem:s17+$0x320] =	vst v61  }
0x100: {  	v36 =	vadd.s32 v24, v36;
	v46 =	vperm.xlane v35, v45;
	[tilespmem:s17+$0x330] =	vst v42  }
0x101: {  	v35 =	vperm.xlane v35, v36;
	[tilespmem:s17+$0x340] =	vst v44  }
0x102: {  	s18 =	sor.u32 $0xD0, s25;
	[tilespmem:s17+$0x350] =	vst v46  }
0x103: {  	[tilespmem:s18+$0x2200] =	vst v35  }
0x104: {  	v47 =	vperm.xlane v34, v15;
	v35 =	vld [tilespmem:s16+$0x60];
	_ =	sdelay $0x1  }
0x105: {  	v48 =	vmul.u32 v25, v47  }
0x106: {  	v49 =	vmul.u32 v26, v47  }
0x107: {  	v50 =	vmul.u32 v27, v47;
	v37 =	vadd.s32 v16, v48  }
0x108: {  	v51 =	vmul.u32 v28, v47;
	v38 =	vadd.s32 v17, v49;
	v37 =	vperm.xlane v35, v37  }
0x109: {  	s28 =	sadd.s32 $0xFFFFFF70, s15;
	v52 =	vmul.u32 v29, v47;
	v39 =	vadd.s32 v18, v50;
	v38 =	vperm.xlane v35, v38  }
0x10a: {  	s29 =	sor.u32 $0x70, s28;
	v54 =	vadd.s32 v19, v51;
	v55 =	vmul.u32 v30, v47;
	v53 =	vperm.xlane v35, v39;
	[tilespmem:s17+$0x370] =	vst v37  }
0x10b: {  	v57 =	vadd.s32 v20, v52;
	v58 =	vmul.u32 v31, v47;
	v56 =	vperm.xlane v35, v54;
	[tilespmem:s29+$0x2200] =	vst v38  }
0x10c: {  	v61 =	vmul.u32 v32, v47;
	v60 =	vadd.s32 v21, v55;
	v59 =	vperm.xlane v35, v57;
	[tilespmem:s17+$0x390] =	vst v53  }
0x10d: {  	v36 =	vmul.u32 v33, v47;
	v63 =	vadd.s32 v22, v58;
	v62 =	vperm.xlane v35, v60;
	[tilespmem:s17+$0x3A0] =	vst v56  }
0x10e: {  	s18 =	sor.u32 $0x30, s28;
	v43 =	vadd.s32 v23, v61;
	v42 =	vperm.xlane v35, v63;
	[tilespmem:s17+$0x3B0] =	vst v59  }
0x10f: {  	s30 =	sadd.s32 $0xFFFFFFD0, s15;
	v36 =	vadd.s32 v24, v36;
	v44 =	vperm.xlane v35, v43;
	[tilespmem:s18+$0x2240] =	vst v62  }
0x110: {  	v35 =	vperm.xlane v35, v36;
	s18 =	sor.u32 $0x50, s30;
	[tilespmem:s17+$0x3D0] =	vst v42  }
0x111: {  	[tilespmem:s18+$0x2200] =	vst v44  }
0x112: {  	[tilespmem:s17+$0x3F0] =	vst v35  }
0x113: {  	v34 =	vperm.xlane v34, v1;
	v35 =	vld [tilespmem:s16+$0x70];
	_ =	sdelay $0x1  }
0x114: {  	v45 =	vmul.u32 v25, v34  }
0x115: {  	v46 =	vmul.u32 v26, v34  }
0x116: {  	v47 =	vmul.u32 v27, v34;
	v36 =	vadd.s32 v16, v45  }
0x117: {  	v48 =	vmul.u32 v28, v34;
	v37 =	vadd.s32 v17, v46;
	v36 =	vperm.xlane v35, v36  }
0x118: {  	v49 =	vmul.u32 v29, v34;
	v38 =	vadd.s32 v18, v47;
	v37 =	vperm.xlane v35, v37  }
0x119: {  	v52 =	vmul.u32 v30, v34;
	v51 =	vadd.s32 v19, v48;
	v50 =	vperm.xlane v35, v38;
	[tilespmem:s17+$0x400] =	vst v36  }
0x11a: {  	v55 =	vmul.u32 v31, v34;
	v54 =	vadd.s32 v20, v49;
	v53 =	vperm.xlane v35, v51;
	[tilespmem:s17+$0x410] =	vst v37  }
0x11b: {  	v58 =	vmul.u32 v32, v34;
	v57 =	vadd.s32 v21, v52;
	v56 =	vperm.xlane v35, v54;
	[tilespmem:s17+$0x420] =	vst v50  }
0x11c: {  	p0 =	sne.s32 s15, $0x11F70;
	v34 =	vmul.u32 v33, v34;
	v60 =	vadd.s32 v22, v55;
	v59 =	vperm.xlane v35, v57;
	[tilespmem:s17+$0x430] =	vst v53  }
.Ltmp0:
0x11d: {  	v62 =	vadd.s32 v23, v58;
	v61 =	vperm.xlane v35, v60;
	[tilespmem:s17+$0x440] =	vst v56;
	(pc) =	sbr.rel @p0 .LBB2_2-.Ltmp0, $4  }
0x11e: {  	v34 =	vadd.s32 v24, v34;
	v63 =	vperm.xlane v35, v62;
	[tilespmem:s17+$0x450] =	vst v59  }
0x11f: {  	v34 =	vperm.xlane v35, v34;
	[tilespmem:s17+$0x460] =	vst v61  }
0x120: {  	s14 =	sadd.s32 $0x10, s14;
	s31 =	sor.u32 $0xF0, s15;
	[tilespmem:s17+$0x470] =	vst v63  }
0x121: {  	s15 =	sadd.s32 $0x900, s15;
	s16 =	sadd.s32 $0x100, s16;
	s17 =	sadd.s32 $0x900, s17;
	[tilespmem:s31+$0x2200] =	vst v34  }
0x122: {  	s13 =	sadd.s32 $0x1, s13  }
0x123: {  	p0 =	sne.s32 s13, s8  }
.Ltmp1:
0x124: {  	_ = 	snop;
	(pc) =	sbr.rel @p0 .LBB2_1-.Ltmp1, $4  }
0x125: {  	[hbm4b:s7+s2] =	stream.linear.scatter [tilespmem:s12], [sflag:$0x1], $0x12000, $0x38;
	[tilespmem:$0x15200] =	vst v63  }
0x126: {  	_ =	swait.ge [sflag:s9], $0x12000  }
0x127: {  	[sflag:s9] =	ssyncset.done $0x0  }
0x128: {  	[sflag:s9] =	ssyncadd.s32 $0xFFFEE000  }
0x129: {  	_ =	sfence.sel $0x180000  }
0x12a: {  	[bflag:$0x0] =	sbarrier.arrive $0xFFFF  }
0x12b: {  	p0 =	sne.s32 s0, $0x0;
	_ =	strace $0x90000047  }
0x12c: {  	s0 =	sadd.s32 @!p0 $0x100000, s1;
	[bflag:$0x2] =	sbarrier.arrive $0xFFFF  }
0x12d: {  	[sflag:s0] =	ssyncadd.tile.s32 @!p0 $0x1;
	_ =	shalt  }
.Lfunc_end2:
_tile_overlayer_lowered:
.L_overlay_start_2:
0x12e: {  	(tag) =	ssettag $0x2  }
0x12f: {  	s0 =	rddreg [dreg:$0x0];
	s2 =	stileid.u32  }
0x130: {  	s1 =	rddreg [dreg:$0x1];
	p0 =	sne.s32 s2, $0x0  }
0x131: {  	s3 =	rddreg [dreg:$0x2];
	[bflag:$0x3] =	sbarrier.arrive $0xFFFF;
	s2 =	simm.s32 @!p0 $0x1C01  }
0x132: {  	[timem:s3], [sflag:s2] =	dma.local @!p0 [hbm:s0], s1  }
0x133: {  	s0 =	simm.s32 @!p0 $0x1  }
0x134: {  	_ =	swait.ge @!p0 [sflag:s0], s1  }
0x135: {  	s1 =	ssub.s32 @!p0 $0x0, s1;
	[sflag:s0] =	ssyncset.done @!p0 $0x0  }
0x136: {  	[sflag:s0] =	ssyncadd.s32 @!p0 s1  }
0x137: {  	[bflag:$0x3] =	sbarrier.arrive $0xFFFF  }
0x138: {  	_ =	shalt  }

</sc_bundles>
